<compile_context>
chip_gen: v7x
topology: tpu7x:2x2x1
jax: 0.10.2.dev20260603
libtpu: 0.0.44.dev20260713+nightly
codegen_flags: <defaults>
</compile_context>

<pallas_src>
import functools

import jax
import jax.numpy as jnp
from jax import lax
from jax.experimental import pallas as pl
from jax.experimental.pallas import tpu as pltpu
from jax.experimental.pallas import tpu_sc as plsc

NUM_EMB = 1024
EMB_DIM = 64
GROUPS = 16
TOTAL_DIM = GROUPS * EMB_DIM
N_TOK = 9216
BN = 256

SC_WORKERS = 32
CHUNK = 128
ROWS_PER_W = N_TOK * GROUPS // SC_WORKERS
NCHUNKS = ROWS_PER_W // CHUNK
TOK_PER_CHUNK = CHUNK // GROUPS


def _tc_argmin_kernel(x_ref, xsq_ref, w_ref, wsq_ref, idx_ref, gidx_ref,
                      loss_ref):
    pid = pl.program_id(0)
    nblocks = pl.num_programs(0)
    loss_part = jnp.float32(0.0)
    for g in range(GROUPS):
        xg = x_ref[:, g * EMB_DIM:(g + 1) * EMB_DIM]
        wg = w_ref[g]
        scores = lax.dot_general(
            xg, wg, (((1,), (1,)), ((), ())),
            preferred_element_type=jnp.float32)
        dist = (xsq_ref[:, g:g + 1] + wsq_ref[g:g + 1, :]) - 2.0 * scores
        minv = jnp.min(dist, axis=1, keepdims=True)
        iota = lax.broadcasted_iota(jnp.int32, (BN, NUM_EMB), 1)
        idx_col = jnp.min(jnp.where(dist == minv, iota, NUM_EMB),
                          axis=1, keepdims=True)
        idx_ref[:, g:g + 1] = idx_col
        gidx_ref[:, g:g + 1] = idx_col + g * NUM_EMB
        loss_part = loss_part + jnp.sum(minv)

    prev = jnp.where(pid == 0, jnp.zeros((1, 1), jnp.float32), loss_ref[:, :])
    loss_ref[:, :] = prev + loss_part


def _sc_gather_body(gidx_hbm, wflat_hbm, out_hbm,
                    idx_a, idx_b, rows_a, rows_b, ov, sem_a, sem_b):
    nc = 2
    wid = lax.axis_index("s") * nc + lax.axis_index("c")

    def fetch(c, idx_v, rows_v, sem):
        cm = lax.rem(c, NCHUNKS)
        base = wid * ROWS_PER_W + cm * CHUNK
        pltpu.sync_copy(gidx_hbm.at[pl.ds(base, CHUNK)], idx_v)
        return pltpu.async_copy(wflat_hbm.at[idx_v], rows_v, sem)

    def repack_store(c, rows_v):
        tok = wid * (ROWS_PER_W // GROUPS) + c * TOK_PER_CHUNK

        def row_body(xr, carry_in):
            for rr in range(GROUPS):
                xc = rr * EMB_DIM
                r = xr * GROUPS + rr
                for j in range(EMB_DIM // 16):
                    ov[xr, pl.ds(xc + j * 16, 16)] = (
                        rows_v[r, pl.ds(j * 16, 16)])
            return carry_in

        lax.fori_loop(0, TOK_PER_CHUNK, row_body, jnp.int32(0))
        pltpu.sync_copy(ov, out_hbm.at[pl.ds(tok, TOK_PER_CHUNK), :])

    fetch(0, idx_a, rows_a, sem_a).wait()

    def pair_body(i, carry):
        c0 = 2 * i
        cp_b = fetch(c0 + 1, idx_b, rows_b, sem_b)
        repack_store(c0, rows_a)
        cp_b.wait()
        cp_a = fetch(c0 + 2, idx_a, rows_a, sem_a)
        repack_store(c0 + 1, rows_b)
        cp_a.wait()
        return carry

    lax.fori_loop(0, NCHUNKS // 2, pair_body, jnp.int32(0))


def kernel(inputs, embed_weights):
    input_shape = inputs.shape
    flat = inputs.reshape(-1, TOTAL_DIM)
    n = flat.shape[0]
    nblocks = n // BN

    grouped = flat.reshape(-1, GROUPS, EMB_DIM)
    norms = jnp.linalg.norm(grouped, axis=2, keepdims=True)
    den = jnp.repeat((norms + 1e-6).reshape(n, GROUPS), EMB_DIM, axis=1)
    x2d = flat / den
    x_sq = jnp.sum(x2d.reshape(-1, GROUPS, EMB_DIM) ** 2, axis=2)
    w_sq = jnp.sum(embed_weights**2, axis=2)

    idx, gidx, loss = pl.pallas_call(
        _tc_argmin_kernel,
        grid=(nblocks,),
        in_specs=[
            pl.BlockSpec((BN, TOTAL_DIM), lambda i: (i, 0)),
            pl.BlockSpec((BN, GROUPS), lambda i: (i, 0)),
            pl.BlockSpec((GROUPS, NUM_EMB, EMB_DIM), lambda i: (0, 0, 0)),
            pl.BlockSpec((GROUPS, NUM_EMB), lambda i: (0, 0)),
        ],
        out_specs=[
            pl.BlockSpec((BN, GROUPS), lambda i: (i, 0)),
            pl.BlockSpec((BN, GROUPS), lambda i: (i, 0)),
            pl.BlockSpec((1, 1), lambda i: (0, 0)),
        ],
        out_shape=[
            jax.ShapeDtypeStruct((n, GROUPS), jnp.int32),
            jax.ShapeDtypeStruct((n, GROUPS), jnp.int32),
            jax.ShapeDtypeStruct((1, 1), jnp.float32),
        ],
    )(x2d, x_sq, embed_weights, w_sq)

    gidx_flat = gidx.reshape(n * GROUPS)
    w_flat = embed_weights.reshape(GROUPS * NUM_EMB, EMB_DIM)
    w_pad = jnp.pad(w_flat, ((0, 0), (0, 128 - EMB_DIM)))

    mesh = plsc.VectorSubcoreMesh(core_axis_name="c", subcore_axis_name="s")
    sc_gather = functools.partial(
        pl.kernel,
        mesh=mesh,
        out_type=[
            jax.ShapeDtypeStruct((n, TOTAL_DIM), jnp.float32),
        ],
        scratch_types=[
            pltpu.VMEM((CHUNK,), jnp.int32),
            pltpu.VMEM((CHUNK,), jnp.int32),
            pltpu.VMEM((CHUNK, 128), jnp.float32),
            pltpu.VMEM((CHUNK, 128), jnp.float32),
            pltpu.VMEM((TOK_PER_CHUNK, TOTAL_DIM), jnp.float32),
            pltpu.SemaphoreType.DMA,
            pltpu.SemaphoreType.DMA,
        ],
    )(_sc_gather_body)
    (out,) = sc_gather(gidx_flat, w_pad)

    quantized_out = out.reshape(input_shape)
    indices_out = idx.reshape(*input_shape[:-1], GROUPS)
    scale = 1.25 / (GROUPS * N_TOK * EMB_DIM)
    total_loss = loss[0, 0] * scale
    return (quantized_out, total_loss, indices_out)

# --- scband reference (transcript-rebuilt; emitter-appended) ---
"""Pipeline reference for scband-vector-quantizer-56745107914922 (READ-ONLY COPY).

The authoritative reference and input builder live on the scoring server;
editing this copy changes nothing except your own understanding.
"""

import jax, jax.numpy as jnp
import numpy as np

NUM_EMBEDDINGS = 1024
EMBEDDING_DIM = 64
TOTAL_DIM = 1024
NUM_GROUPS = TOTAL_DIM // EMBEDDING_DIM
COMMITMENT_COST = 0.25


def setup_inputs(seed: int = 0) -> dict:
    key = jax.random.key(seed)
    k1, k2 = jax.random.split(key)
    inputs = jax.random.normal(k1, (16, 576, TOTAL_DIM), dtype=jnp.float32)
    # per-group codebooks, init uniform(-1/K, 1/K) like nn.Embedding init in the module
    embed_weights = jax.random.uniform(
        k2, (NUM_GROUPS, NUM_EMBEDDINGS, EMBEDDING_DIM),
        minval=-1.0 / NUM_EMBEDDINGS, maxval=1.0 / NUM_EMBEDDINGS, dtype=jnp.float32)
    return {"inputs": inputs, "embed_weights": embed_weights}


def reference(inputs, embed_weights):
    input_shape = inputs.shape
    flat_input = inputs.reshape(-1, input_shape[-1])
    G, K, D = embed_weights.shape
    grouped = flat_input.reshape(-1, G, D)  # [N, G, D]
    # normalize each group's vector
    norms = jnp.linalg.norm(grouped, axis=2, keepdims=True)
    x = grouped / (norms + 1e-6)  # [N, G, D]
    # squared L2 distances to each codebook entry per group: [N, G, K]
    x_sq = jnp.sum(x ** 2, axis=2, keepdims=True)  # [N, G, 1]
    w_sq = jnp.sum(embed_weights ** 2, axis=2)  # [G, K]
    xw = jnp.einsum('ngd,gkd->ngk', x, embed_weights)  # [N, G, K]
    distances = x_sq + w_sq[None, :, :] - 2.0 * xw
    encoding_indices = jnp.argmin(distances, axis=2)  # [N, G] int
    # gather quantized vectors: quant[n, g] = embed_weights[g, idx[n, g]]
    quantized = embed_weights[jnp.arange(G)[None, :], encoding_indices]  # [N, G, D]
    # per-group losses, averaged over groups (matches torch loop + /num_groups)
    e_latent = jnp.mean((jax.lax.stop_gradient(quantized) - x) ** 2, axis=(0, 2))  # [G]
    q_latent = jnp.mean((quantized - jax.lax.stop_gradient(x)) ** 2, axis=(0, 2))  # [G]
    total_loss = jnp.sum(q_latent + COMMITMENT_COST * e_latent) / G
    # straight-through estimator
    quantized_ste = x + jax.lax.stop_gradient(quantized - x)
    quantized_out = quantized_ste.reshape(input_shape)
    indices_out = encoding_indices.reshape(*input_shape[:-1], G)
    return (quantized_out, total_loss, indices_out)

if __name__ == "__main__":
    import jax
    _d = setup_inputs()
    print(jax.jit(kernel)(*tuple(_d.values())))

</pallas_src>

<mosaic_0001>
#map = affine_map<(d0, d1) -> (0)>
#map1 = affine_map<(d0, d1) -> (0, 0)>
module attributes {stable_mosaic.version = 14 : i64} {
  func.func @_sc_gather_body(%arg0: i32, %arg1: i32, %arg2: memref<147456xi32, #tpu.memory_space<hbm>>, %arg3: memref<16384x128xf32, #tpu.memory_space<hbm>>, %arg4: memref<9216x1024xf32, #tpu.memory_space<hbm>>, %arg5: memref<128xi32, #tpu.memory_space<vmem>>, %arg6: memref<128xi32, #tpu.memory_space<vmem>>, %arg7: memref<128x128xf32, #tpu.memory_space<vmem>>, %arg8: memref<128x128xf32, #tpu.memory_space<vmem>>, %arg9: memref<8x1024xf32, #tpu.memory_space<vmem>>, %arg10: memref<!tpu.dma_semaphore, #tpu.memory_space<semaphore_mem>>, %arg11: memref<!tpu.dma_semaphore, #tpu.memory_space<semaphore_mem>>) attributes {dimension_semantics = [#tpu.dimension_semantics<core_parallel>, #tpu.dimension_semantics<subcore_parallel>], iteration_bounds = array<i64: 2, 16>, scalar_prefetch = 0 : i64, scratch_operands = 7 : i64, tpu.core_type = #tpu.core_type<sc_vector_subcore>, window_params = [{transform_indices = #map}, {transform_indices = #map1}, {transform_indices = #map1}]} {
    %mul3A = arith.constant 2 : i32
    %mul3A_0 = arith.muli %arg1, %mul3A : i32
    %add3A = arith.addi %mul3A_0, %arg0 : i32
    %rem3A = arith.constant 0 : i32
    %rem3A_1 = arith.constant 36 : i32
    %rem3A_2 = arith.remsi %rem3A, %rem3A_1 : i32
    %mul3A_3 = arith.constant 4608 : i32
    %mul3A_4 = arith.muli %add3A, %mul3A_3 : i32
    %mul3A_5 = arith.constant 128 : i32
    %mul3A_6 = arith.muli %rem3A_2, %mul3A_5 : i32
    %add3A_7 = arith.addi %mul3A_4, %mul3A_6 : i32
    "tpu.region"() ({
      %run_scoped3A = tpu.sem_alloc : memref<!tpu.dma_semaphore, #tpu.memory_space<semaphore_mem>>
      %dma_start3A_17 = tpu.memref_slice %arg2[%add3A_7] : memref<147456xi32, #tpu.memory_space<hbm>> -> memref<128xi32, #tpu.memory_space<hbm>>
      %dma_start3A_18 = tpu.memref_slice %arg2[%add3A_7] : memref<147456xi32, #tpu.memory_space<hbm>> -> memref<128xi32, #tpu.memory_space<hbm>>
      tpu.enqueue_dma source(%dma_start3A_18 : memref<128xi32, #tpu.memory_space<hbm>>) target(%arg5 : memref<128xi32, #tpu.memory_space<vmem>>) target_semaphore(%run_scoped3A : memref<!tpu.dma_semaphore, #tpu.memory_space<semaphore_mem>>)
      %dma_wait3A_19 = tpu.memref_slice %arg2[%add3A_7] : memref<147456xi32, #tpu.memory_space<hbm>> -> memref<128xi32, #tpu.memory_space<hbm>>
      %dma_wait3A_20 = tpu.memref_slice %arg2[%add3A_7] : memref<147456xi32, #tpu.memory_space<hbm>> -> memref<128xi32, #tpu.memory_space<hbm>>
      tpu.wait_dma2 semaphore(%run_scoped3A : memref<!tpu.dma_semaphore, #tpu.memory_space<semaphore_mem>>) src(%dma_wait3A_20 : memref<128xi32, #tpu.memory_space<hbm>>) dst(%arg5 : memref<128xi32, #tpu.memory_space<vmem>>)
      tpu.yield
    }) : () -> ()
    %dma_start3A = arith.constant 0 : i32
    %dma_start3A_8 = arith.constant 0 : i32
    %dma_start3A_9 = tpu.memref_slice %arg3[%dma_start3A, %dma_start3A_8] : memref<16384x128xf32, #tpu.memory_space<hbm>> -> memref<16384x128xf32, #tpu.memory_space<hbm>>
    tpu.enqueue_indirect_dma source(%dma_start3A_9 : memref<16384x128xf32, #tpu.memory_space<hbm>>) target(%arg7 : memref<128x128xf32, #tpu.memory_space<vmem>>) offsets(%arg5 : memref<128xi32, #tpu.memory_space<vmem>>) semaphore(%arg10 : memref<!tpu.dma_semaphore, #tpu.memory_space<semaphore_mem>>)
    %dma_wait3A = arith.constant 0 : i32
    %dma_wait3A_10 = arith.constant 0 : i32
    %dma_wait3A_11 = tpu.memref_slice %arg3[%dma_wait3A, %dma_wait3A_10] : memref<16384x128xf32, #tpu.memory_space<hbm>> -> memref<16384x128xf32, #tpu.memory_space<hbm>>
    tpu.wait_indirect_dma semaphore(%arg10 : memref<!tpu.dma_semaphore, #tpu.memory_space<semaphore_mem>>) src(%dma_wait3A_11 : memref<16384x128xf32, #tpu.memory_space<hbm>>) dst(%arg7 : memref<128x128xf32, #tpu.memory_space<vmem>>)
    %scan3A = arith.constant 0 : i32
    %scan3A_12 = arith.constant 0 : i32
    %scan3A_13 = arith.constant 18 : i32
    %scan3A_14 = arith.addi %scan3A_12, %scan3A_13 : i32
    %scan3A_15 = arith.constant 1 : i32
    scf.for %scan3A_17 = %scan3A_12 to %scan3A_14 step %scan3A_15  : i32 {
      %mul3A_18 = arith.constant 2 : i32
      %mul3A_19 = arith.muli %mul3A_18, %scan3A_17 : i32
      %add3A_20 = arith.constant 1 : i32
      %add3A_21 = arith.addi %mul3A_19, %add3A_20 : i32
      %rem3A_22 = arith.constant 36 : i32
      %rem3A_23 = arith.remsi %add3A_21, %rem3A_22 : i32
      %mul3A_24 = arith.constant 4608 : i32
      %mul3A_25 = arith.muli %add3A, %mul3A_24 : i32
      %mul3A_26 = arith.constant 128 : i32
      %mul3A_27 = arith.muli %rem3A_23, %mul3A_26 : i32
      %add3A_28 = arith.addi %mul3A_25, %mul3A_27 : i32
      "tpu.region"() ({
        %run_scoped3A = tpu.sem_alloc : memref<!tpu.dma_semaphore, #tpu.memory_space<semaphore_mem>>
        %dma_start3A_74 = tpu.memref_slice %arg2[%add3A_28] : memref<147456xi32, #tpu.memory_space<hbm>> -> memref<128xi32, #tpu.memory_space<hbm>>
        %dma_start3A_75 = tpu.memref_slice %arg2[%add3A_28] : memref<147456xi32, #tpu.memory_space<hbm>> -> memref<128xi32, #tpu.memory_space<hbm>>
        tpu.enqueue_dma source(%dma_start3A_75 : memref<128xi32, #tpu.memory_space<hbm>>) target(%arg6 : memref<128xi32, #tpu.memory_space<vmem>>) target_semaphore(%run_scoped3A : memref<!tpu.dma_semaphore, #tpu.memory_space<semaphore_mem>>)
        %dma_wait3A_76 = tpu.memref_slice %arg2[%add3A_28] : memref<147456xi32, #tpu.memory_space<hbm>> -> memref<128xi32, #tpu.memory_space<hbm>>
        %dma_wait3A_77 = tpu.memref_slice %arg2[%add3A_28] : memref<147456xi32, #tpu.memory_space<hbm>> -> memref<128xi32, #tpu.memory_space<hbm>>
        tpu.wait_dma2 semaphore(%run_scoped3A : memref<!tpu.dma_semaphore, #tpu.memory_space<semaphore_mem>>) src(%dma_wait3A_77 : memref<128xi32, #tpu.memory_space<hbm>>) dst(%arg6 : memref<128xi32, #tpu.memory_space<vmem>>)
        tpu.yield
      }) : () -> ()
      %dma_start3A_29 = arith.constant 0 : i32
      %dma_start3A_30 = arith.constant 0 : i32
      %dma_start3A_31 = tpu.memref_slice %arg3[%dma_start3A_29, %dma_start3A_30] : memref<16384x128xf32, #tpu.memory_space<hbm>> -> memref<16384x128xf32, #tpu.memory_space<hbm>>
      tpu.enqueue_indirect_dma source(%dma_start3A_31 : memref<16384x128xf32, #tpu.memory_space<hbm>>) target(%arg8 : memref<128x128xf32, #tpu.memory_space<vmem>>) offsets(%arg6 : memref<128xi32, #tpu.memory_space<vmem>>) semaphore(%arg11 : memref<!tpu.dma_semaphore, #tpu.memory_space<semaphore_mem>>)
      %mul3A_32 = arith.constant 288 : i32
      %mul3A_33 = arith.muli %add3A, %mul3A_32 : i32
      %mul3A_34 = arith.constant 8 : i32
      %mul3A_35 = arith.muli %mul3A_19, %mul3A_34 : i32
      %add3A_36 = arith.addi %mul3A_33, %mul3A_35 : i32
      %scan3A_37 = arith.constant 0 : i32
      %scan3A_38 = arith.constant 0 : i32
      %scan3A_39 = arith.constant 8 : i32
      %scan3A_40 = arith.addi %scan3A_38, %scan3A_39 : i32
      %scan3A_41 = arith.constant 1 : i32
      scf.for %scan3A_74 = %scan3A_38 to %scan3A_40 step %scan3A_41  : i32 {
        %mul3A_75 = arith.constant 16 : i32
        %mul3A_76 = arith.muli %scan3A_74, %mul3A_75 : i32
        %add3A_77 = arith.constant 0 : i32
        %add3A_78 = arith.addi %mul3A_76, %add3A_77 : i32
        %get3A = arith.index_cast %add3A_78 : i32 to index
        %get3A_79 = arith.constant 0 : index
        %get3A_80 = tpu.vector_load %arg7[%get3A, %get3A_79] {strides = array<i32>} : memref<128x128xf32, #tpu.memory_space<vmem>>, vector<1x16xf32>,
        %get3A_81 = vector.shape_cast %get3A_80 : vector<1x16xf32> to vector<16xf32>
        %swap3A = arith.index_cast %scan3A_74 : i32 to index
        %swap3A_82 = arith.constant 0 : index
        %swap3A_83 = tpu.vector_load %arg9[%swap3A, %swap3A_82] {strides = array<i32>} : memref<8x1024xf32, #tpu.memory_space<vmem>>, vector<1x16xf32>,
        %swap3A_84 = vector.shape_cast %swap3A_83 : vector<1x16xf32> to vector<16xf32>
        %swap3A_85 = vector.shape_cast %get3A_81 : vector<16xf32> to vector<1x16xf32>
        tpu.vector_store %arg9[%swap3A, %swap3A_82], %swap3A_85 {strides = array<i32>} : memref<8x1024xf32, #tpu.memory_space<vmem>>, vector<1x16xf32>,
        %get3A_86 = arith.index_cast %add3A_78 : i32 to index
        %get3A_87 = arith.constant 16 : index
        %get3A_88 = tpu.vector_load %arg7[%get3A_86, %get3A_87] {strides = array<i32>} : memref<128x128xf32, #tpu.memory_space<vmem>>, vector<1x16xf32>,
        %get3A_89 = vector.shape_cast %get3A_88 : vector<1x16xf32> to vector<16xf32>
        %swap3A_90 = arith.index_cast %scan3A_74 : i32 to index
        %swap3A_91 = arith.constant 16 : index
        %swap3A_92 = tpu.vector_load %arg9[%swap3A_90, %swap3A_91] {strides = array<i32>} : memref<8x1024xf32, #tpu.memory_space<vmem>>, vector<1x16xf32>,
        %swap3A_93 = vector.shape_cast %swap3A_92 : vector<1x16xf32> to vector<16xf32>
        %swap3A_94 = vector.shape_cast %get3A_89 : vector<16xf32> to vector<1x16xf32>
        tpu.vector_store %arg9[%swap3A_90, %swap3A_91], %swap3A_94 {strides = array<i32>} : memref<8x1024xf32, #tpu.memory_space<vmem>>, vector<1x16xf32>,
        %get3A_95 = arith.index_cast %add3A_78 : i32 to index
        %get3A_96 = arith.constant 32 : index
        %get3A_97 = tpu.vector_load %arg7[%get3A_95, %get3A_96] {strides = array<i32>} : memref<128x128xf32, #tpu.memory_space<vmem>>, vector<1x16xf32>,
        %get3A_98 = vector.shape_cast %get3A_97 : vector<1x16xf32> to vector<16xf32>
        %swap3A_99 = arith.index_cast %scan3A_74 : i32 to index
        %swap3A_100 = arith.constant 32 : index
        %swap3A_101 = tpu.vector_load %arg9[%swap3A_99, %swap3A_100] {strides = array<i32>} : memref<8x1024xf32, #tpu.memory_space<vmem>>, vector<1x16xf32>,
        %swap3A_102 = vector.shape_cast %swap3A_101 : vector<1x16xf32> to vector<16xf32>
        %swap3A_103 = vector.shape_cast %get3A_98 : vector<16xf32> to vector<1x16xf32>
        tpu.vector_store %arg9[%swap3A_99, %swap3A_100], %swap3A_103 {strides = array<i32>} : memref<8x1024xf32, #tpu.memory_space<vmem>>, vector<1x16xf32>,
        %get3A_104 = arith.index_cast %add3A_78 : i32 to index
        %get3A_105 = arith.constant 48 : index
        %get3A_106 = tpu.vector_load %arg7[%get3A_104, %get3A_105] {strides = array<i32>} : memref<128x128xf32, #tpu.memory_space<vmem>>, vector<1x16xf32>,
        %get3A_107 = vector.shape_cast %get3A_106 : vector<1x16xf32> to vector<16xf32>
        %swap3A_108 = arith.index_cast %scan3A_74 : i32 to index
        %swap3A_109 = arith.constant 48 : index
        %swap3A_110 = tpu.vector_load %arg9[%swap3A_108, %swap3A_109] {strides = array<i32>} : memref<8x1024xf32, #tpu.memory_space<vmem>>, vector<1x16xf32>,
        %swap3A_111 = vector.shape_cast %swap3A_110 : vector<1x16xf32> to vector<16xf32>
        %swap3A_112 = vector.shape_cast %get3A_107 : vector<16xf32> to vector<1x16xf32>
        tpu.vector_store %arg9[%swap3A_108, %swap3A_109], %swap3A_112 {strides = array<i32>} : memref<8x1024xf32, #tpu.memory_space<vmem>>, vector<1x16xf32>,
        %mul3A_113 = arith.constant 16 : i32
        %mul3A_114 = arith.muli %scan3A_74, %mul3A_113 : i32
        %add3A_115 = arith.constant 1 : i32
        %add3A_116 = arith.addi %mul3A_114, %add3A_115 : i32
        %get3A_117 = arith.index_cast %add3A_116 : i32 to index
        %get3A_118 = arith.constant 0 : index
        %get3A_119 = tpu.vector_load %arg7[%get3A_117, %get3A_118] {strides = array<i32>} : memref<128x128xf32, #tpu.memory_space<vmem>>, vector<1x16xf32>,
        %get3A_120 = vector.shape_cast %get3A_119 : vector<1x16xf32> to vector<16xf32>
        %swap3A_121 = arith.index_cast %scan3A_74 : i32 to index
        %swap3A_122 = arith.constant 64 : index
        %swap3A_123 = tpu.vector_load %arg9[%swap3A_121, %swap3A_122] {strides = array<i32>} : memref<8x1024xf32, #tpu.memory_space<vmem>>, vector<1x16xf32>,
        %swap3A_124 = vector.shape_cast %swap3A_123 : vector<1x16xf32> to vector<16xf32>
        %swap3A_125 = vector.shape_cast %get3A_120 : vector<16xf32> to vector<1x16xf32>
        tpu.vector_store %arg9[%swap3A_121, %swap3A_122], %swap3A_125 {strides = array<i32>} : memref<8x1024xf32, #tpu.memory_space<vmem>>, vector<1x16xf32>,
        %get3A_126 = arith.index_cast %add3A_116 : i32 to index
        %get3A_127 = arith.constant 16 : index
        %get3A_128 = tpu.vector_load %arg7[%get3A_126, %get3A_127] {strides = array<i32>} : memref<128x128xf32, #tpu.memory_space<vmem>>, vector<1x16xf32>,
        %get3A_129 = vector.shape_cast %get3A_128 : vector<1x16xf32> to vector<16xf32>
        %swap3A_130 = arith.index_cast %scan3A_74 : i32 to index
        %swap3A_131 = arith.constant 80 : index
        %swap3A_132 = tpu.vector_load %arg9[%swap3A_130, %swap3A_131] {strides = array<i32>} : memref<8x1024xf32, #tpu.memory_space<vmem>>, vector<1x16xf32>,
        %swap3A_133 = vector.shape_cast %swap3A_132 : vector<1x16xf32> to vector<16xf32>
        %swap3A_134 = vector.shape_cast %get3A_129 : vector<16xf32> to vector<1x16xf32>
        tpu.vector_store %arg9[%swap3A_130, %swap3A_131], %swap3A_134 {strides = array<i32>} : memref<8x1024xf32, #tpu.memory_space<vmem>>, vector<1x16xf32>,
        %get3A_135 = arith.index_cast %add3A_116 : i32 to index
        %get3A_136 = arith.constant 32 : index
        %get3A_137 = tpu.vector_load %arg7[%get3A_135, %get3A_136] {strides = array<i32>} : memref<128x128xf32, #tpu.memory_space<vmem>>, vector<1x16xf32>,
        %get3A_138 = vector.shape_cast %get3A_137 : vector<1x16xf32> to vector<16xf32>
        %swap3A_139 = arith.index_cast %scan3A_74 : i32 to index
        %swap3A_140 = arith.constant 96 : index
        %swap3A_141 = tpu.vector_load %arg9[%swap3A_139, %swap3A_140] {strides = array<i32>} : memref<8x1024xf32, #tpu.memory_space<vmem>>, vector<1x16xf32>,
        %swap3A_142 = vector.shape_cast %swap3A_141 : vector<1x16xf32> to vector<16xf32>
        %swap3A_143 = vector.shape_cast %get3A_138 : vector<16xf32> to vector<1x16xf32>
        tpu.vector_store %arg9[%swap3A_139, %swap3A_140], %swap3A_143 {strides = array<i32>} : memref<8x1024xf32, #tpu.memory_space<vmem>>, vector<1x16xf32>,
        %get3A_144 = arith.index_cast %add3A_116 : i32 to index
        %get3A_145 = arith.constant 48 : index
        %get3A_146 = tpu.vector_load %arg7[%get3A_144, %get3A_145] {strides = array<i32>} : memref<128x128xf32, #tpu.memory_space<vmem>>, vector<1x16xf32>,
        %get3A_147 = vector.shape_cast %get3A_146 : vector<1x16xf32> to vector<16xf32>
        %swap3A_148 = arith.index_cast %scan3A_74 : i32 to index
        %swap3A_149 = arith.constant 112 : index
        %swap3A_150 = tpu.vector_load %arg9[%swap3A_148, %swap3A_149] {strides = array<i32>} : memref<8x1024xf32, #tpu.memory_space<vmem>>, vector<1x16xf32>,
        %swap3A_151 = vector.shape_cast %swap3A_150 : vector<1x16xf32> to vector<16xf32>
        %swap3A_152 = vector.shape_cast %get3A_147 : vector<16xf32> to vector<1x16xf32>
        tpu.vector_store %arg9[%swap3A_148, %swap3A_149], %swap3A_152 {strides = array<i32>} : memref<8x1024xf32, #tpu.memory_space<vmem>>, vector<1x16xf32>,
        %mul3A_153 = arith.constant 16 : i32
        %mul3A_154 = arith.muli %scan3A_74, %mul3A_153 : i32
        %add3A_155 = arith.constant 2 : i32
        %add3A_156 = arith.addi %mul3A_154, %add3A_155 : i32
        %get3A_157 = arith.index_cast %add3A_156 : i32 to index
        %get3A_158 = arith.constant 0 : index
        %get3A_159 = tpu.vector_load %arg7[%get3A_157, %get3A_158] {strides = array<i32>} : memref<128x128xf32, #tpu.memory_space<vmem>>, vector<1x16xf32>,
        %get3A_160 = vector.shape_cast %get3A_159 : vector<1x16xf32> to vector<16xf32>
        %swap3A_161 = arith.index_cast %scan3A_74 : i32 to index
        %swap3A_162 = arith.constant 128 : index
        %swap3A_163 = tpu.vector_load %arg9[%swap3A_161, %swap3A_162] {strides = array<i32>} : memref<8x1024xf32, #tpu.memory_space<vmem>>, vector<1x16xf32>,
        %swap3A_164 = vector.shape_cast %swap3A_163 : vector<1x16xf32> to vector<16xf32>
        %swap3A_165 = vector.shape_cast %get3A_160 : vector<16xf32> to vector<1x16xf32>
        tpu.vector_store %arg9[%swap3A_161, %swap3A_162], %swap3A_165 {strides = array<i32>} : memref<8x1024xf32, #tpu.memory_space<vmem>>, vector<1x16xf32>,
        %get3A_166 = arith.index_cast %add3A_156 : i32 to index
        %get3A_167 = arith.constant 16 : index
        %get3A_168 = tpu.vector_load %arg7[%get3A_166, %get3A_167] {strides = array<i32>} : memref<128x128xf32, #tpu.memory_space<vmem>>, vector<1x16xf32>,
        %get3A_169 = vector.shape_cast %get3A_168 : vector<1x16xf32> to vector<16xf32>
        %swap3A_170 = arith.index_cast %scan3A_74 : i32 to index
        %swap3A_171 = arith.constant 144 : index
        %swap3A_172 = tpu.vector_load %arg9[%swap3A_170, %swap3A_171] {strides = array<i32>} : memref<8x1024xf32, #tpu.memory_space<vmem>>, vector<1x16xf32>,
        %swap3A_173 = vector.shape_cast %swap3A_172 : vector<1x16xf32> to vector<16xf32>
        %swap3A_174 = vector.shape_cast %get3A_169 : vector<16xf32> to vector<1x16xf32>
        tpu.vector_store %arg9[%swap3A_170, %swap3A_171], %swap3A_174 {strides = array<i32>} : memref<8x1024xf32, #tpu.memory_space<vmem>>, vector<1x16xf32>,
        %get3A_175 = arith.index_cast %add3A_156 : i32 to index
        %get3A_176 = arith.constant 32 : index
        %get3A_177 = tpu.vector_load %arg7[%get3A_175, %get3A_176] {strides = array<i32>} : memref<128x128xf32, #tpu.memory_space<vmem>>, vector<1x16xf32>,
        %get3A_178 = vector.shape_cast %get3A_177 : vector<1x16xf32> to vector<16xf32>
        %swap3A_179 = arith.index_cast %scan3A_74 : i32 to index
        %swap3A_180 = arith.constant 160 : index
        %swap3A_181 = tpu.vector_load %arg9[%swap3A_179, %swap3A_180] {strides = array<i32>} : memref<8x1024xf32, #tpu.memory_space<vmem>>, vector<1x16xf32>,
        %swap3A_182 = vector.shape_cast %swap3A_181 : vector<1x16xf32> to vector<16xf32>
        %swap3A_183 = vector.shape_cast %get3A_178 : vector<16xf32> to vector<1x16xf32>
        tpu.vector_store %arg9[%swap3A_179, %swap3A_180], %swap3A_183 {strides = array<i32>} : memref<8x1024xf32, #tpu.memory_space<vmem>>, vector<1x16xf32>,
        %get3A_184 = arith.index_cast %add3A_156 : i32 to index
        %get3A_185 = arith.constant 48 : index
        %get3A_186 = tpu.vector_load %arg7[%get3A_184, %get3A_185] {strides = array<i32>} : memref<128x128xf32, #tpu.memory_space<vmem>>, vector<1x16xf32>,
        %get3A_187 = vector.shape_cast %get3A_186 : vector<1x16xf32> to vector<16xf32>
        %swap3A_188 = arith.index_cast %scan3A_74 : i32 to index
        %swap3A_189 = arith.constant 176 : index
        %swap3A_190 = tpu.vector_load %arg9[%swap3A_188, %swap3A_189] {strides = array<i32>} : memref<8x1024xf32, #tpu.memory_space<vmem>>, vector<1x16xf32>,
        %swap3A_191 = vector.shape_cast %swap3A_190 : vector<1x16xf32> to vector<16xf32>
        %swap3A_192 = vector.shape_cast %get3A_187 : vector<16xf32> to vector<1x16xf32>
        tpu.vector_store %arg9[%swap3A_188, %swap3A_189], %swap3A_192 {strides = array<i32>} : memref<8x1024xf32, #tpu.memory_space<vmem>>, vector<1x16xf32>,
        %mul3A_193 = arith.constant 16 : i32
        %mul3A_194 = arith.muli %scan3A_74, %mul3A_193 : i32
        %add3A_195 = arith.constant 3 : i32
        %add3A_196 = arith.addi %mul3A_194, %add3A_195 : i32
        %get3A_197 = arith.index_cast %add3A_196 : i32 to index
        %get3A_198 = arith.constant 0 : index
        %get3A_199 = tpu.vector_load %arg7[%get3A_197, %get3A_198] {strides = array<i32>} : memref<128x128xf32, #tpu.memory_space<vmem>>, vector<1x16xf32>,
        %get3A_200 = vector.shape_cast %get3A_199 : vector<1x16xf32> to vector<16xf32>
        %swap3A_201 = arith.index_cast %scan3A_74 : i32 to index
        %swap3A_202 = arith.constant 192 : index
        %swap3A_203 = tpu.vector_load %arg9[%swap3A_201, %swap3A_202] {strides = array<i32>} : memref<8x1024xf32, #tpu.memory_space<vmem>>, vector<1x16xf32>,
        %swap3A_204 = vector.shape_cast %swap3A_203 : vector<1x16xf32> to vector<16xf32>
        %swap3A_205 = vector.shape_cast %get3A_200 : vector<16xf32> to vector<1x16xf32>
        tpu.vector_store %arg9[%swap3A_201, %swap3A_202], %swap3A_205 {strides = array<i32>} : memref<8x1024xf32, #tpu.memory_space<vmem>>, vector<1x16xf32>,
        %get3A_206 = arith.index_cast %add3A_196 : i32 to index
        %get3A_207 = arith.constant 16 : index
        %get3A_208 = tpu.vector_load %arg7[%get3A_206, %get3A_207] {strides = array<i32>} : memref<128x128xf32, #tpu.memory_space<vmem>>, vector<1x16xf32>,
        %get3A_209 = vector.shape_cast %get3A_208 : vector<1x16xf32> to vector<16xf32>
        %swap3A_210 = arith.index_cast %scan3A_74 : i32 to index
        %swap3A_211 = arith.constant 208 : index
        %swap3A_212 = tpu.vector_load %arg9[%swap3A_210, %swap3A_211] {strides = array<i32>} : memref<8x1024xf32, #tpu.memory_space<vmem>>, vector<1x16xf32>,
        %swap3A_213 = vector.shape_cast %swap3A_212 : vector<1x16xf32> to vector<16xf32>
        %swap3A_214 = vector.shape_cast %get3A_209 : vector<16xf32> to vector<1x16xf32>
        tpu.vector_store %arg9[%swap3A_210, %swap3A_211], %swap3A_214 {strides = array<i32>} : memref<8x1024xf32, #tpu.memory_space<vmem>>, vector<1x16xf32>,
        %get3A_215 = arith.index_cast %add3A_196 : i32 to index
        %get3A_216 = arith.constant 32 : index
        %get3A_217 = tpu.vector_load %arg7[%get3A_215, %get3A_216] {strides = array<i32>} : memref<128x128xf32, #tpu.memory_space<vmem>>, vector<1x16xf32>,
        %get3A_218 = vector.shape_cast %get3A_217 : vector<1x16xf32> to vector<16xf32>
        %swap3A_219 = arith.index_cast %scan3A_74 : i32 to index
        %swap3A_220 = arith.constant 224 : index
        %swap3A_221 = tpu.vector_load %arg9[%swap3A_219, %swap3A_220] {strides = array<i32>} : memref<8x1024xf32, #tpu.memory_space<vmem>>, vector<1x16xf32>,
        %swap3A_222 = vector.shape_cast %swap3A_221 : vector<1x16xf32> to vector<16xf32>
        %swap3A_223 = vector.shape_cast %get3A_218 : vector<16xf32> to vector<1x16xf32>
        tpu.vector_store %arg9[%swap3A_219, %swap3A_220], %swap3A_223 {strides = array<i32>} : memref<8x1024xf32, #tpu.memory_space<vmem>>, vector<1x16xf32>,
        %get3A_224 = arith.index_cast %add3A_196 : i32 to index
        %get3A_225 = arith.constant 48 : index
        %get3A_226 = tpu.vector_load %arg7[%get3A_224, %get3A_225] {strides = array<i32>} : memref<128x128xf32, #tpu.memory_space<vmem>>, vector<1x16xf32>,
        %get3A_227 = vector.shape_cast %get3A_226 : vector<1x16xf32> to vector<16xf32>
        %swap3A_228 = arith.index_cast %scan3A_74 : i32 to index
        %swap3A_229 = arith.constant 240 : index
        %swap3A_230 = tpu.vector_load %arg9[%swap3A_228, %swap3A_229] {strides = array<i32>} : memref<8x1024xf32, #tpu.memory_space<vmem>>, vector<1x16xf32>,
        %swap3A_231 = vector.shape_cast %swap3A_230 : vector<1x16xf32> to vector<16xf32>
        %swap3A_232 = vector.shape_cast %get3A_227 : vector<16xf32> to vector<1x16xf32>
        tpu.vector_store %arg9[%swap3A_228, %swap3A_229], %swap3A_232 {strides = array<i32>} : memref<8x1024xf32, #tpu.memory_space<vmem>>, vector<1x16xf32>,
        %mul3A_233 = arith.constant 16 : i32
        %mul3A_234 = arith.muli %scan3A_74, %mul3A_233 : i32
        %add3A_235 = arith.constant 4 : i32
        %add3A_236 = arith.addi %mul3A_234, %add3A_235 : i32
        %get3A_237 = arith.index_cast %add3A_236 : i32 to index
        %get3A_238 = arith.constant 0 : index
        %get3A_239 = tpu.vector_load %arg7[%get3A_237, %get3A_238] {strides = array<i32>} : memref<128x128xf32, #tpu.memory_space<vmem>>, vector<1x16xf32>,
        %get3A_240 = vector.shape_cast %get3A_239 : vector<1x16xf32> to vector<16xf32>
        %swap3A_241 = arith.index_cast %scan3A_74 : i32 to index
        %swap3A_242 = arith.constant 256 : index
        %swap3A_243 = tpu.vector_load %arg9[%swap3A_241, %swap3A_242] {strides = array<i32>} : memref<8x1024xf32, #tpu.memory_space<vmem>>, vector<1x16xf32>,
        %swap3A_244 = vector.shape_cast %swap3A_243 : vector<1x16xf32> to vector<16xf32>
        %swap3A_245 = vector.shape_cast %get3A_240 : vector<16xf32> to vector<1x16xf32>
        tpu.vector_store %arg9[%swap3A_241, %swap3A_242], %swap3A_245 {strides = array<i32>} : memref<8x1024xf32, #tpu.memory_space<vmem>>, vector<1x16xf32>,
        %get3A_246 = arith.index_cast %add3A_236 : i32 to index
        %get3A_247 = arith.constant 16 : index
        %get3A_248 = tpu.vector_load %arg7[%get3A_246, %get3A_247] {strides = array<i32>} : memref<128x128xf32, #tpu.memory_space<vmem>>, vector<1x16xf32>,
        %get3A_249 = vector.shape_cast %get3A_248 : vector<1x16xf32> to vector<16xf32>
        %swap3A_250 = arith.index_cast %scan3A_74 : i32 to index
        %swap3A_251 = arith.constant 272 : index
        %swap3A_252 = tpu.vector_load %arg9[%swap3A_250, %swap3A_251] {strides = array<i32>} : memref<8x1024xf32, #tpu.memory_space<vmem>>, vector<1x16xf32>,
        %swap3A_253 = vector.shape_cast %swap3A_252 : vector<1x16xf32> to vector<16xf32>
        %swap3A_254 = vector.shape_cast %get3A_249 : vector<16xf32> to vector<1x16xf32>
        tpu.vector_store %arg9[%swap3A_250, %swap3A_251], %swap3A_254 {strides = array<i32>} : memref<8x1024xf32, #tpu.memory_space<vmem>>, vector<1x16xf32>,
        %get3A_255 = arith.index_cast %add3A_236 : i32 to index
        %get3A_256 = arith.constant 32 : index
        %get3A_257 = tpu.vector_load %arg7[%get3A_255, %get3A_256] {strides = array<i32>} : memref<128x128xf32, #tpu.memory_space<vmem>>, vector<1x16xf32>,
        %get3A_258 = vector.shape_cast %get3A_257 : vector<1x16xf32> to vector<16xf32>
        %swap3A_259 = arith.index_cast %scan3A_74 : i32 to index
        %swap3A_260 = arith.constant 288 : index
        %swap3A_261 = tpu.vector_load %arg9[%swap3A_259, %swap3A_260] {strides = array<i32>} : memref<8x1024xf32, #tpu.memory_space<vmem>>, vector<1x16xf32>,
        %swap3A_262 = vector.shape_cast %swap3A_261 : vector<1x16xf32> to vector<16xf32>
        %swap3A_263 = vector.shape_cast %get3A_258 : vector<16xf32> to vector<1x16xf32>
        tpu.vector_store %arg9[%swap3A_259, %swap3A_260], %swap3A_263 {strides = array<i32>} : memref<8x1024xf32, #tpu.memory_space<vmem>>, vector<1x16xf32>,
        %get3A_264 = arith.index_cast %add3A_236 : i32 to index
        %get3A_265 = arith.constant 48 : index
        %get3A_266 = tpu.vector_load %arg7[%get3A_264, %get3A_265] {strides = array<i32>} : memref<128x128xf32, #tpu.memory_space<vmem>>, vector<1x16xf32>,
        %get3A_267 = vector.shape_cast %get3A_266 : vector<1x16xf32> to vector<16xf32>
        %swap3A_268 = arith.index_cast %scan3A_74 : i32 to index
        %swap3A_269 = arith.constant 304 : index
        %swap3A_270 = tpu.vector_load %arg9[%swap3A_268, %swap3A_269] {strides = array<i32>} : memref<8x1024xf32, #tpu.memory_space<vmem>>, vector<1x16xf32>,
        %swap3A_271 = vector.shape_cast %swap3A_270 : vector<1x16xf32> to vector<16xf32>
        %swap3A_272 = vector.shape_cast %get3A_267 : vector<16xf32> to vector<1x16xf32>
        tpu.vector_store %arg9[%swap3A_268, %swap3A_269], %swap3A_272 {strides = array<i32>} : memref<8x1024xf32, #tpu.memory_space<vmem>>, vector<1x16xf32>,
        %mul3A_273 = arith.constant 16 : i32
        %mul3A_274 = arith.muli %scan3A_74, %mul3A_273 : i32
        %add3A_275 = arith.constant 5 : i32
        %add3A_276 = arith.addi %mul3A_274, %add3A_275 : i32
        %get3A_277 = arith.index_cast %add3A_276 : i32 to index
        %get3A_278 = arith.constant 0 : index
        %get3A_279 = tpu.vector_load %arg7[%get3A_277, %get3A_278] {strides = array<i32>} : memref<128x128xf32, #tpu.memory_space<vmem>>, vector<1x16xf32>,
        %get3A_280 = vector.shape_cast %get3A_279 : vector<1x16xf32> to vector<16xf32>
        %swap3A_281 = arith.index_cast %scan3A_74 : i32 to index
        %swap3A_282 = arith.constant 320 : index
        %swap3A_283 = tpu.vector_load %arg9[%swap3A_281, %swap3A_282] {strides = array<i32>} : memref<8x1024xf32, #tpu.memory_space<vmem>>, vector<1x16xf32>,
        %swap3A_284 = vector.shape_cast %swap3A_283 : vector<1x16xf32> to vector<16xf32>
        %swap3A_285 = vector.shape_cast %get3A_280 : vector<16xf32> to vector<1x16xf32>
        tpu.vector_store %arg9[%swap3A_281, %swap3A_282], %swap3A_285 {strides = array<i32>} : memref<8x1024xf32, #tpu.memory_space<vmem>>, vector<1x16xf32>,
        %get3A_286 = arith.index_cast %add3A_276 : i32 to index
        %get3A_287 = arith.constant 16 : index
        %get3A_288 = tpu.vector_load %arg7[%get3A_286, %get3A_287] {strides = array<i32>} : memref<128x128xf32, #tpu.memory_space<vmem>>, vector<1x16xf32>,
        %get3A_289 = vector.shape_cast %get3A_288 : vector<1x16xf32> to vector<16xf32>
        %swap3A_290 = arith.index_cast %scan3A_74 : i32 to index
        %swap3A_291 = arith.constant 336 : index
        %swap3A_292 = tpu.vector_load %arg9[%swap3A_290, %swap3A_291] {strides = array<i32>} : memref<8x1024xf32, #tpu.memory_space<vmem>>, vector<1x16xf32>,
        %swap3A_293 = vector.shape_cast %swap3A_292 : vector<1x16xf32> to vector<16xf32>
        %swap3A_294 = vector.shape_cast %get3A_289 : vector<16xf32> to vector<1x16xf32>
        tpu.vector_store %arg9[%swap3A_290, %swap3A_291], %swap3A_294 {strides = array<i32>} : memref<8x1024xf32, #tpu.memory_space<vmem>>, vector<1x16xf32>,
        %get3A_295 = arith.index_cast %add3A_276 : i32 to index
        %get3A_296 = arith.constant 32 : index
        %get3A_297 = tpu.vector_load %arg7[%get3A_295, %get3A_296] {strides = array<i32>} : memref<128x128xf32, #tpu.memory_space<vmem>>, vector<1x16xf32>,
        %get3A_298 = vector.shape_cast %get3A_297 : vector<1x16xf32> to vector<16xf32>
        %swap3A_299 = arith.index_cast %scan3A_74 : i32 to index
        %swap3A_300 = arith.constant 352 : index
        %swap3A_301 = tpu.vector_load %arg9[%swap3A_299, %swap3A_300] {strides = array<i32>} : memref<8x1024xf32, #tpu.memory_space<vmem>>, vector<1x16xf32>,
        %swap3A_302 = vector.shape_cast %swap3A_301 : vector<1x16xf32> to vector<16xf32>
        %swap3A_303 = vector.shape_cast %get3A_298 : vector<16xf32> to vector<1x16xf32>
        tpu.vector_store %arg9[%swap3A_299, %swap3A_300], %swap3A_303 {strides = array<i32>} : memref<8x1024xf32, #tpu.memory_space<vmem>>, vector<1x16xf32>,
        %get3A_304 = arith.index_cast %add3A_276 : i32 to index
        %get3A_305 = arith.constant 48 : index
        %get3A_306 = tpu.vector_load %arg7[%get3A_304, %get3A_305] {strides = array<i32>} : memref<128x128xf32, #tpu.memory_space<vmem>>, vector<1x16xf32>,
        %get3A_307 = vector.shape_cast %get3A_306 : vector<1x16xf32> to vector<16xf32>
        %swap3A_308 = arith.index_cast %scan3A_74 : i32 to index
        %swap3A_309 = arith.constant 368 : index
        %swap3A_310 = tpu.vector_load %arg9[%swap3A_308, %swap3A_309] {strides = array<i32>} : memref<8x1024xf32, #tpu.memory_space<vmem>>, vector<1x16xf32>,
        %swap3A_311 = vector.shape_cast %swap3A_310 : vector<1x16xf32> to vector<16xf32>
        %swap3A_312 = vector.shape_cast %get3A_307 : vector<16xf32> to vector<1x16xf32>
        tpu.vector_store %arg9[%swap3A_308, %swap3A_309], %swap3A_312 {strides = array<i32>} : memref<8x1024xf32, #tpu.memory_space<vmem>>, vector<1x16xf32>,
        %mul3A_313 = arith.constant 16 : i32
        %mul3A_314 = arith.muli %scan3A_74, %mul3A_313 : i32
        %add3A_315 = arith.constant 6 : i32
        %add3A_316 = arith.addi %mul3A_314, %add3A_315 : i32
        %get3A_317 = arith.index_cast %add3A_316 : i32 to index
        %get3A_318 = arith.constant 0 : index
        %get3A_319 = tpu.vector_load %arg7[%get3A_317, %get3A_318] {strides = array<i32>} : memref<128x128xf32, #tpu.memory_space<vmem>>, vector<1x16xf32>,
        %get3A_320 = vector.shape_cast %get3A_319 : vector<1x16xf32> to vector<16xf32>
        %swap3A_321 = arith.index_cast %scan3A_74 : i32 to index
        %swap3A_322 = arith.constant 384 : index
        %swap3A_323 = tpu.vector_load %arg9[%swap3A_321, %swap3A_322] {strides = array<i32>} : memref<8x1024xf32, #tpu.memory_space<vmem>>, vector<1x16xf32>,
        %swap3A_324 = vector.shape_cast %swap3A_323 : vector<1x16xf32> to vector<16xf32>
        %swap3A_325 = vector.shape_cast %get3A_320 : vector<16xf32> to vector<1x16xf32>
        tpu.vector_store %arg9[%swap3A_321, %swap3A_322], %swap3A_325 {strides = array<i32>} : memref<8x1024xf32, #tpu.memory_space<vmem>>, vector<1x16xf32>,
        %get3A_326 = arith.index_cast %add3A_316 : i32 to index
        %get3A_327 = arith.constant 16 : index
        %get3A_328 = tpu.vector_load %arg7[%get3A_326, %get3A_327] {strides = array<i32>} : memref<128x128xf32, #tpu.memory_space<vmem>>, vector<1x16xf32>,
        %get3A_329 = vector.shape_cast %get3A_328 : vector<1x16xf32> to vector<16xf32>
        %swap3A_330 = arith.index_cast %scan3A_74 : i32 to index
        %swap3A_331 = arith.constant 400 : index
        %swap3A_332 = tpu.vector_load %arg9[%swap3A_330, %swap3A_331] {strides = array<i32>} : memref<8x1024xf32, #tpu.memory_space<vmem>>, vector<1x16xf32>,
        %swap3A_333 = vector.shape_cast %swap3A_332 : vector<1x16xf32> to vector<16xf32>
        %swap3A_334 = vector.shape_cast %get3A_329 : vector<16xf32> to vector<1x16xf32>
        tpu.vector_store %arg9[%swap3A_330, %swap3A_331], %swap3A_334 {strides = array<i32>} : memref<8x1024xf32, #tpu.memory_space<vmem>>, vector<1x16xf32>,
        %get3A_335 = arith.index_cast %add3A_316 : i32 to index
        %get3A_336 = arith.constant 32 : index
        %get3A_337 = tpu.vector_load %arg7[%get3A_335, %get3A_336] {strides = array<i32>} : memref<128x128xf32, #tpu.memory_space<vmem>>, vector<1x16xf32>,
        %get3A_338 = vector.shape_cast %get3A_337 : vector<1x16xf32> to vector<16xf32>
        %swap3A_339 = arith.index_cast %scan3A_74 : i32 to index
        %swap3A_340 = arith.constant 416 : index
        %swap3A_341 = tpu.vector_load %arg9[%swap3A_339, %swap3A_340] {strides = array<i32>} : memref<8x1024xf32, #tpu.memory_space<vmem>>, vector<1x16xf32>,
        %swap3A_342 = vector.shape_cast %swap3A_341 : vector<1x16xf32> to vector<16xf32>
        %swap3A_343 = vector.shape_cast %get3A_338 : vector<16xf32> to vector<1x16xf32>
        tpu.vector_store %arg9[%swap3A_339, %swap3A_340], %swap3A_343 {strides = array<i32>} : memref<8x1024xf32, #tpu.memory_space<vmem>>, vector<1x16xf32>,
        %get3A_344 = arith.index_cast %add3A_316 : i32 to index
        %get3A_345 = arith.constant 48 : index
        %get3A_346 = tpu.vector_load %arg7[%get3A_344, %get3A_345] {strides = array<i32>} : memref<128x128xf32, #tpu.memory_space<vmem>>, vector<1x16xf32>,
        %get3A_347 = vector.shape_cast %get3A_346 : vector<1x16xf32> to vector<16xf32>
        %swap3A_348 = arith.index_cast %scan3A_74 : i32 to index
        %swap3A_349 = arith.constant 432 : index
        %swap3A_350 = tpu.vector_load %arg9[%swap3A_348, %swap3A_349] {strides = array<i32>} : memref<8x1024xf32, #tpu.memory_space<vmem>>, vector<1x16xf32>,
        %swap3A_351 = vector.shape_cast %swap3A_350 : vector<1x16xf32> to vector<16xf32>
        %swap3A_352 = vector.shape_cast %get3A_347 : vector<16xf32> to vector<1x16xf32>
        tpu.vector_store %arg9[%swap3A_348, %swap3A_349], %swap3A_352 {strides = array<i32>} : memref<8x1024xf32, #tpu.memory_space<vmem>>, vector<1x16xf32>,
        %mul3A_353 = arith.constant 16 : i32
        %mul3A_354 = arith.muli %scan3A_74, %mul3A_353 : i32
        %add3A_355 = arith.constant 7 : i32
        %add3A_356 = arith.addi %mul3A_354, %add3A_355 : i32
        %get3A_357 = arith.index_cast %add3A_356 : i32 to index
        %get3A_358 = arith.constant 0 : index
        %get3A_359 = tpu.vector_load %arg7[%get3A_357, %get3A_358] {strides = array<i32>} : memref<128x128xf32, #tpu.memory_space<vmem>>, vector<1x16xf32>,
        %get3A_360 = vector.shape_cast %get3A_359 : vector<1x16xf32> to vector<16xf32>
        %swap3A_361 = arith.index_cast %scan3A_74 : i32 to index
        %swap3A_362 = arith.constant 448 : index
        %swap3A_363 = tpu.vector_load %arg9[%swap3A_361, %swap3A_362] {strides = array<i32>} : memref<8x1024xf32, #tpu.memory_space<vmem>>, vector<1x16xf32>,
        %swap3A_364 = vector.shape_cast %swap3A_363 : vector<1x16xf32> to vector<16xf32>
        %swap3A_365 = vector.shape_cast %get3A_360 : vector<16xf32> to vector<1x16xf32>
        tpu.vector_store %arg9[%swap3A_361, %swap3A_362], %swap3A_365 {strides = array<i32>} : memref<8x1024xf32, #tpu.memory_space<vmem>>, vector<1x16xf32>,
        %get3A_366 = arith.index_cast %add3A_356 : i32 to index
        %get3A_367 = arith.constant 16 : index
        %get3A_368 = tpu.vector_load %arg7[%get3A_366, %get3A_367] {strides = array<i32>} : memref<128x128xf32, #tpu.memory_space<vmem>>, vector<1x16xf32>,
        %get3A_369 = vector.shape_cast %get3A_368 : vector<1x16xf32> to vector<16xf32>
        %swap3A_370 = arith.index_cast %scan3A_74 : i32 to index
        %swap3A_371 = arith.constant 464 : index
        %swap3A_372 = tpu.vector_load %arg9[%swap3A_370, %swap3A_371] {strides = array<i32>} : memref<8x1024xf32, #tpu.memory_space<vmem>>, vector<1x16xf32>,
        %swap3A_373 = vector.shape_cast %swap3A_372 : vector<1x16xf32> to vector<16xf32>
        %swap3A_374 = vector.shape_cast %get3A_369 : vector<16xf32> to vector<1x16xf32>
        tpu.vector_store %arg9[%swap3A_370, %swap3A_371], %swap3A_374 {strides = array<i32>} : memref<8x1024xf32, #tpu.memory_space<vmem>>, vector<1x16xf32>,
        %get3A_375 = arith.index_cast %add3A_356 : i32 to index
        %get3A_376 = arith.constant 32 : index
        %get3A_377 = tpu.vector_load %arg7[%get3A_375, %get3A_376] {strides = array<i32>} : memref<128x128xf32, #tpu.memory_space<vmem>>, vector<1x16xf32>,
        %get3A_378 = vector.shape_cast %get3A_377 : vector<1x16xf32> to vector<16xf32>
        %swap3A_379 = arith.index_cast %scan3A_74 : i32 to index
        %swap3A_380 = arith.constant 480 : index
        %swap3A_381 = tpu.vector_load %arg9[%swap3A_379, %swap3A_380] {strides = array<i32>} : memref<8x1024xf32, #tpu.memory_space<vmem>>, vector<1x16xf32>,
        %swap3A_382 = vector.shape_cast %swap3A_381 : vector<1x16xf32> to vector<16xf32>
        %swap3A_383 = vector.shape_cast %get3A_378 : vector<16xf32> to vector<1x16xf32>
        tpu.vector_store %arg9[%swap3A_379, %swap3A_380], %swap3A_383 {strides = array<i32>} : memref<8x1024xf32, #tpu.memory_space<vmem>>, vector<1x16xf32>,
        %get3A_384 = arith.index_cast %add3A_356 : i32 to index
        %get3A_385 = arith.constant 48 : index
        %get3A_386 = tpu.vector_load %arg7[%get3A_384, %get3A_385] {strides = array<i32>} : memref<128x128xf32, #tpu.memory_space<vmem>>, vector<1x16xf32>,
        %get3A_387 = vector.shape_cast %get3A_386 : vector<1x16xf32> to vector<16xf32>
        %swap3A_388 = arith.index_cast %scan3A_74 : i32 to index
        %swap3A_389 = arith.constant 496 : index
        %swap3A_390 = tpu.vector_load %arg9[%swap3A_388, %swap3A_389] {strides = array<i32>} : memref<8x1024xf32, #tpu.memory_space<vmem>>, vector<1x16xf32>,
        %swap3A_391 = vector.shape_cast %swap3A_390 : vector<1x16xf32> to vector<16xf32>
        %swap3A_392 = vector.shape_cast %get3A_387 : vector<16xf32> to vector<1x16xf32>
        tpu.vector_store %arg9[%swap3A_388, %swap3A_389], %swap3A_392 {strides = array<i32>} : memref<8x1024xf32, #tpu.memory_space<vmem>>, vector<1x16xf32>,
        %mul3A_393 = arith.constant 16 : i32
        %mul3A_394 = arith.muli %scan3A_74, %mul3A_393 : i32
        %add3A_395 = arith.constant 8 : i32
        %add3A_396 = arith.addi %mul3A_394, %add3A_395 : i32
        %get3A_397 = arith.index_cast %add3A_396 : i32 to index
        %get3A_398 = arith.constant 0 : index
        %get3A_399 = tpu.vector_load %arg7[%get3A_397, %get3A_398] {strides = array<i32>} : memref<128x128xf32, #tpu.memory_space<vmem>>, vector<1x16xf32>,
        %get3A_400 = vector.shape_cast %get3A_399 : vector<1x16xf32> to vector<16xf32>
        %swap3A_401 = arith.index_cast %scan3A_74 : i32 to index
        %swap3A_402 = arith.constant 512 : index
        %swap3A_403 = tpu.vector_load %arg9[%swap3A_401, %swap3A_402] {strides = array<i32>} : memref<8x1024xf32, #tpu.memory_space<vmem>>, vector<1x16xf32>,
        %swap3A_404 = vector.shape_cast %swap3A_403 : vector<1x16xf32> to vector<16xf32>
        %swap3A_405 = vector.shape_cast %get3A_400 : vector<16xf32> to vector<1x16xf32>
        tpu.vector_store %arg9[%swap3A_401, %swap3A_402], %swap3A_405 {strides = array<i32>} : memref<8x1024xf32, #tpu.memory_space<vmem>>, vector<1x16xf32>,
        %get3A_406 = arith.index_cast %add3A_396 : i32 to index
        %get3A_407 = arith.constant 16 : index
        %get3A_408 = tpu.vector_load %arg7[%get3A_406, %get3A_407] {strides = array<i32>} : memref<128x128xf32, #tpu.memory_space<vmem>>, vector<1x16xf32>,
        %get3A_409 = vector.shape_cast %get3A_408 : vector<1x16xf32> to vector<16xf32>
        %swap3A_410 = arith.index_cast %scan3A_74 : i32 to index
        %swap3A_411 = arith.constant 528 : index
        %swap3A_412 = tpu.vector_load %arg9[%swap3A_410, %swap3A_411] {strides = array<i32>} : memref<8x1024xf32, #tpu.memory_space<vmem>>, vector<1x16xf32>,
        %swap3A_413 = vector.shape_cast %swap3A_412 : vector<1x16xf32> to vector<16xf32>
        %swap3A_414 = vector.shape_cast %get3A_409 : vector<16xf32> to vector<1x16xf32>
        tpu.vector_store %arg9[%swap3A_410, %swap3A_411], %swap3A_414 {strides = array<i32>} : memref<8x1024xf32, #tpu.memory_space<vmem>>, vector<1x16xf32>,
        %get3A_415 = arith.index_cast %add3A_396 : i32 to index
        %get3A_416 = arith.constant 32 : index
        %get3A_417 = tpu.vector_load %arg7[%get3A_415, %get3A_416] {strides = array<i32>} : memref<128x128xf32, #tpu.memory_space<vmem>>, vector<1x16xf32>,
        %get3A_418 = vector.shape_cast %get3A_417 : vector<1x16xf32> to vector<16xf32>
        %swap3A_419 = arith.index_cast %scan3A_74 : i32 to index
        %swap3A_420 = arith.constant 544 : index
        %swap3A_421 = tpu.vector_load %arg9[%swap3A_419, %swap3A_420] {strides = array<i32>} : memref<8x1024xf32, #tpu.memory_space<vmem>>, vector<1x16xf32>,
        %swap3A_422 = vector.shape_cast %swap3A_421 : vector<1x16xf32> to vector<16xf32>
        %swap3A_423 = vector.shape_cast %get3A_418 : vector<16xf32> to vector<1x16xf32>
        tpu.vector_store %arg9[%swap3A_419, %swap3A_420], %swap3A_423 {strides = array<i32>} : memref<8x1024xf32, #tpu.memory_space<vmem>>, vector<1x16xf32>,
        %get3A_424 = arith.index_cast %add3A_396 : i32 to index
        %get3A_425 = arith.constant 48 : index
        %get3A_426 = tpu.vector_load %arg7[%get3A_424, %get3A_425] {strides = array<i32>} : memref<128x128xf32, #tpu.memory_space<vmem>>, vector<1x16xf32>,
        %get3A_427 = vector.shape_cast %get3A_426 : vector<1x16xf32> to vector<16xf32>
        %swap3A_428 = arith.index_cast %scan3A_74 : i32 to index
        %swap3A_429 = arith.constant 560 : index
        %swap3A_430 = tpu.vector_load %arg9[%swap3A_428, %swap3A_429] {strides = array<i32>} : memref<8x1024xf32, #tpu.memory_space<vmem>>, vector<1x16xf32>,
        %swap3A_431 = vector.shape_cast %swap3A_430 : vector<1x16xf32> to vector<16xf32>
        %swap3A_432 = vector.shape_cast %get3A_427 : vector<16xf32> to vector<1x16xf32>
        tpu.vector_store %arg9[%swap3A_428, %swap3A_429], %swap3A_432 {strides = array<i32>} : memref<8x1024xf32, #tpu.memory_space<vmem>>, vector<1x16xf32>,
        %mul3A_433 = arith.constant 16 : i32
        %mul3A_434 = arith.muli %scan3A_74, %mul3A_433 : i32
        %add3A_435 = arith.constant 9 : i32
        %add3A_436 = arith.addi %mul3A_434, %add3A_435 : i32
        %get3A_437 = arith.index_cast %add3A_436 : i32 to index
        %get3A_438 = arith.constant 0 : index
        %get3A_439 = tpu.vector_load %arg7[%get3A_437, %get3A_438] {strides = array<i32>} : memref<128x128xf32, #tpu.memory_space<vmem>>, vector<1x16xf32>,
        %get3A_440 = vector.shape_cast %get3A_439 : vector<1x16xf32> to vector<16xf32>
        %swap3A_441 = arith.index_cast %scan3A_74 : i32 to index
        %swap3A_442 = arith.constant 576 : index
        %swap3A_443 = tpu.vector_load %arg9[%swap3A_441, %swap3A_442] {strides = array<i32>} : memref<8x1024xf32, #tpu.memory_space<vmem>>, vector<1x16xf32>,
        %swap3A_444 = vector.shape_cast %swap3A_443 : vector<1x16xf32> to vector<16xf32>
        %swap3A_445 = vector.shape_cast %get3A_440 : vector<16xf32> to vector<1x16xf32>
        tpu.vector_store %arg9[%swap3A_441, %swap3A_442], %swap3A_445 {strides = array<i32>} : memref<8x1024xf32, #tpu.memory_space<vmem>>, vector<1x16xf32>,
        %get3A_446 = arith.index_cast %add3A_436 : i32 to index
        %get3A_447 = arith.constant 16 : index
        %get3A_448 = tpu.vector_load %arg7[%get3A_446, %get3A_447] {strides = array<i32>} : memref<128x128xf32, #tpu.memory_space<vmem>>, vector<1x16xf32>,
        %get3A_449 = vector.shape_cast %get3A_448 : vector<1x16xf32> to vector<16xf32>
        %swap3A_450 = arith.index_cast %scan3A_74 : i32 to index
        %swap3A_451 = arith.constant 592 : index
        %swap3A_452 = tpu.vector_load %arg9[%swap3A_450, %swap3A_451] {strides = array<i32>} : memref<8x1024xf32, #tpu.memory_space<vmem>>, vector<1x16xf32>,
        %swap3A_453 = vector.shape_cast %swap3A_452 : vector<1x16xf32> to vector<16xf32>
        %swap3A_454 = vector.shape_cast %get3A_449 : vector<16xf32> to vector<1x16xf32>
        tpu.vector_store %arg9[%swap3A_450, %swap3A_451], %swap3A_454 {strides = array<i32>} : memref<8x1024xf32, #tpu.memory_space<vmem>>, vector<1x16xf32>,
        %get3A_455 = arith.index_cast %add3A_436 : i32 to index
        %get3A_456 = arith.constant 32 : index
        %get3A_457 = tpu.vector_load %arg7[%get3A_455, %get3A_456] {strides = array<i32>} : memref<128x128xf32, #tpu.memory_space<vmem>>, vector<1x16xf32>,
        %get3A_458 = vector.shape_cast %get3A_457 : vector<1x16xf32> to vector<16xf32>
        %swap3A_459 = arith.index_cast %scan3A_74 : i32 to index
        %swap3A_460 = arith.constant 608 : index
        %swap3A_461 = tpu.vector_load %arg9[%swap3A_459, %swap3A_460] {strides = array<i32>} : memref<8x1024xf32, #tpu.memory_space<vmem>>, vector<1x16xf32>,
        %swap3A_462 = vector.shape_cast %swap3A_461 : vector<1x16xf32> to vector<16xf32>
        %swap3A_463 = vector.shape_cast %get3A_458 : vector<16xf32> to vector<1x16xf32>
        tpu.vector_store %arg9[%swap3A_459, %swap3A_460], %swap3A_463 {strides = array<i32>} : memref<8x1024xf32, #tpu.memory_space<vmem>>, vector<1x16xf32>,
        %get3A_464 = arith.index_cast %add3A_436 : i32 to index
        %get3A_465 = arith.constant 48 : index
        %get3A_466 = tpu.vector_load %arg7[%get3A_464, %get3A_465] {strides = array<i32>} : memref<128x128xf32, #tpu.memory_space<vmem>>, vector<1x16xf32>,
        %get3A_467 = vector.shape_cast %get3A_466 : vector<1x16xf32> to vector<16xf32>
        %swap3A_468 = arith.index_cast %scan3A_74 : i32 to index
        %swap3A_469 = arith.constant 624 : index
        %swap3A_470 = tpu.vector_load %arg9[%swap3A_468, %swap3A_469] {strides = array<i32>} : memref<8x1024xf32, #tpu.memory_space<vmem>>, vector<1x16xf32>,
        %swap3A_471 = vector.shape_cast %swap3A_470 : vector<1x16xf32> to vector<16xf32>
        %swap3A_472 = vector.shape_cast %get3A_467 : vector<16xf32> to vector<1x16xf32>
        tpu.vector_store %arg9[%swap3A_468, %swap3A_469], %swap3A_472 {strides = array<i32>} : memref<8x1024xf32, #tpu.memory_space<vmem>>, vector<1x16xf32>,
        %mul3A_473 = arith.constant 16 : i32
        %mul3A_474 = arith.muli %scan3A_74, %mul3A_473 : i32
        %add3A_475 = arith.constant 10 : i32
        %add3A_476 = arith.addi %mul3A_474, %add3A_475 : i32
        %get3A_477 = arith.index_cast %add3A_476 : i32 to index
        %get3A_478 = arith.constant 0 : index
        %get3A_479 = tpu.vector_load %arg7[%get3A_477, %get3A_478] {strides = array<i32>} : memref<128x128xf32, #tpu.memory_space<vmem>>, vector<1x16xf32>,
        %get3A_480 = vector.shape_cast %get3A_479 : vector<1x16xf32> to vector<16xf32>
        %swap3A_481 = arith.index_cast %scan3A_74 : i32 to index
        %swap3A_482 = arith.constant 640 : index
        %swap3A_483 = tpu.vector_load %arg9[%swap3A_481, %swap3A_482] {strides = array<i32>} : memref<8x1024xf32, #tpu.memory_space<vmem>>, vector<1x16xf32>,
        %swap3A_484 = vector.shape_cast %swap3A_483 : vector<1x16xf32> to vector<16xf32>
        %swap3A_485 = vector.shape_cast %get3A_480 : vector<16xf32> to vector<1x16xf32>
        tpu.vector_store %arg9[%swap3A_481, %swap3A_482], %swap3A_485 {strides = array<i32>} : memref<8x1024xf32, #tpu.memory_space<vmem>>, vector<1x16xf32>,
        %get3A_486 = arith.index_cast %add3A_476 : i32 to index
        %get3A_487 = arith.constant 16 : index
        %get3A_488 = tpu.vector_load %arg7[%get3A_486, %get3A_487] {strides = array<i32>} : memref<128x128xf32, #tpu.memory_space<vmem>>, vector<1x16xf32>,
        %get3A_489 = vector.shape_cast %get3A_488 : vector<1x16xf32> to vector<16xf32>
        %swap3A_490 = arith.index_cast %scan3A_74 : i32 to index
        %swap3A_491 = arith.constant 656 : index
        %swap3A_492 = tpu.vector_load %arg9[%swap3A_490, %swap3A_491] {strides = array<i32>} : memref<8x1024xf32, #tpu.memory_space<vmem>>, vector<1x16xf32>,
        %swap3A_493 = vector.shape_cast %swap3A_492 : vector<1x16xf32> to vector<16xf32>
        %swap3A_494 = vector.shape_cast %get3A_489 : vector<16xf32> to vector<1x16xf32>
        tpu.vector_store %arg9[%swap3A_490, %swap3A_491], %swap3A_494 {strides = array<i32>} : memref<8x1024xf32, #tpu.memory_space<vmem>>, vector<1x16xf32>,
        %get3A_495 = arith.index_cast %add3A_476 : i32 to index
        %get3A_496 = arith.constant 32 : index
        %get3A_497 = tpu.vector_load %arg7[%get3A_495, %get3A_496] {strides = array<i32>} : memref<128x128xf32, #tpu.memory_space<vmem>>, vector<1x16xf32>,
        %get3A_498 = vector.shape_cast %get3A_497 : vector<1x16xf32> to vector<16xf32>
        %swap3A_499 = arith.index_cast %scan3A_74 : i32 to index
        %swap3A_500 = arith.constant 672 : index
        %swap3A_501 = tpu.vector_load %arg9[%swap3A_499, %swap3A_500] {strides = array<i32>} : memref<8x1024xf32, #tpu.memory_space<vmem>>, vector<1x16xf32>,
        %swap3A_502 = vector.shape_cast %swap3A_501 : vector<1x16xf32> to vector<16xf32>
        %swap3A_503 = vector.shape_cast %get3A_498 : vector<16xf32> to vector<1x16xf32>
        tpu.vector_store %arg9[%swap3A_499, %swap3A_500], %swap3A_503 {strides = array<i32>} : memref<8x1024xf32, #tpu.memory_space<vmem>>, vector<1x16xf32>,
        %get3A_504 = arith.index_cast %add3A_476 : i32 to index
        %get3A_505 = arith.constant 48 : index
        %get3A_506 = tpu.vector_load %arg7[%get3A_504, %get3A_505] {strides = array<i32>} : memref<128x128xf32, #tpu.memory_space<vmem>>, vector<1x16xf32>,
        %get3A_507 = vector.shape_cast %get3A_506 : vector<1x16xf32> to vector<16xf32>
        %swap3A_508 = arith.index_cast %scan3A_74 : i32 to index
        %swap3A_509 = arith.constant 688 : index
        %swap3A_510 = tpu.vector_load %arg9[%swap3A_508, %swap3A_509] {strides = array<i32>} : memref<8x1024xf32, #tpu.memory_space<vmem>>, vector<1x16xf32>,
        %swap3A_511 = vector.shape_cast %swap3A_510 : vector<1x16xf32> to vector<16xf32>
        %swap3A_512 = vector.shape_cast %get3A_507 : vector<16xf32> to vector<1x16xf32>
        tpu.vector_store %arg9[%swap3A_508, %swap3A_509], %swap3A_512 {strides = array<i32>} : memref<8x1024xf32, #tpu.memory_space<vmem>>, vector<1x16xf32>,
        %mul3A_513 = arith.constant 16 : i32
        %mul3A_514 = arith.muli %scan3A_74, %mul3A_513 : i32
        %add3A_515 = arith.constant 11 : i32
        %add3A_516 = arith.addi %mul3A_514, %add3A_515 : i32
        %get3A_517 = arith.index_cast %add3A_516 : i32 to index
        %get3A_518 = arith.constant 0 : index
        %get3A_519 = tpu.vector_load %arg7[%get3A_517, %get3A_518] {strides = array<i32>} : memref<128x128xf32, #tpu.memory_space<vmem>>, vector<1x16xf32>,
        %get3A_520 = vector.shape_cast %get3A_519 : vector<1x16xf32> to vector<16xf32>
        %swap3A_521 = arith.index_cast %scan3A_74 : i32 to index
        %swap3A_522 = arith.constant 704 : index
        %swap3A_523 = tpu.vector_load %arg9[%swap3A_521, %swap3A_522] {strides = array<i32>} : memref<8x1024xf32, #tpu.memory_space<vmem>>, vector<1x16xf32>,
        %swap3A_524 = vector.shape_cast %swap3A_523 : vector<1x16xf32> to vector<16xf32>
        %swap3A_525 = vector.shape_cast %get3A_520 : vector<16xf32> to vector<1x16xf32>
        tpu.vector_store %arg9[%swap3A_521, %swap3A_522], %swap3A_525 {strides = array<i32>} : memref<8x1024xf32, #tpu.memory_space<vmem>>, vector<1x16xf32>,
        %get3A_526 = arith.index_cast %add3A_516 : i32 to index
        %get3A_527 = arith.constant 16 : index
        %get3A_528 = tpu.vector_load %arg7[%get3A_526, %get3A_527] {strides = array<i32>} : memref<128x128xf32, #tpu.memory_space<vmem>>, vector<1x16xf32>,
        %get3A_529 = vector.shape_cast %get3A_528 : vector<1x16xf32> to vector<16xf32>
        %swap3A_530 = arith.index_cast %scan3A_74 : i32 to index
        %swap3A_531 = arith.constant 720 : index
        %swap3A_532 = tpu.vector_load %arg9[%swap3A_530, %swap3A_531] {strides = array<i32>} : memref<8x1024xf32, #tpu.memory_space<vmem>>, vector<1x16xf32>,
        %swap3A_533 = vector.shape_cast %swap3A_532 : vector<1x16xf32> to vector<16xf32>
        %swap3A_534 = vector.shape_cast %get3A_529 : vector<16xf32> to vector<1x16xf32>
        tpu.vector_store %arg9[%swap3A_530, %swap3A_531], %swap3A_534 {strides = array<i32>} : memref<8x1024xf32, #tpu.memory_space<vmem>>, vector<1x16xf32>,
        %get3A_535 = arith.index_cast %add3A_516 : i32 to index
        %get3A_536 = arith.constant 32 : index
        %get3A_537 = tpu.vector_load %arg7[%get3A_535, %get3A_536] {strides = array<i32>} : memref<128x128xf32, #tpu.memory_space<vmem>>, vector<1x16xf32>,
        %get3A_538 = vector.shape_cast %get3A_537 : vector<1x16xf32> to vector<16xf32>
        %swap3A_539 = arith.index_cast %scan3A_74 : i32 to index
        %swap3A_540 = arith.constant 736 : index
        %swap3A_541 = tpu.vector_load %arg9[%swap3A_539, %swap3A_540] {strides = array<i32>} : memref<8x1024xf32, #tpu.memory_space<vmem>>, vector<1x16xf32>,
        %swap3A_542 = vector.shape_cast %swap3A_541 : vector<1x16xf32> to vector<16xf32>
        %swap3A_543 = vector.shape_cast %get3A_538 : vector<16xf32> to vector<1x16xf32>
        tpu.vector_store %arg9[%swap3A_539, %swap3A_540], %swap3A_543 {strides = array<i32>} : memref<8x1024xf32, #tpu.memory_space<vmem>>, vector<1x16xf32>,
        %get3A_544 = arith.index_cast %add3A_516 : i32 to index
        %get3A_545 = arith.constant 48 : index
        %get3A_546 = tpu.vector_load %arg7[%get3A_544, %get3A_545] {strides = array<i32>} : memref<128x128xf32, #tpu.memory_space<vmem>>, vector<1x16xf32>,
        %get3A_547 = vector.shape_cast %get3A_546 : vector<1x16xf32> to vector<16xf32>
        %swap3A_548 = arith.index_cast %scan3A_74 : i32 to index
        %swap3A_549 = arith.constant 752 : index
        %swap3A_550 = tpu.vector_load %arg9[%swap3A_548, %swap3A_549] {strides = array<i32>} : memref<8x1024xf32, #tpu.memory_space<vmem>>, vector<1x16xf32>,
        %swap3A_551 = vector.shape_cast %swap3A_550 : vector<1x16xf32> to vector<16xf32>
        %swap3A_552 = vector.shape_cast %get3A_547 : vector<16xf32> to vector<1x16xf32>
        tpu.vector_store %arg9[%swap3A_548, %swap3A_549], %swap3A_552 {strides = array<i32>} : memref<8x1024xf32, #tpu.memory_space<vmem>>, vector<1x16xf32>,
        %mul3A_553 = arith.constant 16 : i32
        %mul3A_554 = arith.muli %scan3A_74, %mul3A_553 : i32
        %add3A_555 = arith.constant 12 : i32
        %add3A_556 = arith.addi %mul3A_554, %add3A_555 : i32
        %get3A_557 = arith.index_cast %add3A_556 : i32 to index
        %get3A_558 = arith.constant 0 : index
        %get3A_559 = tpu.vector_load %arg7[%get3A_557, %get3A_558] {strides = array<i32>} : memref<128x128xf32, #tpu.memory_space<vmem>>, vector<1x16xf32>,
        %get3A_560 = vector.shape_cast %get3A_559 : vector<1x16xf32> to vector<16xf32>
        %swap3A_561 = arith.index_cast %scan3A_74 : i32 to index
        %swap3A_562 = arith.constant 768 : index
        %swap3A_563 = tpu.vector_load %arg9[%swap3A_561, %swap3A_562] {strides = array<i32>} : memref<8x1024xf32, #tpu.memory_space<vmem>>, vector<1x16xf32>,
        %swap3A_564 = vector.shape_cast %swap3A_563 : vector<1x16xf32> to vector<16xf32>
        %swap3A_565 = vector.shape_cast %get3A_560 : vector<16xf32> to vector<1x16xf32>
        tpu.vector_store %arg9[%swap3A_561, %swap3A_562], %swap3A_565 {strides = array<i32>} : memref<8x1024xf32, #tpu.memory_space<vmem>>, vector<1x16xf32>,
        %get3A_566 = arith.index_cast %add3A_556 : i32 to index
        %get3A_567 = arith.constant 16 : index
        %get3A_568 = tpu.vector_load %arg7[%get3A_566, %get3A_567] {strides = array<i32>} : memref<128x128xf32, #tpu.memory_space<vmem>>, vector<1x16xf32>,
        %get3A_569 = vector.shape_cast %get3A_568 : vector<1x16xf32> to vector<16xf32>
        %swap3A_570 = arith.index_cast %scan3A_74 : i32 to index
        %swap3A_571 = arith.constant 784 : index
        %swap3A_572 = tpu.vector_load %arg9[%swap3A_570, %swap3A_571] {strides = array<i32>} : memref<8x1024xf32, #tpu.memory_space<vmem>>, vector<1x16xf32>,
        %swap3A_573 = vector.shape_cast %swap3A_572 : vector<1x16xf32> to vector<16xf32>
        %swap3A_574 = vector.shape_cast %get3A_569 : vector<16xf32> to vector<1x16xf32>
        tpu.vector_store %arg9[%swap3A_570, %swap3A_571], %swap3A_574 {strides = array<i32>} : memref<8x1024xf32, #tpu.memory_space<vmem>>, vector<1x16xf32>,
        %get3A_575 = arith.index_cast %add3A_556 : i32 to index
        %get3A_576 = arith.constant 32 : index
        %get3A_577 = tpu.vector_load %arg7[%get3A_575, %get3A_576] {strides = array<i32>} : memref<128x128xf32, #tpu.memory_space<vmem>>, vector<1x16xf32>,
        %get3A_578 = vector.shape_cast %get3A_577 : vector<1x16xf32> to vector<16xf32>
        %swap3A_579 = arith.index_cast %scan3A_74 : i32 to index
        %swap3A_580 = arith.constant 800 : index
        %swap3A_581 = tpu.vector_load %arg9[%swap3A_579, %swap3A_580] {strides = array<i32>} : memref<8x1024xf32, #tpu.memory_space<vmem>>, vector<1x16xf32>,
        %swap3A_582 = vector.shape_cast %swap3A_581 : vector<1x16xf32> to vector<16xf32>
        %swap3A_583 = vector.shape_cast %get3A_578 : vector<16xf32> to vector<1x16xf32>
        tpu.vector_store %arg9[%swap3A_579, %swap3A_580], %swap3A_583 {strides = array<i32>} : memref<8x1024xf32, #tpu.memory_space<vmem>>, vector<1x16xf32>,
        %get3A_584 = arith.index_cast %add3A_556 : i32 to index
        %get3A_585 = arith.constant 48 : index
        %get3A_586 = tpu.vector_load %arg7[%get3A_584, %get3A_585] {strides = array<i32>} : memref<128x128xf32, #tpu.memory_space<vmem>>, vector<1x16xf32>,
        %get3A_587 = vector.shape_cast %get3A_586 : vector<1x16xf32> to vector<16xf32>
        %swap3A_588 = arith.index_cast %scan3A_74 : i32 to index
        %swap3A_589 = arith.constant 816 : index
        %swap3A_590 = tpu.vector_load %arg9[%swap3A_588, %swap3A_589] {strides = array<i32>} : memref<8x1024xf32, #tpu.memory_space<vmem>>, vector<1x16xf32>,
        %swap3A_591 = vector.shape_cast %swap3A_590 : vector<1x16xf32> to vector<16xf32>
        %swap3A_592 = vector.shape_cast %get3A_587 : vector<16xf32> to vector<1x16xf32>
        tpu.vector_store %arg9[%swap3A_588, %swap3A_589], %swap3A_592 {strides = array<i32>} : memref<8x1024xf32, #tpu.memory_space<vmem>>, vector<1x16xf32>,
        %mul3A_593 = arith.constant 16 : i32
        %mul3A_594 = arith.muli %scan3A_74, %mul3A_593 : i32
        %add3A_595 = arith.constant 13 : i32
        %add3A_596 = arith.addi %mul3A_594, %add3A_595 : i32
        %get3A_597 = arith.index_cast %add3A_596 : i32 to index
        %get3A_598 = arith.constant 0 : index
        %get3A_599 = tpu.vector_load %arg7[%get3A_597, %get3A_598] {strides = array<i32>} : memref<128x128xf32, #tpu.memory_space<vmem>>, vector<1x16xf32>,
        %get3A_600 = vector.shape_cast %get3A_599 : vector<1x16xf32> to vector<16xf32>
        %swap3A_601 = arith.index_cast %scan3A_74 : i32 to index
        %swap3A_602 = arith.constant 832 : index
        %swap3A_603 = tpu.vector_load %arg9[%swap3A_601, %swap3A_602] {strides = array<i32>} : memref<8x1024xf32, #tpu.memory_space<vmem>>, vector<1x16xf32>,
        %swap3A_604 = vector.shape_cast %swap3A_603 : vector<1x16xf32> to vector<16xf32>
        %swap3A_605 = vector.shape_cast %get3A_600 : vector<16xf32> to vector<1x16xf32>
        tpu.vector_store %arg9[%swap3A_601, %swap3A_602], %swap3A_605 {strides = array<i32>} : memref<8x1024xf32, #tpu.memory_space<vmem>>, vector<1x16xf32>,
        %get3A_606 = arith.index_cast %add3A_596 : i32 to index
        %get3A_607 = arith.constant 16 : index
        %get3A_608 = tpu.vector_load %arg7[%get3A_606, %get3A_607] {strides = array<i32>} : memref<128x128xf32, #tpu.memory_space<vmem>>, vector<1x16xf32>,
        %get3A_609 = vector.shape_cast %get3A_608 : vector<1x16xf32> to vector<16xf32>
        %swap3A_610 = arith.index_cast %scan3A_74 : i32 to index
        %swap3A_611 = arith.constant 848 : index
        %swap3A_612 = tpu.vector_load %arg9[%swap3A_610, %swap3A_611] {strides = array<i32>} : memref<8x1024xf32, #tpu.memory_space<vmem>>, vector<1x16xf32>,
        %swap3A_613 = vector.shape_cast %swap3A_612 : vector<1x16xf32> to vector<16xf32>
        %swap3A_614 = vector.shape_cast %get3A_609 : vector<16xf32> to vector<1x16xf32>
        tpu.vector_store %arg9[%swap3A_610, %swap3A_611], %swap3A_614 {strides = array<i32>} : memref<8x1024xf32, #tpu.memory_space<vmem>>, vector<1x16xf32>,
        %get3A_615 = arith.index_cast %add3A_596 : i32 to index
        %get3A_616 = arith.constant 32 : index
        %get3A_617 = tpu.vector_load %arg7[%get3A_615, %get3A_616] {strides = array<i32>} : memref<128x128xf32, #tpu.memory_space<vmem>>, vector<1x16xf32>,
        %get3A_618 = vector.shape_cast %get3A_617 : vector<1x16xf32> to vector<16xf32>
        %swap3A_619 = arith.index_cast %scan3A_74 : i32 to index
        %swap3A_620 = arith.constant 864 : index
        %swap3A_621 = tpu.vector_load %arg9[%swap3A_619, %swap3A_620] {strides = array<i32>} : memref<8x1024xf32, #tpu.memory_space<vmem>>, vector<1x16xf32>,
        %swap3A_622 = vector.shape_cast %swap3A_621 : vector<1x16xf32> to vector<16xf32>
        %swap3A_623 = vector.shape_cast %get3A_618 : vector<16xf32> to vector<1x16xf32>
        tpu.vector_store %arg9[%swap3A_619, %swap3A_620], %swap3A_623 {strides = array<i32>} : memref<8x1024xf32, #tpu.memory_space<vmem>>, vector<1x16xf32>,
        %get3A_624 = arith.index_cast %add3A_596 : i32 to index
        %get3A_625 = arith.constant 48 : index
        %get3A_626 = tpu.vector_load %arg7[%get3A_624, %get3A_625] {strides = array<i32>} : memref<128x128xf32, #tpu.memory_space<vmem>>, vector<1x16xf32>,
        %get3A_627 = vector.shape_cast %get3A_626 : vector<1x16xf32> to vector<16xf32>
        %swap3A_628 = arith.index_cast %scan3A_74 : i32 to index
        %swap3A_629 = arith.constant 880 : index
        %swap3A_630 = tpu.vector_load %arg9[%swap3A_628, %swap3A_629] {strides = array<i32>} : memref<8x1024xf32, #tpu.memory_space<vmem>>, vector<1x16xf32>,
        %swap3A_631 = vector.shape_cast %swap3A_630 : vector<1x16xf32> to vector<16xf32>
        %swap3A_632 = vector.shape_cast %get3A_627 : vector<16xf32> to vector<1x16xf32>
        tpu.vector_store %arg9[%swap3A_628, %swap3A_629], %swap3A_632 {strides = array<i32>} : memref<8x1024xf32, #tpu.memory_space<vmem>>, vector<1x16xf32>,
        %mul3A_633 = arith.constant 16 : i32
        %mul3A_634 = arith.muli %scan3A_74, %mul3A_633 : i32
        %add3A_635 = arith.constant 14 : i32
        %add3A_636 = arith.addi %mul3A_634, %add3A_635 : i32
        %get3A_637 = arith.index_cast %add3A_636 : i32 to index
        %get3A_638 = arith.constant 0 : index
        %get3A_639 = tpu.vector_load %arg7[%get3A_637, %get3A_638] {strides = array<i32>} : memref<128x128xf32, #tpu.memory_space<vmem>>, vector<1x16xf32>,
        %get3A_640 = vector.shape_cast %get3A_639 : vector<1x16xf32> to vector<16xf32>
        %swap3A_641 = arith.index_cast %scan3A_74 : i32 to index
        %swap3A_642 = arith.constant 896 : index
        %swap3A_643 = tpu.vector_load %arg9[%swap3A_641, %swap3A_642] {strides = array<i32>} : memref<8x1024xf32, #tpu.memory_space<vmem>>, vector<1x16xf32>,
        %swap3A_644 = vector.shape_cast %swap3A_643 : vector<1x16xf32> to vector<16xf32>
        %swap3A_645 = vector.shape_cast %get3A_640 : vector<16xf32> to vector<1x16xf32>
        tpu.vector_store %arg9[%swap3A_641, %swap3A_642], %swap3A_645 {strides = array<i32>} : memref<8x1024xf32, #tpu.memory_space<vmem>>, vector<1x16xf32>,
        %get3A_646 = arith.index_cast %add3A_636 : i32 to index
        %get3A_647 = arith.constant 16 : index
        %get3A_648 = tpu.vector_load %arg7[%get3A_646, %get3A_647] {strides = array<i32>} : memref<128x128xf32, #tpu.memory_space<vmem>>, vector<1x16xf32>,
        %get3A_649 = vector.shape_cast %get3A_648 : vector<1x16xf32> to vector<16xf32>
        %swap3A_650 = arith.index_cast %scan3A_74 : i32 to index
        %swap3A_651 = arith.constant 912 : index
        %swap3A_652 = tpu.vector_load %arg9[%swap3A_650, %swap3A_651] {strides = array<i32>} : memref<8x1024xf32, #tpu.memory_space<vmem>>, vector<1x16xf32>,
        %swap3A_653 = vector.shape_cast %swap3A_652 : vector<1x16xf32> to vector<16xf32>
        %swap3A_654 = vector.shape_cast %get3A_649 : vector<16xf32> to vector<1x16xf32>
        tpu.vector_store %arg9[%swap3A_650, %swap3A_651], %swap3A_654 {strides = array<i32>} : memref<8x1024xf32, #tpu.memory_space<vmem>>, vector<1x16xf32>,
        %get3A_655 = arith.index_cast %add3A_636 : i32 to index
        %get3A_656 = arith.constant 32 : index
        %get3A_657 = tpu.vector_load %arg7[%get3A_655, %get3A_656] {strides = array<i32>} : memref<128x128xf32, #tpu.memory_space<vmem>>, vector<1x16xf32>,
        %get3A_658 = vector.shape_cast %get3A_657 : vector<1x16xf32> to vector<16xf32>
        %swap3A_659 = arith.index_cast %scan3A_74 : i32 to index
        %swap3A_660 = arith.constant 928 : index
        %swap3A_661 = tpu.vector_load %arg9[%swap3A_659, %swap3A_660] {strides = array<i32>} : memref<8x1024xf32, #tpu.memory_space<vmem>>, vector<1x16xf32>,
        %swap3A_662 = vector.shape_cast %swap3A_661 : vector<1x16xf32> to vector<16xf32>
        %swap3A_663 = vector.shape_cast %get3A_658 : vector<16xf32> to vector<1x16xf32>
        tpu.vector_store %arg9[%swap3A_659, %swap3A_660], %swap3A_663 {strides = array<i32>} : memref<8x1024xf32, #tpu.memory_space<vmem>>, vector<1x16xf32>,
        %get3A_664 = arith.index_cast %add3A_636 : i32 to index
        %get3A_665 = arith.constant 48 : index
        %get3A_666 = tpu.vector_load %arg7[%get3A_664, %get3A_665] {strides = array<i32>} : memref<128x128xf32, #tpu.memory_space<vmem>>, vector<1x16xf32>,
        %get3A_667 = vector.shape_cast %get3A_666 : vector<1x16xf32> to vector<16xf32>
        %swap3A_668 = arith.index_cast %scan3A_74 : i32 to index
        %swap3A_669 = arith.constant 944 : index
        %swap3A_670 = tpu.vector_load %arg9[%swap3A_668, %swap3A_669] {strides = array<i32>} : memref<8x1024xf32, #tpu.memory_space<vmem>>, vector<1x16xf32>,
        %swap3A_671 = vector.shape_cast %swap3A_670 : vector<1x16xf32> to vector<16xf32>
        %swap3A_672 = vector.shape_cast %get3A_667 : vector<16xf32> to vector<1x16xf32>
        tpu.vector_store %arg9[%swap3A_668, %swap3A_669], %swap3A_672 {strides = array<i32>} : memref<8x1024xf32, #tpu.memory_space<vmem>>, vector<1x16xf32>,
        %mul3A_673 = arith.constant 16 : i32
        %mul3A_674 = arith.muli %scan3A_74, %mul3A_673 : i32
        %add3A_675 = arith.constant 15 : i32
        %add3A_676 = arith.addi %mul3A_674, %add3A_675 : i32
        %get3A_677 = arith.index_cast %add3A_676 : i32 to index
        %get3A_678 = arith.constant 0 : index
        %get3A_679 = tpu.vector_load %arg7[%get3A_677, %get3A_678] {strides = array<i32>} : memref<128x128xf32, #tpu.memory_space<vmem>>, vector<1x16xf32>,
        %get3A_680 = vector.shape_cast %get3A_679 : vector<1x16xf32> to vector<16xf32>
        %swap3A_681 = arith.index_cast %scan3A_74 : i32 to index
        %swap3A_682 = arith.constant 960 : index
        %swap3A_683 = tpu.vector_load %arg9[%swap3A_681, %swap3A_682] {strides = array<i32>} : memref<8x1024xf32, #tpu.memory_space<vmem>>, vector<1x16xf32>,
        %swap3A_684 = vector.shape_cast %swap3A_683 : vector<1x16xf32> to vector<16xf32>
        %swap3A_685 = vector.shape_cast %get3A_680 : vector<16xf32> to vector<1x16xf32>
        tpu.vector_store %arg9[%swap3A_681, %swap3A_682], %swap3A_685 {strides = array<i32>} : memref<8x1024xf32, #tpu.memory_space<vmem>>, vector<1x16xf32>,
        %get3A_686 = arith.index_cast %add3A_676 : i32 to index
        %get3A_687 = arith.constant 16 : index
        %get3A_688 = tpu.vector_load %arg7[%get3A_686, %get3A_687] {strides = array<i32>} : memref<128x128xf32, #tpu.memory_space<vmem>>, vector<1x16xf32>,
        %get3A_689 = vector.shape_cast %get3A_688 : vector<1x16xf32> to vector<16xf32>
        %swap3A_690 = arith.index_cast %scan3A_74 : i32 to index
        %swap3A_691 = arith.constant 976 : index
        %swap3A_692 = tpu.vector_load %arg9[%swap3A_690, %swap3A_691] {strides = array<i32>} : memref<8x1024xf32, #tpu.memory_space<vmem>>, vector<1x16xf32>,
        %swap3A_693 = vector.shape_cast %swap3A_692 : vector<1x16xf32> to vector<16xf32>
        %swap3A_694 = vector.shape_cast %get3A_689 : vector<16xf32> to vector<1x16xf32>
        tpu.vector_store %arg9[%swap3A_690, %swap3A_691], %swap3A_694 {strides = array<i32>} : memref<8x1024xf32, #tpu.memory_space<vmem>>, vector<1x16xf32>,
        %get3A_695 = arith.index_cast %add3A_676 : i32 to index
        %get3A_696 = arith.constant 32 : index
        %get3A_697 = tpu.vector_load %arg7[%get3A_695, %get3A_696] {strides = array<i32>} : memref<128x128xf32, #tpu.memory_space<vmem>>, vector<1x16xf32>,
        %get3A_698 = vector.shape_cast %get3A_697 : vector<1x16xf32> to vector<16xf32>
        %swap3A_699 = arith.index_cast %scan3A_74 : i32 to index
        %swap3A_700 = arith.constant 992 : index
        %swap3A_701 = tpu.vector_load %arg9[%swap3A_699, %swap3A_700] {strides = array<i32>} : memref<8x1024xf32, #tpu.memory_space<vmem>>, vector<1x16xf32>,
        %swap3A_702 = vector.shape_cast %swap3A_701 : vector<1x16xf32> to vector<16xf32>
        %swap3A_703 = vector.shape_cast %get3A_698 : vector<16xf32> to vector<1x16xf32>
        tpu.vector_store %arg9[%swap3A_699, %swap3A_700], %swap3A_703 {strides = array<i32>} : memref<8x1024xf32, #tpu.memory_space<vmem>>, vector<1x16xf32>,
        %get3A_704 = arith.index_cast %add3A_676 : i32 to index
        %get3A_705 = arith.constant 48 : index
        %get3A_706 = tpu.vector_load %arg7[%get3A_704, %get3A_705] {strides = array<i32>} : memref<128x128xf32, #tpu.memory_space<vmem>>, vector<1x16xf32>,
        %get3A_707 = vector.shape_cast %get3A_706 : vector<1x16xf32> to vector<16xf32>
        %swap3A_708 = arith.index_cast %scan3A_74 : i32 to index
        %swap3A_709 = arith.constant 1008 : index
        %swap3A_710 = tpu.vector_load %arg9[%swap3A_708, %swap3A_709] {strides = array<i32>} : memref<8x1024xf32, #tpu.memory_space<vmem>>, vector<1x16xf32>,
        %swap3A_711 = vector.shape_cast %swap3A_710 : vector<1x16xf32> to vector<16xf32>
        %swap3A_712 = vector.shape_cast %get3A_707 : vector<16xf32> to vector<1x16xf32>
        tpu.vector_store %arg9[%swap3A_708, %swap3A_709], %swap3A_712 {strides = array<i32>} : memref<8x1024xf32, #tpu.memory_space<vmem>>, vector<1x16xf32>,
      }
      %scan3A_42 = arith.constant 8 : i32
      "tpu.region"() ({
        %run_scoped3A = tpu.sem_alloc : memref<!tpu.dma_semaphore, #tpu.memory_space<semaphore_mem>>
        %dma_start3A_74 = arith.constant 0 : i32
        %dma_start3A_75 = tpu.memref_slice %arg4[%add3A_36, %dma_start3A_74] : memref<9216x1024xf32, #tpu.memory_space<hbm>> -> memref<8x1024xf32, #tpu.memory_space<hbm>>
        %dma_start3A_76 = arith.constant 0 : i32
        %dma_start3A_77 = tpu.memref_slice %arg4[%add3A_36, %dma_start3A_76] : memref<9216x1024xf32, #tpu.memory_space<hbm>> -> memref<8x1024xf32, #tpu.memory_space<hbm>>
        tpu.enqueue_dma source(%arg9 : memref<8x1024xf32, #tpu.memory_space<vmem>>) target(%dma_start3A_77 : memref<8x1024xf32, #tpu.memory_space<hbm>>) target_semaphore(%run_scoped3A : memref<!tpu.dma_semaphore, #tpu.memory_space<semaphore_mem>>)
        %dma_wait3A_78 = arith.constant 0 : i32
        %dma_wait3A_79 = tpu.memref_slice %arg4[%add3A_36, %dma_wait3A_78] : memref<9216x1024xf32, #tpu.memory_space<hbm>> -> memref<8x1024xf32, #tpu.memory_space<hbm>>
        %dma_wait3A_80 = arith.constant 0 : i32
        %dma_wait3A_81 = tpu.memref_slice %arg4[%add3A_36, %dma_wait3A_80] : memref<9216x1024xf32, #tpu.memory_space<hbm>> -> memref<8x1024xf32, #tpu.memory_space<hbm>>
        tpu.wait_dma2 semaphore(%run_scoped3A : memref<!tpu.dma_semaphore, #tpu.memory_space<semaphore_mem>>) src(%arg9 : memref<8x1024xf32, #tpu.memory_space<vmem>>) dst(%dma_wait3A_81 : memref<8x1024xf32, #tpu.memory_space<hbm>>)
        tpu.yield
      }) : () -> ()
      %dma_wait3A_43 = arith.constant 0 : i32
      %dma_wait3A_44 = arith.constant 0 : i32
      %dma_wait3A_45 = tpu.memref_slice %arg3[%dma_wait3A_43, %dma_wait3A_44] : memref<16384x128xf32, #tpu.memory_space<hbm>> -> memref<16384x128xf32, #tpu.memory_space<hbm>>
      tpu.wait_indirect_dma semaphore(%arg11 : memref<!tpu.dma_semaphore, #tpu.memory_space<semaphore_mem>>) src(%dma_wait3A_45 : memref<16384x128xf32, #tpu.memory_space<hbm>>) dst(%arg8 : memref<128x128xf32, #tpu.memory_space<vmem>>)
      %add3A_46 = arith.constant 2 : i32
      %add3A_47 = arith.addi %mul3A_19, %add3A_46 : i32
      %rem3A_48 = arith.constant 36 : i32
      %rem3A_49 = arith.remsi %add3A_47, %rem3A_48 : i32
      %mul3A_50 = arith.constant 4608 : i32
      %mul3A_51 = arith.muli %add3A, %mul3A_50 : i32
      %mul3A_52 = arith.constant 128 : i32
      %mul3A_53 = arith.muli %rem3A_49, %mul3A_52 : i32
      %add3A_54 = arith.addi %mul3A_51, %mul3A_53 : i32
      "tpu.region"() ({
        %run_scoped3A = tpu.sem_alloc : memref<!tpu.dma_semaphore, #tpu.memory_space<semaphore_mem>>
        %dma_start3A_74 = tpu.memref_slice %arg2[%add3A_54] : memref<147456xi32, #tpu.memory_space<hbm>> -> memref<128xi32, #tpu.memory_space<hbm>>
        %dma_start3A_75 = tpu.memref_slice %arg2[%add3A_54] : memref<147456xi32, #tpu.memory_space<hbm>> -> memref<128xi32, #tpu.memory_space<hbm>>
        tpu.enqueue_dma source(%dma_start3A_75 : memref<128xi32, #tpu.memory_space<hbm>>) target(%arg5 : memref<128xi32, #tpu.memory_space<vmem>>) target_semaphore(%run_scoped3A : memref<!tpu.dma_semaphore, #tpu.memory_space<semaphore_mem>>)
        %dma_wait3A_76 = tpu.memref_slice %arg2[%add3A_54] : memref<147456xi32, #tpu.memory_space<hbm>> -> memref<128xi32, #tpu.memory_space<hbm>>
        %dma_wait3A_77 = tpu.memref_slice %arg2[%add3A_54] : memref<147456xi32, #tpu.memory_space<hbm>> -> memref<128xi32, #tpu.memory_space<hbm>>
        tpu.wait_dma2 semaphore(%run_scoped3A : memref<!tpu.dma_semaphore, #tpu.memory_space<semaphore_mem>>) src(%dma_wait3A_77 : memref<128xi32, #tpu.memory_space<hbm>>) dst(%arg5 : memref<128xi32, #tpu.memory_space<vmem>>)
        tpu.yield
      }) : () -> ()
      %dma_start3A_55 = arith.constant 0 : i32
      %dma_start3A_56 = arith.constant 0 : i32
      %dma_start3A_57 = tpu.memref_slice %arg3[%dma_start3A_55, %dma_start3A_56] : memref<16384x128xf32, #tpu.memory_space<hbm>> -> memref<16384x128xf32, #tpu.memory_space<hbm>>
      tpu.enqueue_indirect_dma source(%dma_start3A_57 : memref<16384x128xf32, #tpu.memory_space<hbm>>) target(%arg7 : memref<128x128xf32, #tpu.memory_space<vmem>>) offsets(%arg5 : memref<128xi32, #tpu.memory_space<vmem>>) semaphore(%arg10 : memref<!tpu.dma_semaphore, #tpu.memory_space<semaphore_mem>>)
      %add3A_58 = arith.constant 1 : i32
      %add3A_59 = arith.addi %mul3A_19, %add3A_58 : i32
      %mul3A_60 = arith.constant 288 : i32
      %mul3A_61 = arith.muli %add3A, %mul3A_60 : i32
      %mul3A_62 = arith.constant 8 : i32
      %mul3A_63 = arith.muli %add3A_59, %mul3A_62 : i32
      %add3A_64 = arith.addi %mul3A_61, %mul3A_63 : i32
      %scan3A_65 = arith.constant 0 : i32
      %scan3A_66 = arith.constant 0 : i32
      %scan3A_67 = arith.constant 8 : i32
      %scan3A_68 = arith.addi %scan3A_66, %scan3A_67 : i32
      %scan3A_69 = arith.constant 1 : i32
      scf.for %scan3A_74 = %scan3A_66 to %scan3A_68 step %scan3A_69  : i32 {
        %mul3A_75 = arith.constant 16 : i32
        %mul3A_76 = arith.muli %scan3A_74, %mul3A_75 : i32
        %add3A_77 = arith.constant 0 : i32
        %add3A_78 = arith.addi %mul3A_76, %add3A_77 : i32
        %get3A = arith.index_cast %add3A_78 : i32 to index
        %get3A_79 = arith.constant 0 : index
        %get3A_80 = tpu.vector_load %arg8[%get3A, %get3A_79] {strides = array<i32>} : memref<128x128xf32, #tpu.memory_space<vmem>>, vector<1x16xf32>,
        %get3A_81 = vector.shape_cast %get3A_80 : vector<1x16xf32> to vector<16xf32>
        %swap3A = arith.index_cast %scan3A_74 : i32 to index
        %swap3A_82 = arith.constant 0 : index
        %swap3A_83 = tpu.vector_load %arg9[%swap3A, %swap3A_82] {strides = array<i32>} : memref<8x1024xf32, #tpu.memory_space<vmem>>, vector<1x16xf32>,
        %swap3A_84 = vector.shape_cast %swap3A_83 : vector<1x16xf32> to vector<16xf32>
        %swap3A_85 = vector.shape_cast %get3A_81 : vector<16xf32> to vector<1x16xf32>
        tpu.vector_store %arg9[%swap3A, %swap3A_82], %swap3A_85 {strides = array<i32>} : memref<8x1024xf32, #tpu.memory_space<vmem>>, vector<1x16xf32>,
        %get3A_86 = arith.index_cast %add3A_78 : i32 to index
        %get3A_87 = arith.constant 16 : index
        %get3A_88 = tpu.vector_load %arg8[%get3A_86, %get3A_87] {strides = array<i32>} : memref<128x128xf32, #tpu.memory_space<vmem>>, vector<1x16xf32>,
        %get3A_89 = vector.shape_cast %get3A_88 : vector<1x16xf32> to vector<16xf32>
        %swap3A_90 = arith.index_cast %scan3A_74 : i32 to index
        %swap3A_91 = arith.constant 16 : index
        %swap3A_92 = tpu.vector_load %arg9[%swap3A_90, %swap3A_91] {strides = array<i32>} : memref<8x1024xf32, #tpu.memory_space<vmem>>, vector<1x16xf32>,
        %swap3A_93 = vector.shape_cast %swap3A_92 : vector<1x16xf32> to vector<16xf32>
        %swap3A_94 = vector.shape_cast %get3A_89 : vector<16xf32> to vector<1x16xf32>
        tpu.vector_store %arg9[%swap3A_90, %swap3A_91], %swap3A_94 {strides = array<i32>} : memref<8x1024xf32, #tpu.memory_space<vmem>>, vector<1x16xf32>,
        %get3A_95 = arith.index_cast %add3A_78 : i32 to index
        %get3A_96 = arith.constant 32 : index
        %get3A_97 = tpu.vector_load %arg8[%get3A_95, %get3A_96] {strides = array<i32>} : memref<128x128xf32, #tpu.memory_space<vmem>>, vector<1x16xf32>,
        %get3A_98 = vector.shape_cast %get3A_97 : vector<1x16xf32> to vector<16xf32>
        %swap3A_99 = arith.index_cast %scan3A_74 : i32 to index
        %swap3A_100 = arith.constant 32 : index
        %swap3A_101 = tpu.vector_load %arg9[%swap3A_99, %swap3A_100] {strides = array<i32>} : memref<8x1024xf32, #tpu.memory_space<vmem>>, vector<1x16xf32>,
        %swap3A_102 = vector.shape_cast %swap3A_101 : vector<1x16xf32> to vector<16xf32>
        %swap3A_103 = vector.shape_cast %get3A_98 : vector<16xf32> to vector<1x16xf32>
        tpu.vector_store %arg9[%swap3A_99, %swap3A_100], %swap3A_103 {strides = array<i32>} : memref<8x1024xf32, #tpu.memory_space<vmem>>, vector<1x16xf32>,
        %get3A_104 = arith.index_cast %add3A_78 : i32 to index
        %get3A_105 = arith.constant 48 : index
        %get3A_106 = tpu.vector_load %arg8[%get3A_104, %get3A_105] {strides = array<i32>} : memref<128x128xf32, #tpu.memory_space<vmem>>, vector<1x16xf32>,
        %get3A_107 = vector.shape_cast %get3A_106 : vector<1x16xf32> to vector<16xf32>
        %swap3A_108 = arith.index_cast %scan3A_74 : i32 to index
        %swap3A_109 = arith.constant 48 : index
        %swap3A_110 = tpu.vector_load %arg9[%swap3A_108, %swap3A_109] {strides = array<i32>} : memref<8x1024xf32, #tpu.memory_space<vmem>>, vector<1x16xf32>,
        %swap3A_111 = vector.shape_cast %swap3A_110 : vector<1x16xf32> to vector<16xf32>
        %swap3A_112 = vector.shape_cast %get3A_107 : vector<16xf32> to vector<1x16xf32>
        tpu.vector_store %arg9[%swap3A_108, %swap3A_109], %swap3A_112 {strides = array<i32>} : memref<8x1024xf32, #tpu.memory_space<vmem>>, vector<1x16xf32>,
        %mul3A_113 = arith.constant 16 : i32
        %mul3A_114 = arith.muli %scan3A_74, %mul3A_113 : i32
        %add3A_115 = arith.constant 1 : i32
        %add3A_116 = arith.addi %mul3A_114, %add3A_115 : i32
        %get3A_117 = arith.index_cast %add3A_116 : i32 to index
        %get3A_118 = arith.constant 0 : index
        %get3A_119 = tpu.vector_load %arg8[%get3A_117, %get3A_118] {strides = array<i32>} : memref<128x128xf32, #tpu.memory_space<vmem>>, vector<1x16xf32>,
        %get3A_120 = vector.shape_cast %get3A_119 : vector<1x16xf32> to vector<16xf32>
        %swap3A_121 = arith.index_cast %scan3A_74 : i32 to index
        %swap3A_122 = arith.constant 64 : index
        %swap3A_123 = tpu.vector_load %arg9[%swap3A_121, %swap3A_122] {strides = array<i32>} : memref<8x1024xf32, #tpu.memory_space<vmem>>, vector<1x16xf32>,
        %swap3A_124 = vector.shape_cast %swap3A_123 : vector<1x16xf32> to vector<16xf32>
        %swap3A_125 = vector.shape_cast %get3A_120 : vector<16xf32> to vector<1x16xf32>
        tpu.vector_store %arg9[%swap3A_121, %swap3A_122], %swap3A_125 {strides = array<i32>} : memref<8x1024xf32, #tpu.memory_space<vmem>>, vector<1x16xf32>,
        %get3A_126 = arith.index_cast %add3A_116 : i32 to index
        %get3A_127 = arith.constant 16 : index
        %get3A_128 = tpu.vector_load %arg8[%get3A_126, %get3A_127] {strides = array<i32>} : memref<128x128xf32, #tpu.memory_space<vmem>>, vector<1x16xf32>,
        %get3A_129 = vector.shape_cast %get3A_128 : vector<1x16xf32> to vector<16xf32>
        %swap3A_130 = arith.index_cast %scan3A_74 : i32 to index
        %swap3A_131 = arith.constant 80 : index
        %swap3A_132 = tpu.vector_load %arg9[%swap3A_130, %swap3A_131] {strides = array<i32>} : memref<8x1024xf32, #tpu.memory_space<vmem>>, vector<1x16xf32>,
        %swap3A_133 = vector.shape_cast %swap3A_132 : vector<1x16xf32> to vector<16xf32>
        %swap3A_134 = vector.shape_cast %get3A_129 : vector<16xf32> to vector<1x16xf32>
        tpu.vector_store %arg9[%swap3A_130, %swap3A_131], %swap3A_134 {strides = array<i32>} : memref<8x1024xf32, #tpu.memory_space<vmem>>, vector<1x16xf32>,
        %get3A_135 = arith.index_cast %add3A_116 : i32 to index
        %get3A_136 = arith.constant 32 : index
        %get3A_137 = tpu.vector_load %arg8[%get3A_135, %get3A_136] {strides = array<i32>} : memref<128x128xf32, #tpu.memory_space<vmem>>, vector<1x16xf32>,
        %get3A_138 = vector.shape_cast %get3A_137 : vector<1x16xf32> to vector<16xf32>
        %swap3A_139 = arith.index_cast %scan3A_74 : i32 to index
        %swap3A_140 = arith.constant 96 : index
        %swap3A_141 = tpu.vector_load %arg9[%swap3A_139, %swap3A_140] {strides = array<i32>} : memref<8x1024xf32, #tpu.memory_space<vmem>>, vector<1x16xf32>,
        %swap3A_142 = vector.shape_cast %swap3A_141 : vector<1x16xf32> to vector<16xf32>
        %swap3A_143 = vector.shape_cast %get3A_138 : vector<16xf32> to vector<1x16xf32>
        tpu.vector_store %arg9[%swap3A_139, %swap3A_140], %swap3A_143 {strides = array<i32>} : memref<8x1024xf32, #tpu.memory_space<vmem>>, vector<1x16xf32>,
        %get3A_144 = arith.index_cast %add3A_116 : i32 to index
        %get3A_145 = arith.constant 48 : index
        %get3A_146 = tpu.vector_load %arg8[%get3A_144, %get3A_145] {strides = array<i32>} : memref<128x128xf32, #tpu.memory_space<vmem>>, vector<1x16xf32>,
        %get3A_147 = vector.shape_cast %get3A_146 : vector<1x16xf32> to vector<16xf32>
        %swap3A_148 = arith.index_cast %scan3A_74 : i32 to index
        %swap3A_149 = arith.constant 112 : index
        %swap3A_150 = tpu.vector_load %arg9[%swap3A_148, %swap3A_149] {strides = array<i32>} : memref<8x1024xf32, #tpu.memory_space<vmem>>, vector<1x16xf32>,
        %swap3A_151 = vector.shape_cast %swap3A_150 : vector<1x16xf32> to vector<16xf32>
        %swap3A_152 = vector.shape_cast %get3A_147 : vector<16xf32> to vector<1x16xf32>
        tpu.vector_store %arg9[%swap3A_148, %swap3A_149], %swap3A_152 {strides = array<i32>} : memref<8x1024xf32, #tpu.memory_space<vmem>>, vector<1x16xf32>,
        %mul3A_153 = arith.constant 16 : i32
        %mul3A_154 = arith.muli %scan3A_74, %mul3A_153 : i32
        %add3A_155 = arith.constant 2 : i32
        %add3A_156 = arith.addi %mul3A_154, %add3A_155 : i32
        %get3A_157 = arith.index_cast %add3A_156 : i32 to index
        %get3A_158 = arith.constant 0 : index
        %get3A_159 = tpu.vector_load %arg8[%get3A_157, %get3A_158] {strides = array<i32>} : memref<128x128xf32, #tpu.memory_space<vmem>>, vector<1x16xf32>,
        %get3A_160 = vector.shape_cast %get3A_159 : vector<1x16xf32> to vector<16xf32>
        %swap3A_161 = arith.index_cast %scan3A_74 : i32 to index
        %swap3A_162 = arith.constant 128 : index
        %swap3A_163 = tpu.vector_load %arg9[%swap3A_161, %swap3A_162] {strides = array<i32>} : memref<8x1024xf32, #tpu.memory_space<vmem>>, vector<1x16xf32>,
        %swap3A_164 = vector.shape_cast %swap3A_163 : vector<1x16xf32> to vector<16xf32>
        %swap3A_165 = vector.shape_cast %get3A_160 : vector<16xf32> to vector<1x16xf32>
        tpu.vector_store %arg9[%swap3A_161, %swap3A_162], %swap3A_165 {strides = array<i32>} : memref<8x1024xf32, #tpu.memory_space<vmem>>, vector<1x16xf32>,
        %get3A_166 = arith.index_cast %add3A_156 : i32 to index
        %get3A_167 = arith.constant 16 : index
        %get3A_168 = tpu.vector_load %arg8[%get3A_166, %get3A_167] {strides = array<i32>} : memref<128x128xf32, #tpu.memory_space<vmem>>, vector<1x16xf32>,
        %get3A_169 = vector.shape_cast %get3A_168 : vector<1x16xf32> to vector<16xf32>
        %swap3A_170 = arith.index_cast %scan3A_74 : i32 to index
        %swap3A_171 = arith.constant 144 : index
        %swap3A_172 = tpu.vector_load %arg9[%swap3A_170, %swap3A_171] {strides = array<i32>} : memref<8x1024xf32, #tpu.memory_space<vmem>>, vector<1x16xf32>,
        %swap3A_173 = vector.shape_cast %swap3A_172 : vector<1x16xf32> to vector<16xf32>
        %swap3A_174 = vector.shape_cast %get3A_169 : vector<16xf32> to vector<1x16xf32>
        tpu.vector_store %arg9[%swap3A_170, %swap3A_171], %swap3A_174 {strides = array<i32>} : memref<8x1024xf32, #tpu.memory_space<vmem>>, vector<1x16xf32>,
        %get3A_175 = arith.index_cast %add3A_156 : i32 to index
        %get3A_176 = arith.constant 32 : index
        %get3A_177 = tpu.vector_load %arg8[%get3A_175, %get3A_176] {strides = array<i32>} : memref<128x128xf32, #tpu.memory_space<vmem>>, vector<1x16xf32>,
        %get3A_178 = vector.shape_cast %get3A_177 : vector<1x16xf32> to vector<16xf32>
        %swap3A_179 = arith.index_cast %scan3A_74 : i32 to index
        %swap3A_180 = arith.constant 160 : index
        %swap3A_181 = tpu.vector_load %arg9[%swap3A_179, %swap3A_180] {strides = array<i32>} : memref<8x1024xf32, #tpu.memory_space<vmem>>, vector<1x16xf32>,
        %swap3A_182 = vector.shape_cast %swap3A_181 : vector<1x16xf32> to vector<16xf32>
        %swap3A_183 = vector.shape_cast %get3A_178 : vector<16xf32> to vector<1x16xf32>
        tpu.vector_store %arg9[%swap3A_179, %swap3A_180], %swap3A_183 {strides = array<i32>} : memref<8x1024xf32, #tpu.memory_space<vmem>>, vector<1x16xf32>,
        %get3A_184 = arith.index_cast %add3A_156 : i32 to index
        %get3A_185 = arith.constant 48 : index
        %get3A_186 = tpu.vector_load %arg8[%get3A_184, %get3A_185] {strides = array<i32>} : memref<128x128xf32, #tpu.memory_space<vmem>>, vector<1x16xf32>,
        %get3A_187 = vector.shape_cast %get3A_186 : vector<1x16xf32> to vector<16xf32>
        %swap3A_188 = arith.index_cast %scan3A_74 : i32 to index
        %swap3A_189 = arith.constant 176 : index
        %swap3A_190 = tpu.vector_load %arg9[%swap3A_188, %swap3A_189] {strides = array<i32>} : memref<8x1024xf32, #tpu.memory_space<vmem>>, vector<1x16xf32>,
        %swap3A_191 = vector.shape_cast %swap3A_190 : vector<1x16xf32> to vector<16xf32>
        %swap3A_192 = vector.shape_cast %get3A_187 : vector<16xf32> to vector<1x16xf32>
        tpu.vector_store %arg9[%swap3A_188, %swap3A_189], %swap3A_192 {strides = array<i32>} : memref<8x1024xf32, #tpu.memory_space<vmem>>, vector<1x16xf32>,
        %mul3A_193 = arith.constant 16 : i32
        %mul3A_194 = arith.muli %scan3A_74, %mul3A_193 : i32
        %add3A_195 = arith.constant 3 : i32
        %add3A_196 = arith.addi %mul3A_194, %add3A_195 : i32
        %get3A_197 = arith.index_cast %add3A_196 : i32 to index
        %get3A_198 = arith.constant 0 : index
        %get3A_199 = tpu.vector_load %arg8[%get3A_197, %get3A_198] {strides = array<i32>} : memref<128x128xf32, #tpu.memory_space<vmem>>, vector<1x16xf32>,
        %get3A_200 = vector.shape_cast %get3A_199 : vector<1x16xf32> to vector<16xf32>
        %swap3A_201 = arith.index_cast %scan3A_74 : i32 to index
        %swap3A_202 = arith.constant 192 : index
        %swap3A_203 = tpu.vector_load %arg9[%swap3A_201, %swap3A_202] {strides = array<i32>} : memref<8x1024xf32, #tpu.memory_space<vmem>>, vector<1x16xf32>,
        %swap3A_204 = vector.shape_cast %swap3A_203 : vector<1x16xf32> to vector<16xf32>
        %swap3A_205 = vector.shape_cast %get3A_200 : vector<16xf32> to vector<1x16xf32>
        tpu.vector_store %arg9[%swap3A_201, %swap3A_202], %swap3A_205 {strides = array<i32>} : memref<8x1024xf32, #tpu.memory_space<vmem>>, vector<1x16xf32>,
        %get3A_206 = arith.index_cast %add3A_196 : i32 to index
        %get3A_207 = arith.constant 16 : index
        %get3A_208 = tpu.vector_load %arg8[%get3A_206, %get3A_207] {strides = array<i32>} : memref<128x128xf32, #tpu.memory_space<vmem>>, vector<1x16xf32>,
        %get3A_209 = vector.shape_cast %get3A_208 : vector<1x16xf32> to vector<16xf32>
        %swap3A_210 = arith.index_cast %scan3A_74 : i32 to index
        %swap3A_211 = arith.constant 208 : index
        %swap3A_212 = tpu.vector_load %arg9[%swap3A_210, %swap3A_211] {strides = array<i32>} : memref<8x1024xf32, #tpu.memory_space<vmem>>, vector<1x16xf32>,
        %swap3A_213 = vector.shape_cast %swap3A_212 : vector<1x16xf32> to vector<16xf32>
        %swap3A_214 = vector.shape_cast %get3A_209 : vector<16xf32> to vector<1x16xf32>
        tpu.vector_store %arg9[%swap3A_210, %swap3A_211], %swap3A_214 {strides = array<i32>} : memref<8x1024xf32, #tpu.memory_space<vmem>>, vector<1x16xf32>,
        %get3A_215 = arith.index_cast %add3A_196 : i32 to index
        %get3A_216 = arith.constant 32 : index
        %get3A_217 = tpu.vector_load %arg8[%get3A_215, %get3A_216] {strides = array<i32>} : memref<128x128xf32, #tpu.memory_space<vmem>>, vector<1x16xf32>,
        %get3A_218 = vector.shape_cast %get3A_217 : vector<1x16xf32> to vector<16xf32>
        %swap3A_219 = arith.index_cast %scan3A_74 : i32 to index
        %swap3A_220 = arith.constant 224 : index
        %swap3A_221 = tpu.vector_load %arg9[%swap3A_219, %swap3A_220] {strides = array<i32>} : memref<8x1024xf32, #tpu.memory_space<vmem>>, vector<1x16xf32>,
        %swap3A_222 = vector.shape_cast %swap3A_221 : vector<1x16xf32> to vector<16xf32>
        %swap3A_223 = vector.shape_cast %get3A_218 : vector<16xf32> to vector<1x16xf32>
        tpu.vector_store %arg9[%swap3A_219, %swap3A_220], %swap3A_223 {strides = array<i32>} : memref<8x1024xf32, #tpu.memory_space<vmem>>, vector<1x16xf32>,
        %get3A_224 = arith.index_cast %add3A_196 : i32 to index
        %get3A_225 = arith.constant 48 : index
        %get3A_226 = tpu.vector_load %arg8[%get3A_224, %get3A_225] {strides = array<i32>} : memref<128x128xf32, #tpu.memory_space<vmem>>, vector<1x16xf32>,
        %get3A_227 = vector.shape_cast %get3A_226 : vector<1x16xf32> to vector<16xf32>
        %swap3A_228 = arith.index_cast %scan3A_74 : i32 to index
        %swap3A_229 = arith.constant 240 : index
        %swap3A_230 = tpu.vector_load %arg9[%swap3A_228, %swap3A_229] {strides = array<i32>} : memref<8x1024xf32, #tpu.memory_space<vmem>>, vector<1x16xf32>,
        %swap3A_231 = vector.shape_cast %swap3A_230 : vector<1x16xf32> to vector<16xf32>
        %swap3A_232 = vector.shape_cast %get3A_227 : vector<16xf32> to vector<1x16xf32>
        tpu.vector_store %arg9[%swap3A_228, %swap3A_229], %swap3A_232 {strides = array<i32>} : memref<8x1024xf32, #tpu.memory_space<vmem>>, vector<1x16xf32>,
        %mul3A_233 = arith.constant 16 : i32
        %mul3A_234 = arith.muli %scan3A_74, %mul3A_233 : i32
        %add3A_235 = arith.constant 4 : i32
        %add3A_236 = arith.addi %mul3A_234, %add3A_235 : i32
        %get3A_237 = arith.index_cast %add3A_236 : i32 to index
        %get3A_238 = arith.constant 0 : index
        %get3A_239 = tpu.vector_load %arg8[%get3A_237, %get3A_238] {strides = array<i32>} : memref<128x128xf32, #tpu.memory_space<vmem>>, vector<1x16xf32>,
        %get3A_240 = vector.shape_cast %get3A_239 : vector<1x16xf32> to vector<16xf32>
        %swap3A_241 = arith.index_cast %scan3A_74 : i32 to index
        %swap3A_242 = arith.constant 256 : index
        %swap3A_243 = tpu.vector_load %arg9[%swap3A_241, %swap3A_242] {strides = array<i32>} : memref<8x1024xf32, #tpu.memory_space<vmem>>, vector<1x16xf32>,
        %swap3A_244 = vector.shape_cast %swap3A_243 : vector<1x16xf32> to vector<16xf32>
        %swap3A_245 = vector.shape_cast %get3A_240 : vector<16xf32> to vector<1x16xf32>
        tpu.vector_store %arg9[%swap3A_241, %swap3A_242], %swap3A_245 {strides = array<i32>} : memref<8x1024xf32, #tpu.memory_space<vmem>>, vector<1x16xf32>,
        %get3A_246 = arith.index_cast %add3A_236 : i32 to index
        %get3A_247 = arith.constant 16 : index
        %get3A_248 = tpu.vector_load %arg8[%get3A_246, %get3A_247] {strides = array<i32>} : memref<128x128xf32, #tpu.memory_space<vmem>>, vector<1x16xf32>,
        %get3A_249 = vector.shape_cast %get3A_248 : vector<1x16xf32> to vector<16xf32>
        %swap3A_250 = arith.index_cast %scan3A_74 : i32 to index
        %swap3A_251 = arith.constant 272 : index
        %swap3A_252 = tpu.vector_load %arg9[%swap3A_250, %swap3A_251] {strides = array<i32>} : memref<8x1024xf32, #tpu.memory_space<vmem>>, vector<1x16xf32>,
        %swap3A_253 = vector.shape_cast %swap3A_252 : vector<1x16xf32> to vector<16xf32>
        %swap3A_254 = vector.shape_cast %get3A_249 : vector<16xf32> to vector<1x16xf32>
        tpu.vector_store %arg9[%swap3A_250, %swap3A_251], %swap3A_254 {strides = array<i32>} : memref<8x1024xf32, #tpu.memory_space<vmem>>, vector<1x16xf32>,
        %get3A_255 = arith.index_cast %add3A_236 : i32 to index
        %get3A_256 = arith.constant 32 : index
        %get3A_257 = tpu.vector_load %arg8[%get3A_255, %get3A_256] {strides = array<i32>} : memref<128x128xf32, #tpu.memory_space<vmem>>, vector<1x16xf32>,
        %get3A_258 = vector.shape_cast %get3A_257 : vector<1x16xf32> to vector<16xf32>
        %swap3A_259 = arith.index_cast %scan3A_74 : i32 to index
        %swap3A_260 = arith.constant 288 : index
        %swap3A_261 = tpu.vector_load %arg9[%swap3A_259, %swap3A_260] {strides = array<i32>} : memref<8x1024xf32, #tpu.memory_space<vmem>>, vector<1x16xf32>,
        %swap3A_262 = vector.shape_cast %swap3A_261 : vector<1x16xf32> to vector<16xf32>
        %swap3A_263 = vector.shape_cast %get3A_258 : vector<16xf32> to vector<1x16xf32>
        tpu.vector_store %arg9[%swap3A_259, %swap3A_260], %swap3A_263 {strides = array<i32>} : memref<8x1024xf32, #tpu.memory_space<vmem>>, vector<1x16xf32>,
        %get3A_264 = arith.index_cast %add3A_236 : i32 to index
        %get3A_265 = arith.constant 48 : index
        %get3A_266 = tpu.vector_load %arg8[%get3A_264, %get3A_265] {strides = array<i32>} : memref<128x128xf32, #tpu.memory_space<vmem>>, vector<1x16xf32>,
        %get3A_267 = vector.shape_cast %get3A_266 : vector<1x16xf32> to vector<16xf32>
        %swap3A_268 = arith.index_cast %scan3A_74 : i32 to index
        %swap3A_269 = arith.constant 304 : index
        %swap3A_270 = tpu.vector_load %arg9[%swap3A_268, %swap3A_269] {strides = array<i32>} : memref<8x1024xf32, #tpu.memory_space<vmem>>, vector<1x16xf32>,
        %swap3A_271 = vector.shape_cast %swap3A_270 : vector<1x16xf32> to vector<16xf32>
        %swap3A_272 = vector.shape_cast %get3A_267 : vector<16xf32> to vector<1x16xf32>
        tpu.vector_store %arg9[%swap3A_268, %swap3A_269], %swap3A_272 {strides = array<i32>} : memref<8x1024xf32, #tpu.memory_space<vmem>>, vector<1x16xf32>,
        %mul3A_273 = arith.constant 16 : i32
        %mul3A_274 = arith.muli %scan3A_74, %mul3A_273 : i32
        %add3A_275 = arith.constant 5 : i32
        %add3A_276 = arith.addi %mul3A_274, %add3A_275 : i32
        %get3A_277 = arith.index_cast %add3A_276 : i32 to index
        %get3A_278 = arith.constant 0 : index
        %get3A_279 = tpu.vector_load %arg8[%get3A_277, %get3A_278] {strides = array<i32>} : memref<128x128xf32, #tpu.memory_space<vmem>>, vector<1x16xf32>,
        %get3A_280 = vector.shape_cast %get3A_279 : vector<1x16xf32> to vector<16xf32>
        %swap3A_281 = arith.index_cast %scan3A_74 : i32 to index
        %swap3A_282 = arith.constant 320 : index
        %swap3A_283 = tpu.vector_load %arg9[%swap3A_281, %swap3A_282] {strides = array<i32>} : memref<8x1024xf32, #tpu.memory_space<vmem>>, vector<1x16xf32>,
        %swap3A_284 = vector.shape_cast %swap3A_283 : vector<1x16xf32> to vector<16xf32>
        %swap3A_285 = vector.shape_cast %get3A_280 : vector<16xf32> to vector<1x16xf32>
        tpu.vector_store %arg9[%swap3A_281, %swap3A_282], %swap3A_285 {strides = array<i32>} : memref<8x1024xf32, #tpu.memory_space<vmem>>, vector<1x16xf32>,
        %get3A_286 = arith.index_cast %add3A_276 : i32 to index
        %get3A_287 = arith.constant 16 : index
        %get3A_288 = tpu.vector_load %arg8[%get3A_286, %get3A_287] {strides = array<i32>} : memref<128x128xf32, #tpu.memory_space<vmem>>, vector<1x16xf32>,
        %get3A_289 = vector.shape_cast %get3A_288 : vector<1x16xf32> to vector<16xf32>
        %swap3A_290 = arith.index_cast %scan3A_74 : i32 to index
        %swap3A_291 = arith.constant 336 : index
        %swap3A_292 = tpu.vector_load %arg9[%swap3A_290, %swap3A_291] {strides = array<i32>} : memref<8x1024xf32, #tpu.memory_space<vmem>>, vector<1x16xf32>,
        %swap3A_293 = vector.shape_cast %swap3A_292 : vector<1x16xf32> to vector<16xf32>
        %swap3A_294 = vector.shape_cast %get3A_289 : vector<16xf32> to vector<1x16xf32>
        tpu.vector_store %arg9[%swap3A_290, %swap3A_291], %swap3A_294 {strides = array<i32>} : memref<8x1024xf32, #tpu.memory_space<vmem>>, vector<1x16xf32>,
        %get3A_295 = arith.index_cast %add3A_276 : i32 to index
        %get3A_296 = arith.constant 32 : index
        %get3A_297 = tpu.vector_load %arg8[%get3A_295, %get3A_296] {strides = array<i32>} : memref<128x128xf32, #tpu.memory_space<vmem>>, vector<1x16xf32>,
        %get3A_298 = vector.shape_cast %get3A_297 : vector<1x16xf32> to vector<16xf32>
        %swap3A_299 = arith.index_cast %scan3A_74 : i32 to index
        %swap3A_300 = arith.constant 352 : index
        %swap3A_301 = tpu.vector_load %arg9[%swap3A_299, %swap3A_300] {strides = array<i32>} : memref<8x1024xf32, #tpu.memory_space<vmem>>, vector<1x16xf32>,
        %swap3A_302 = vector.shape_cast %swap3A_301 : vector<1x16xf32> to vector<16xf32>
        %swap3A_303 = vector.shape_cast %get3A_298 : vector<16xf32> to vector<1x16xf32>
        tpu.vector_store %arg9[%swap3A_299, %swap3A_300], %swap3A_303 {strides = array<i32>} : memref<8x1024xf32, #tpu.memory_space<vmem>>, vector<1x16xf32>,
        %get3A_304 = arith.index_cast %add3A_276 : i32 to index
        %get3A_305 = arith.constant 48 : index
        %get3A_306 = tpu.vector_load %arg8[%get3A_304, %get3A_305] {strides = array<i32>} : memref<128x128xf32, #tpu.memory_space<vmem>>, vector<1x16xf32>,
        %get3A_307 = vector.shape_cast %get3A_306 : vector<1x16xf32> to vector<16xf32>
        %swap3A_308 = arith.index_cast %scan3A_74 : i32 to index
        %swap3A_309 = arith.constant 368 : index
        %swap3A_310 = tpu.vector_load %arg9[%swap3A_308, %swap3A_309] {strides = array<i32>} : memref<8x1024xf32, #tpu.memory_space<vmem>>, vector<1x16xf32>,
        %swap3A_311 = vector.shape_cast %swap3A_310 : vector<1x16xf32> to vector<16xf32>
        %swap3A_312 = vector.shape_cast %get3A_307 : vector<16xf32> to vector<1x16xf32>
        tpu.vector_store %arg9[%swap3A_308, %swap3A_309], %swap3A_312 {strides = array<i32>} : memref<8x1024xf32, #tpu.memory_space<vmem>>, vector<1x16xf32>,
        %mul3A_313 = arith.constant 16 : i32
        %mul3A_314 = arith.muli %scan3A_74, %mul3A_313 : i32
        %add3A_315 = arith.constant 6 : i32
        %add3A_316 = arith.addi %mul3A_314, %add3A_315 : i32
        %get3A_317 = arith.index_cast %add3A_316 : i32 to index
        %get3A_318 = arith.constant 0 : index
        %get3A_319 = tpu.vector_load %arg8[%get3A_317, %get3A_318] {strides = array<i32>} : memref<128x128xf32, #tpu.memory_space<vmem>>, vector<1x16xf32>,
        %get3A_320 = vector.shape_cast %get3A_319 : vector<1x16xf32> to vector<16xf32>
        %swap3A_321 = arith.index_cast %scan3A_74 : i32 to index
        %swap3A_322 = arith.constant 384 : index
        %swap3A_323 = tpu.vector_load %arg9[%swap3A_321, %swap3A_322] {strides = array<i32>} : memref<8x1024xf32, #tpu.memory_space<vmem>>, vector<1x16xf32>,
        %swap3A_324 = vector.shape_cast %swap3A_323 : vector<1x16xf32> to vector<16xf32>
        %swap3A_325 = vector.shape_cast %get3A_320 : vector<16xf32> to vector<1x16xf32>
        tpu.vector_store %arg9[%swap3A_321, %swap3A_322], %swap3A_325 {strides = array<i32>} : memref<8x1024xf32, #tpu.memory_space<vmem>>, vector<1x16xf32>,
        %get3A_326 = arith.index_cast %add3A_316 : i32 to index
        %get3A_327 = arith.constant 16 : index
        %get3A_328 = tpu.vector_load %arg8[%get3A_326, %get3A_327] {strides = array<i32>} : memref<128x128xf32, #tpu.memory_space<vmem>>, vector<1x16xf32>,
        %get3A_329 = vector.shape_cast %get3A_328 : vector<1x16xf32> to vector<16xf32>
        %swap3A_330 = arith.index_cast %scan3A_74 : i32 to index
        %swap3A_331 = arith.constant 400 : index
        %swap3A_332 = tpu.vector_load %arg9[%swap3A_330, %swap3A_331] {strides = array<i32>} : memref<8x1024xf32, #tpu.memory_space<vmem>>, vector<1x16xf32>,
        %swap3A_333 = vector.shape_cast %swap3A_332 : vector<1x16xf32> to vector<16xf32>
        %swap3A_334 = vector.shape_cast %get3A_329 : vector<16xf32> to vector<1x16xf32>
        tpu.vector_store %arg9[%swap3A_330, %swap3A_331], %swap3A_334 {strides = array<i32>} : memref<8x1024xf32, #tpu.memory_space<vmem>>, vector<1x16xf32>,
        %get3A_335 = arith.index_cast %add3A_316 : i32 to index
        %get3A_336 = arith.constant 32 : index
        %get3A_337 = tpu.vector_load %arg8[%get3A_335, %get3A_336] {strides = array<i32>} : memref<128x128xf32, #tpu.memory_space<vmem>>, vector<1x16xf32>,
        %get3A_338 = vector.shape_cast %get3A_337 : vector<1x16xf32> to vector<16xf32>
        %swap3A_339 = arith.index_cast %scan3A_74 : i32 to index
        %swap3A_340 = arith.constant 416 : index
        %swap3A_341 = tpu.vector_load %arg9[%swap3A_339, %swap3A_340] {strides = array<i32>} : memref<8x1024xf32, #tpu.memory_space<vmem>>, vector<1x16xf32>,
        %swap3A_342 = vector.shape_cast %swap3A_341 : vector<1x16xf32> to vector<16xf32>
        %swap3A_343 = vector.shape_cast %get3A_338 : vector<16xf32> to vector<1x16xf32>
        tpu.vector_store %arg9[%swap3A_339, %swap3A_340], %swap3A_343 {strides = array<i32>} : memref<8x1024xf32, #tpu.memory_space<vmem>>, vector<1x16xf32>,
        %get3A_344 = arith.index_cast %add3A_316 : i32 to index
        %get3A_345 = arith.constant 48 : index
        %get3A_346 = tpu.vector_load %arg8[%get3A_344, %get3A_345] {strides = array<i32>} : memref<128x128xf32, #tpu.memory_space<vmem>>, vector<1x16xf32>,
        %get3A_347 = vector.shape_cast %get3A_346 : vector<1x16xf32> to vector<16xf32>
        %swap3A_348 = arith.index_cast %scan3A_74 : i32 to index
        %swap3A_349 = arith.constant 432 : index
        %swap3A_350 = tpu.vector_load %arg9[%swap3A_348, %swap3A_349] {strides = array<i32>} : memref<8x1024xf32, #tpu.memory_space<vmem>>, vector<1x16xf32>,
        %swap3A_351 = vector.shape_cast %swap3A_350 : vector<1x16xf32> to vector<16xf32>
        %swap3A_352 = vector.shape_cast %get3A_347 : vector<16xf32> to vector<1x16xf32>
        tpu.vector_store %arg9[%swap3A_348, %swap3A_349], %swap3A_352 {strides = array<i32>} : memref<8x1024xf32, #tpu.memory_space<vmem>>, vector<1x16xf32>,
        %mul3A_353 = arith.constant 16 : i32
        %mul3A_354 = arith.muli %scan3A_74, %mul3A_353 : i32
        %add3A_355 = arith.constant 7 : i32
        %add3A_356 = arith.addi %mul3A_354, %add3A_355 : i32
        %get3A_357 = arith.index_cast %add3A_356 : i32 to index
        %get3A_358 = arith.constant 0 : index
        %get3A_359 = tpu.vector_load %arg8[%get3A_357, %get3A_358] {strides = array<i32>} : memref<128x128xf32, #tpu.memory_space<vmem>>, vector<1x16xf32>,
        %get3A_360 = vector.shape_cast %get3A_359 : vector<1x16xf32> to vector<16xf32>
        %swap3A_361 = arith.index_cast %scan3A_74 : i32 to index
        %swap3A_362 = arith.constant 448 : index
        %swap3A_363 = tpu.vector_load %arg9[%swap3A_361, %swap3A_362] {strides = array<i32>} : memref<8x1024xf32, #tpu.memory_space<vmem>>, vector<1x16xf32>,
        %swap3A_364 = vector.shape_cast %swap3A_363 : vector<1x16xf32> to vector<16xf32>
        %swap3A_365 = vector.shape_cast %get3A_360 : vector<16xf32> to vector<1x16xf32>
        tpu.vector_store %arg9[%swap3A_361, %swap3A_362], %swap3A_365 {strides = array<i32>} : memref<8x1024xf32, #tpu.memory_space<vmem>>, vector<1x16xf32>,
        %get3A_366 = arith.index_cast %add3A_356 : i32 to index
        %get3A_367 = arith.constant 16 : index
        %get3A_368 = tpu.vector_load %arg8[%get3A_366, %get3A_367] {strides = array<i32>} : memref<128x128xf32, #tpu.memory_space<vmem>>, vector<1x16xf32>,
        %get3A_369 = vector.shape_cast %get3A_368 : vector<1x16xf32> to vector<16xf32>
        %swap3A_370 = arith.index_cast %scan3A_74 : i32 to index
        %swap3A_371 = arith.constant 464 : index
        %swap3A_372 = tpu.vector_load %arg9[%swap3A_370, %swap3A_371] {strides = array<i32>} : memref<8x1024xf32, #tpu.memory_space<vmem>>, vector<1x16xf32>,
        %swap3A_373 = vector.shape_cast %swap3A_372 : vector<1x16xf32> to vector<16xf32>
        %swap3A_374 = vector.shape_cast %get3A_369 : vector<16xf32> to vector<1x16xf32>
        tpu.vector_store %arg9[%swap3A_370, %swap3A_371], %swap3A_374 {strides = array<i32>} : memref<8x1024xf32, #tpu.memory_space<vmem>>, vector<1x16xf32>,
        %get3A_375 = arith.index_cast %add3A_356 : i32 to index
        %get3A_376 = arith.constant 32 : index
        %get3A_377 = tpu.vector_load %arg8[%get3A_375, %get3A_376] {strides = array<i32>} : memref<128x128xf32, #tpu.memory_space<vmem>>, vector<1x16xf32>,
        %get3A_378 = vector.shape_cast %get3A_377 : vector<1x16xf32> to vector<16xf32>
        %swap3A_379 = arith.index_cast %scan3A_74 : i32 to index
        %swap3A_380 = arith.constant 480 : index
        %swap3A_381 = tpu.vector_load %arg9[%swap3A_379, %swap3A_380] {strides = array<i32>} : memref<8x1024xf32, #tpu.memory_space<vmem>>, vector<1x16xf32>,
        %swap3A_382 = vector.shape_cast %swap3A_381 : vector<1x16xf32> to vector<16xf32>
        %swap3A_383 = vector.shape_cast %get3A_378 : vector<16xf32> to vector<1x16xf32>
        tpu.vector_store %arg9[%swap3A_379, %swap3A_380], %swap3A_383 {strides = array<i32>} : memref<8x1024xf32, #tpu.memory_space<vmem>>, vector<1x16xf32>,
        %get3A_384 = arith.index_cast %add3A_356 : i32 to index
        %get3A_385 = arith.constant 48 : index
        %get3A_386 = tpu.vector_load %arg8[%get3A_384, %get3A_385] {strides = array<i32>} : memref<128x128xf32, #tpu.memory_space<vmem>>, vector<1x16xf32>,
        %get3A_387 = vector.shape_cast %get3A_386 : vector<1x16xf32> to vector<16xf32>
        %swap3A_388 = arith.index_cast %scan3A_74 : i32 to index
        %swap3A_389 = arith.constant 496 : index
        %swap3A_390 = tpu.vector_load %arg9[%swap3A_388, %swap3A_389] {strides = array<i32>} : memref<8x1024xf32, #tpu.memory_space<vmem>>, vector<1x16xf32>,
        %swap3A_391 = vector.shape_cast %swap3A_390 : vector<1x16xf32> to vector<16xf32>
        %swap3A_392 = vector.shape_cast %get3A_387 : vector<16xf32> to vector<1x16xf32>
        tpu.vector_store %arg9[%swap3A_388, %swap3A_389], %swap3A_392 {strides = array<i32>} : memref<8x1024xf32, #tpu.memory_space<vmem>>, vector<1x16xf32>,
        %mul3A_393 = arith.constant 16 : i32
        %mul3A_394 = arith.muli %scan3A_74, %mul3A_393 : i32
        %add3A_395 = arith.constant 8 : i32
        %add3A_396 = arith.addi %mul3A_394, %add3A_395 : i32
        %get3A_397 = arith.index_cast %add3A_396 : i32 to index
        %get3A_398 = arith.constant 0 : index
        %get3A_399 = tpu.vector_load %arg8[%get3A_397, %get3A_398] {strides = array<i32>} : memref<128x128xf32, #tpu.memory_space<vmem>>, vector<1x16xf32>,
        %get3A_400 = vector.shape_cast %get3A_399 : vector<1x16xf32> to vector<16xf32>
        %swap3A_401 = arith.index_cast %scan3A_74 : i32 to index
        %swap3A_402 = arith.constant 512 : index
        %swap3A_403 = tpu.vector_load %arg9[%swap3A_401, %swap3A_402] {strides = array<i32>} : memref<8x1024xf32, #tpu.memory_space<vmem>>, vector<1x16xf32>,
        %swap3A_404 = vector.shape_cast %swap3A_403 : vector<1x16xf32> to vector<16xf32>
        %swap3A_405 = vector.shape_cast %get3A_400 : vector<16xf32> to vector<1x16xf32>
        tpu.vector_store %arg9[%swap3A_401, %swap3A_402], %swap3A_405 {strides = array<i32>} : memref<8x1024xf32, #tpu.memory_space<vmem>>, vector<1x16xf32>,
        %get3A_406 = arith.index_cast %add3A_396 : i32 to index
        %get3A_407 = arith.constant 16 : index
        %get3A_408 = tpu.vector_load %arg8[%get3A_406, %get3A_407] {strides = array<i32>} : memref<128x128xf32, #tpu.memory_space<vmem>>, vector<1x16xf32>,
        %get3A_409 = vector.shape_cast %get3A_408 : vector<1x16xf32> to vector<16xf32>
        %swap3A_410 = arith.index_cast %scan3A_74 : i32 to index
        %swap3A_411 = arith.constant 528 : index
        %swap3A_412 = tpu.vector_load %arg9[%swap3A_410, %swap3A_411] {strides = array<i32>} : memref<8x1024xf32, #tpu.memory_space<vmem>>, vector<1x16xf32>,
        %swap3A_413 = vector.shape_cast %swap3A_412 : vector<1x16xf32> to vector<16xf32>
        %swap3A_414 = vector.shape_cast %get3A_409 : vector<16xf32> to vector<1x16xf32>
        tpu.vector_store %arg9[%swap3A_410, %swap3A_411], %swap3A_414 {strides = array<i32>} : memref<8x1024xf32, #tpu.memory_space<vmem>>, vector<1x16xf32>,
        %get3A_415 = arith.index_cast %add3A_396 : i32 to index
        %get3A_416 = arith.constant 32 : index
        %get3A_417 = tpu.vector_load %arg8[%get3A_415, %get3A_416] {strides = array<i32>} : memref<128x128xf32, #tpu.memory_space<vmem>>, vector<1x16xf32>,
        %get3A_418 = vector.shape_cast %get3A_417 : vector<1x16xf32> to vector<16xf32>
        %swap3A_419 = arith.index_cast %scan3A_74 : i32 to index
        %swap3A_420 = arith.constant 544 : index
        %swap3A_421 = tpu.vector_load %arg9[%swap3A_419, %swap3A_420] {strides = array<i32>} : memref<8x1024xf32, #tpu.memory_space<vmem>>, vector<1x16xf32>,
        %swap3A_422 = vector.shape_cast %swap3A_421 : vector<1x16xf32> to vector<16xf32>
        %swap3A_423 = vector.shape_cast %get3A_418 : vector<16xf32> to vector<1x16xf32>
        tpu.vector_store %arg9[%swap3A_419, %swap3A_420], %swap3A_423 {strides = array<i32>} : memref<8x1024xf32, #tpu.memory_space<vmem>>, vector<1x16xf32>,
        %get3A_424 = arith.index_cast %add3A_396 : i32 to index
        %get3A_425 = arith.constant 48 : index
        %get3A_426 = tpu.vector_load %arg8[%get3A_424, %get3A_425] {strides = array<i32>} : memref<128x128xf32, #tpu.memory_space<vmem>>, vector<1x16xf32>,
        %get3A_427 = vector.shape_cast %get3A_426 : vector<1x16xf32> to vector<16xf32>
        %swap3A_428 = arith.index_cast %scan3A_74 : i32 to index
        %swap3A_429 = arith.constant 560 : index
        %swap3A_430 = tpu.vector_load %arg9[%swap3A_428, %swap3A_429] {strides = array<i32>} : memref<8x1024xf32, #tpu.memory_space<vmem>>, vector<1x16xf32>,
        %swap3A_431 = vector.shape_cast %swap3A_430 : vector<1x16xf32> to vector<16xf32>
        %swap3A_432 = vector.shape_cast %get3A_427 : vector<16xf32> to vector<1x16xf32>
        tpu.vector_store %arg9[%swap3A_428, %swap3A_429], %swap3A_432 {strides = array<i32>} : memref<8x1024xf32, #tpu.memory_space<vmem>>, vector<1x16xf32>,
        %mul3A_433 = arith.constant 16 : i32
        %mul3A_434 = arith.muli %scan3A_74, %mul3A_433 : i32
        %add3A_435 = arith.constant 9 : i32
        %add3A_436 = arith.addi %mul3A_434, %add3A_435 : i32
        %get3A_437 = arith.index_cast %add3A_436 : i32 to index
        %get3A_438 = arith.constant 0 : index
        %get3A_439 = tpu.vector_load %arg8[%get3A_437, %get3A_438] {strides = array<i32>} : memref<128x128xf32, #tpu.memory_space<vmem>>, vector<1x16xf32>,
        %get3A_440 = vector.shape_cast %get3A_439 : vector<1x16xf32> to vector<16xf32>
        %swap3A_441 = arith.index_cast %scan3A_74 : i32 to index
        %swap3A_442 = arith.constant 576 : index
        %swap3A_443 = tpu.vector_load %arg9[%swap3A_441, %swap3A_442] {strides = array<i32>} : memref<8x1024xf32, #tpu.memory_space<vmem>>, vector<1x16xf32>,
        %swap3A_444 = vector.shape_cast %swap3A_443 : vector<1x16xf32> to vector<16xf32>
        %swap3A_445 = vector.shape_cast %get3A_440 : vector<16xf32> to vector<1x16xf32>
        tpu.vector_store %arg9[%swap3A_441, %swap3A_442], %swap3A_445 {strides = array<i32>} : memref<8x1024xf32, #tpu.memory_space<vmem>>, vector<1x16xf32>,
        %get3A_446 = arith.index_cast %add3A_436 : i32 to index
        %get3A_447 = arith.constant 16 : index
        %get3A_448 = tpu.vector_load %arg8[%get3A_446, %get3A_447] {strides = array<i32>} : memref<128x128xf32, #tpu.memory_space<vmem>>, vector<1x16xf32>,
        %get3A_449 = vector.shape_cast %get3A_448 : vector<1x16xf32> to vector<16xf32>
        %swap3A_450 = arith.index_cast %scan3A_74 : i32 to index
        %swap3A_451 = arith.constant 592 : index
        %swap3A_452 = tpu.vector_load %arg9[%swap3A_450, %swap3A_451] {strides = array<i32>} : memref<8x1024xf32, #tpu.memory_space<vmem>>, vector<1x16xf32>,
        %swap3A_453 = vector.shape_cast %swap3A_452 : vector<1x16xf32> to vector<16xf32>
        %swap3A_454 = vector.shape_cast %get3A_449 : vector<16xf32> to vector<1x16xf32>
        tpu.vector_store %arg9[%swap3A_450, %swap3A_451], %swap3A_454 {strides = array<i32>} : memref<8x1024xf32, #tpu.memory_space<vmem>>, vector<1x16xf32>,
        %get3A_455 = arith.index_cast %add3A_436 : i32 to index
        %get3A_456 = arith.constant 32 : index
        %get3A_457 = tpu.vector_load %arg8[%get3A_455, %get3A_456] {strides = array<i32>} : memref<128x128xf32, #tpu.memory_space<vmem>>, vector<1x16xf32>,
        %get3A_458 = vector.shape_cast %get3A_457 : vector<1x16xf32> to vector<16xf32>
        %swap3A_459 = arith.index_cast %scan3A_74 : i32 to index
        %swap3A_460 = arith.constant 608 : index
        %swap3A_461 = tpu.vector_load %arg9[%swap3A_459, %swap3A_460] {strides = array<i32>} : memref<8x1024xf32, #tpu.memory_space<vmem>>, vector<1x16xf32>,
        %swap3A_462 = vector.shape_cast %swap3A_461 : vector<1x16xf32> to vector<16xf32>
        %swap3A_463 = vector.shape_cast %get3A_458 : vector<16xf32> to vector<1x16xf32>
        tpu.vector_store %arg9[%swap3A_459, %swap3A_460], %swap3A_463 {strides = array<i32>} : memref<8x1024xf32, #tpu.memory_space<vmem>>, vector<1x16xf32>,
        %get3A_464 = arith.index_cast %add3A_436 : i32 to index
        %get3A_465 = arith.constant 48 : index
        %get3A_466 = tpu.vector_load %arg8[%get3A_464, %get3A_465] {strides = array<i32>} : memref<128x128xf32, #tpu.memory_space<vmem>>, vector<1x16xf32>,
        %get3A_467 = vector.shape_cast %get3A_466 : vector<1x16xf32> to vector<16xf32>
        %swap3A_468 = arith.index_cast %scan3A_74 : i32 to index
        %swap3A_469 = arith.constant 624 : index
        %swap3A_470 = tpu.vector_load %arg9[%swap3A_468, %swap3A_469] {strides = array<i32>} : memref<8x1024xf32, #tpu.memory_space<vmem>>, vector<1x16xf32>,
        %swap3A_471 = vector.shape_cast %swap3A_470 : vector<1x16xf32> to vector<16xf32>
        %swap3A_472 = vector.shape_cast %get3A_467 : vector<16xf32> to vector<1x16xf32>
        tpu.vector_store %arg9[%swap3A_468, %swap3A_469], %swap3A_472 {strides = array<i32>} : memref<8x1024xf32, #tpu.memory_space<vmem>>, vector<1x16xf32>,
        %mul3A_473 = arith.constant 16 : i32
        %mul3A_474 = arith.muli %scan3A_74, %mul3A_473 : i32
        %add3A_475 = arith.constant 10 : i32
        %add3A_476 = arith.addi %mul3A_474, %add3A_475 : i32
        %get3A_477 = arith.index_cast %add3A_476 : i32 to index
        %get3A_478 = arith.constant 0 : index
        %get3A_479 = tpu.vector_load %arg8[%get3A_477, %get3A_478] {strides = array<i32>} : memref<128x128xf32, #tpu.memory_space<vmem>>, vector<1x16xf32>,
        %get3A_480 = vector.shape_cast %get3A_479 : vector<1x16xf32> to vector<16xf32>
        %swap3A_481 = arith.index_cast %scan3A_74 : i32 to index
        %swap3A_482 = arith.constant 640 : index
        %swap3A_483 = tpu.vector_load %arg9[%swap3A_481, %swap3A_482] {strides = array<i32>} : memref<8x1024xf32, #tpu.memory_space<vmem>>, vector<1x16xf32>,
        %swap3A_484 = vector.shape_cast %swap3A_483 : vector<1x16xf32> to vector<16xf32>
        %swap3A_485 = vector.shape_cast %get3A_480 : vector<16xf32> to vector<1x16xf32>
        tpu.vector_store %arg9[%swap3A_481, %swap3A_482], %swap3A_485 {strides = array<i32>} : memref<8x1024xf32, #tpu.memory_space<vmem>>, vector<1x16xf32>,
        %get3A_486 = arith.index_cast %add3A_476 : i32 to index
        %get3A_487 = arith.constant 16 : index
        %get3A_488 = tpu.vector_load %arg8[%get3A_486, %get3A_487] {strides = array<i32>} : memref<128x128xf32, #tpu.memory_space<vmem>>, vector<1x16xf32>,
        %get3A_489 = vector.shape_cast %get3A_488 : vector<1x16xf32> to vector<16xf32>
        %swap3A_490 = arith.index_cast %scan3A_74 : i32 to index
        %swap3A_491 = arith.constant 656 : index
        %swap3A_492 = tpu.vector_load %arg9[%swap3A_490, %swap3A_491] {strides = array<i32>} : memref<8x1024xf32, #tpu.memory_space<vmem>>, vector<1x16xf32>,
        %swap3A_493 = vector.shape_cast %swap3A_492 : vector<1x16xf32> to vector<16xf32>
        %swap3A_494 = vector.shape_cast %get3A_489 : vector<16xf32> to vector<1x16xf32>
        tpu.vector_store %arg9[%swap3A_490, %swap3A_491], %swap3A_494 {strides = array<i32>} : memref<8x1024xf32, #tpu.memory_space<vmem>>, vector<1x16xf32>,
        %get3A_495 = arith.index_cast %add3A_476 : i32 to index
        %get3A_496 = arith.constant 32 : index
        %get3A_497 = tpu.vector_load %arg8[%get3A_495, %get3A_496] {strides = array<i32>} : memref<128x128xf32, #tpu.memory_space<vmem>>, vector<1x16xf32>,
        %get3A_498 = vector.shape_cast %get3A_497 : vector<1x16xf32> to vector<16xf32>
        %swap3A_499 = arith.index_cast %scan3A_74 : i32 to index
        %swap3A_500 = arith.constant 672 : index
        %swap3A_501 = tpu.vector_load %arg9[%swap3A_499, %swap3A_500] {strides = array<i32>} : memref<8x1024xf32, #tpu.memory_space<vmem>>, vector<1x16xf32>,
        %swap3A_502 = vector.shape_cast %swap3A_501 : vector<1x16xf32> to vector<16xf32>
        %swap3A_503 = vector.shape_cast %get3A_498 : vector<16xf32> to vector<1x16xf32>
        tpu.vector_store %arg9[%swap3A_499, %swap3A_500], %swap3A_503 {strides = array<i32>} : memref<8x1024xf32, #tpu.memory_space<vmem>>, vector<1x16xf32>,
        %get3A_504 = arith.index_cast %add3A_476 : i32 to index
        %get3A_505 = arith.constant 48 : index
        %get3A_506 = tpu.vector_load %arg8[%get3A_504, %get3A_505] {strides = array<i32>} : memref<128x128xf32, #tpu.memory_space<vmem>>, vector<1x16xf32>,
        %get3A_507 = vector.shape_cast %get3A_506 : vector<1x16xf32> to vector<16xf32>
        %swap3A_508 = arith.index_cast %scan3A_74 : i32 to index
        %swap3A_509 = arith.constant 688 : index
        %swap3A_510 = tpu.vector_load %arg9[%swap3A_508, %swap3A_509] {strides = array<i32>} : memref<8x1024xf32, #tpu.memory_space<vmem>>, vector<1x16xf32>,
        %swap3A_511 = vector.shape_cast %swap3A_510 : vector<1x16xf32> to vector<16xf32>
        %swap3A_512 = vector.shape_cast %get3A_507 : vector<16xf32> to vector<1x16xf32>
        tpu.vector_store %arg9[%swap3A_508, %swap3A_509], %swap3A_512 {strides = array<i32>} : memref<8x1024xf32, #tpu.memory_space<vmem>>, vector<1x16xf32>,
        %mul3A_513 = arith.constant 16 : i32
        %mul3A_514 = arith.muli %scan3A_74, %mul3A_513 : i32
        %add3A_515 = arith.constant 11 : i32
        %add3A_516 = arith.addi %mul3A_514, %add3A_515 : i32
        %get3A_517 = arith.index_cast %add3A_516 : i32 to index
        %get3A_518 = arith.constant 0 : index
        %get3A_519 = tpu.vector_load %arg8[%get3A_517, %get3A_518] {strides = array<i32>} : memref<128x128xf32, #tpu.memory_space<vmem>>, vector<1x16xf32>,
        %get3A_520 = vector.shape_cast %get3A_519 : vector<1x16xf32> to vector<16xf32>
        %swap3A_521 = arith.index_cast %scan3A_74 : i32 to index
        %swap3A_522 = arith.constant 704 : index
        %swap3A_523 = tpu.vector_load %arg9[%swap3A_521, %swap3A_522] {strides = array<i32>} : memref<8x1024xf32, #tpu.memory_space<vmem>>, vector<1x16xf32>,
        %swap3A_524 = vector.shape_cast %swap3A_523 : vector<1x16xf32> to vector<16xf32>
        %swap3A_525 = vector.shape_cast %get3A_520 : vector<16xf32> to vector<1x16xf32>
        tpu.vector_store %arg9[%swap3A_521, %swap3A_522], %swap3A_525 {strides = array<i32>} : memref<8x1024xf32, #tpu.memory_space<vmem>>, vector<1x16xf32>,
        %get3A_526 = arith.index_cast %add3A_516 : i32 to index
        %get3A_527 = arith.constant 16 : index
        %get3A_528 = tpu.vector_load %arg8[%get3A_526, %get3A_527] {strides = array<i32>} : memref<128x128xf32, #tpu.memory_space<vmem>>, vector<1x16xf32>,
        %get3A_529 = vector.shape_cast %get3A_528 : vector<1x16xf32> to vector<16xf32>
        %swap3A_530 = arith.index_cast %scan3A_74 : i32 to index
        %swap3A_531 = arith.constant 720 : index
        %swap3A_532 = tpu.vector_load %arg9[%swap3A_530, %swap3A_531] {strides = array<i32>} : memref<8x1024xf32, #tpu.memory_space<vmem>>, vector<1x16xf32>,
        %swap3A_533 = vector.shape_cast %swap3A_532 : vector<1x16xf32> to vector<16xf32>
        %swap3A_534 = vector.shape_cast %get3A_529 : vector<16xf32> to vector<1x16xf32>
        tpu.vector_store %arg9[%swap3A_530, %swap3A_531], %swap3A_534 {strides = array<i32>} : memref<8x1024xf32, #tpu.memory_space<vmem>>, vector<1x16xf32>,
        %get3A_535 = arith.index_cast %add3A_516 : i32 to index
        %get3A_536 = arith.constant 32 : index
        %get3A_537 = tpu.vector_load %arg8[%get3A_535, %get3A_536] {strides = array<i32>} : memref<128x128xf32, #tpu.memory_space<vmem>>, vector<1x16xf32>,
        %get3A_538 = vector.shape_cast %get3A_537 : vector<1x16xf32> to vector<16xf32>
        %swap3A_539 = arith.index_cast %scan3A_74 : i32 to index
        %swap3A_540 = arith.constant 736 : index
        %swap3A_541 = tpu.vector_load %arg9[%swap3A_539, %swap3A_540] {strides = array<i32>} : memref<8x1024xf32, #tpu.memory_space<vmem>>, vector<1x16xf32>,
        %swap3A_542 = vector.shape_cast %swap3A_541 : vector<1x16xf32> to vector<16xf32>
        %swap3A_543 = vector.shape_cast %get3A_538 : vector<16xf32> to vector<1x16xf32>
        tpu.vector_store %arg9[%swap3A_539, %swap3A_540], %swap3A_543 {strides = array<i32>} : memref<8x1024xf32, #tpu.memory_space<vmem>>, vector<1x16xf32>,
        %get3A_544 = arith.index_cast %add3A_516 : i32 to index
        %get3A_545 = arith.constant 48 : index
        %get3A_546 = tpu.vector_load %arg8[%get3A_544, %get3A_545] {strides = array<i32>} : memref<128x128xf32, #tpu.memory_space<vmem>>, vector<1x16xf32>,
        %get3A_547 = vector.shape_cast %get3A_546 : vector<1x16xf32> to vector<16xf32>
        %swap3A_548 = arith.index_cast %scan3A_74 : i32 to index
        %swap3A_549 = arith.constant 752 : index
        %swap3A_550 = tpu.vector_load %arg9[%swap3A_548, %swap3A_549] {strides = array<i32>} : memref<8x1024xf32, #tpu.memory_space<vmem>>, vector<1x16xf32>,
        %swap3A_551 = vector.shape_cast %swap3A_550 : vector<1x16xf32> to vector<16xf32>
        %swap3A_552 = vector.shape_cast %get3A_547 : vector<16xf32> to vector<1x16xf32>
        tpu.vector_store %arg9[%swap3A_548, %swap3A_549], %swap3A_552 {strides = array<i32>} : memref<8x1024xf32, #tpu.memory_space<vmem>>, vector<1x16xf32>,
        %mul3A_553 = arith.constant 16 : i32
        %mul3A_554 = arith.muli %scan3A_74, %mul3A_553 : i32
        %add3A_555 = arith.constant 12 : i32
        %add3A_556 = arith.addi %mul3A_554, %add3A_555 : i32
        %get3A_557 = arith.index_cast %add3A_556 : i32 to index
        %get3A_558 = arith.constant 0 : index
        %get3A_559 = tpu.vector_load %arg8[%get3A_557, %get3A_558] {strides = array<i32>} : memref<128x128xf32, #tpu.memory_space<vmem>>, vector<1x16xf32>,
        %get3A_560 = vector.shape_cast %get3A_559 : vector<1x16xf32> to vector<16xf32>
        %swap3A_561 = arith.index_cast %scan3A_74 : i32 to index
        %swap3A_562 = arith.constant 768 : index
        %swap3A_563 = tpu.vector_load %arg9[%swap3A_561, %swap3A_562] {strides = array<i32>} : memref<8x1024xf32, #tpu.memory_space<vmem>>, vector<1x16xf32>,
        %swap3A_564 = vector.shape_cast %swap3A_563 : vector<1x16xf32> to vector<16xf32>
        %swap3A_565 = vector.shape_cast %get3A_560 : vector<16xf32> to vector<1x16xf32>
        tpu.vector_store %arg9[%swap3A_561, %swap3A_562], %swap3A_565 {strides = array<i32>} : memref<8x1024xf32, #tpu.memory_space<vmem>>, vector<1x16xf32>,
        %get3A_566 = arith.index_cast %add3A_556 : i32 to index
        %get3A_567 = arith.constant 16 : index
        %get3A_568 = tpu.vector_load %arg8[%get3A_566, %get3A_567] {strides = array<i32>} : memref<128x128xf32, #tpu.memory_space<vmem>>, vector<1x16xf32>,
        %get3A_569 = vector.shape_cast %get3A_568 : vector<1x16xf32> to vector<16xf32>
        %swap3A_570 = arith.index_cast %scan3A_74 : i32 to index
        %swap3A_571 = arith.constant 784 : index
        %swap3A_572 = tpu.vector_load %arg9[%swap3A_570, %swap3A_571] {strides = array<i32>} : memref<8x1024xf32, #tpu.memory_space<vmem>>, vector<1x16xf32>,
        %swap3A_573 = vector.shape_cast %swap3A_572 : vector<1x16xf32> to vector<16xf32>
        %swap3A_574 = vector.shape_cast %get3A_569 : vector<16xf32> to vector<1x16xf32>
        tpu.vector_store %arg9[%swap3A_570, %swap3A_571], %swap3A_574 {strides = array<i32>} : memref<8x1024xf32, #tpu.memory_space<vmem>>, vector<1x16xf32>,
        %get3A_575 = arith.index_cast %add3A_556 : i32 to index
        %get3A_576 = arith.constant 32 : index
        %get3A_577 = tpu.vector_load %arg8[%get3A_575, %get3A_576] {strides = array<i32>} : memref<128x128xf32, #tpu.memory_space<vmem>>, vector<1x16xf32>,
        %get3A_578 = vector.shape_cast %get3A_577 : vector<1x16xf32> to vector<16xf32>
        %swap3A_579 = arith.index_cast %scan3A_74 : i32 to index
        %swap3A_580 = arith.constant 800 : index
        %swap3A_581 = tpu.vector_load %arg9[%swap3A_579, %swap3A_580] {strides = array<i32>} : memref<8x1024xf32, #tpu.memory_space<vmem>>, vector<1x16xf32>,
        %swap3A_582 = vector.shape_cast %swap3A_581 : vector<1x16xf32> to vector<16xf32>
        %swap3A_583 = vector.shape_cast %get3A_578 : vector<16xf32> to vector<1x16xf32>
        tpu.vector_store %arg9[%swap3A_579, %swap3A_580], %swap3A_583 {strides = array<i32>} : memref<8x1024xf32, #tpu.memory_space<vmem>>, vector<1x16xf32>,
        %get3A_584 = arith.index_cast %add3A_556 : i32 to index
        %get3A_585 = arith.constant 48 : index
        %get3A_586 = tpu.vector_load %arg8[%get3A_584, %get3A_585] {strides = array<i32>} : memref<128x128xf32, #tpu.memory_space<vmem>>, vector<1x16xf32>,
        %get3A_587 = vector.shape_cast %get3A_586 : vector<1x16xf32> to vector<16xf32>
        %swap3A_588 = arith.index_cast %scan3A_74 : i32 to index
        %swap3A_589 = arith.constant 816 : index
        %swap3A_590 = tpu.vector_load %arg9[%swap3A_588, %swap3A_589] {strides = array<i32>} : memref<8x1024xf32, #tpu.memory_space<vmem>>, vector<1x16xf32>,
        %swap3A_591 = vector.shape_cast %swap3A_590 : vector<1x16xf32> to vector<16xf32>
        %swap3A_592 = vector.shape_cast %get3A_587 : vector<16xf32> to vector<1x16xf32>
        tpu.vector_store %arg9[%swap3A_588, %swap3A_589], %swap3A_592 {strides = array<i32>} : memref<8x1024xf32, #tpu.memory_space<vmem>>, vector<1x16xf32>,
        %mul3A_593 = arith.constant 16 : i32
        %mul3A_594 = arith.muli %scan3A_74, %mul3A_593 : i32
        %add3A_595 = arith.constant 13 : i32
        %add3A_596 = arith.addi %mul3A_594, %add3A_595 : i32
        %get3A_597 = arith.index_cast %add3A_596 : i32 to index
        %get3A_598 = arith.constant 0 : index
        %get3A_599 = tpu.vector_load %arg8[%get3A_597, %get3A_598] {strides = array<i32>} : memref<128x128xf32, #tpu.memory_space<vmem>>, vector<1x16xf32>,
        %get3A_600 = vector.shape_cast %get3A_599 : vector<1x16xf32> to vector<16xf32>
        %swap3A_601 = arith.index_cast %scan3A_74 : i32 to index
        %swap3A_602 = arith.constant 832 : index
        %swap3A_603 = tpu.vector_load %arg9[%swap3A_601, %swap3A_602] {strides = array<i32>} : memref<8x1024xf32, #tpu.memory_space<vmem>>, vector<1x16xf32>,
        %swap3A_604 = vector.shape_cast %swap3A_603 : vector<1x16xf32> to vector<16xf32>
        %swap3A_605 = vector.shape_cast %get3A_600 : vector<16xf32> to vector<1x16xf32>
        tpu.vector_store %arg9[%swap3A_601, %swap3A_602], %swap3A_605 {strides = array<i32>} : memref<8x1024xf32, #tpu.memory_space<vmem>>, vector<1x16xf32>,
        %get3A_606 = arith.index_cast %add3A_596 : i32 to index
        %get3A_607 = arith.constant 16 : index
        %get3A_608 = tpu.vector_load %arg8[%get3A_606, %get3A_607] {strides = array<i32>} : memref<128x128xf32, #tpu.memory_space<vmem>>, vector<1x16xf32>,
        %get3A_609 = vector.shape_cast %get3A_608 : vector<1x16xf32> to vector<16xf32>
        %swap3A_610 = arith.index_cast %scan3A_74 : i32 to index
        %swap3A_611 = arith.constant 848 : index
        %swap3A_612 = tpu.vector_load %arg9[%swap3A_610, %swap3A_611] {strides = array<i32>} : memref<8x1024xf32, #tpu.memory_space<vmem>>, vector<1x16xf32>,
        %swap3A_613 = vector.shape_cast %swap3A_612 : vector<1x16xf32> to vector<16xf32>
        %swap3A_614 = vector.shape_cast %get3A_609 : vector<16xf32> to vector<1x16xf32>
        tpu.vector_store %arg9[%swap3A_610, %swap3A_611], %swap3A_614 {strides = array<i32>} : memref<8x1024xf32, #tpu.memory_space<vmem>>, vector<1x16xf32>,
        %get3A_615 = arith.index_cast %add3A_596 : i32 to index
        %get3A_616 = arith.constant 32 : index
        %get3A_617 = tpu.vector_load %arg8[%get3A_615, %get3A_616] {strides = array<i32>} : memref<128x128xf32, #tpu.memory_space<vmem>>, vector<1x16xf32>,
        %get3A_618 = vector.shape_cast %get3A_617 : vector<1x16xf32> to vector<16xf32>
        %swap3A_619 = arith.index_cast %scan3A_74 : i32 to index
        %swap3A_620 = arith.constant 864 : index
        %swap3A_621 = tpu.vector_load %arg9[%swap3A_619, %swap3A_620] {strides = array<i32>} : memref<8x1024xf32, #tpu.memory_space<vmem>>, vector<1x16xf32>,
        %swap3A_622 = vector.shape_cast %swap3A_621 : vector<1x16xf32> to vector<16xf32>
        %swap3A_623 = vector.shape_cast %get3A_618 : vector<16xf32> to vector<1x16xf32>
        tpu.vector_store %arg9[%swap3A_619, %swap3A_620], %swap3A_623 {strides = array<i32>} : memref<8x1024xf32, #tpu.memory_space<vmem>>, vector<1x16xf32>,
        %get3A_624 = arith.index_cast %add3A_596 : i32 to index
        %get3A_625 = arith.constant 48 : index
        %get3A_626 = tpu.vector_load %arg8[%get3A_624, %get3A_625] {strides = array<i32>} : memref<128x128xf32, #tpu.memory_space<vmem>>, vector<1x16xf32>,
        %get3A_627 = vector.shape_cast %get3A_626 : vector<1x16xf32> to vector<16xf32>
        %swap3A_628 = arith.index_cast %scan3A_74 : i32 to index
        %swap3A_629 = arith.constant 880 : index
        %swap3A_630 = tpu.vector_load %arg9[%swap3A_628, %swap3A_629] {strides = array<i32>} : memref<8x1024xf32, #tpu.memory_space<vmem>>, vector<1x16xf32>,
        %swap3A_631 = vector.shape_cast %swap3A_630 : vector<1x16xf32> to vector<16xf32>
        %swap3A_632 = vector.shape_cast %get3A_627 : vector<16xf32> to vector<1x16xf32>
        tpu.vector_store %arg9[%swap3A_628, %swap3A_629], %swap3A_632 {strides = array<i32>} : memref<8x1024xf32, #tpu.memory_space<vmem>>, vector<1x16xf32>,
        %mul3A_633 = arith.constant 16 : i32
        %mul3A_634 = arith.muli %scan3A_74, %mul3A_633 : i32
        %add3A_635 = arith.constant 14 : i32
        %add3A_636 = arith.addi %mul3A_634, %add3A_635 : i32
        %get3A_637 = arith.index_cast %add3A_636 : i32 to index
        %get3A_638 = arith.constant 0 : index
        %get3A_639 = tpu.vector_load %arg8[%get3A_637, %get3A_638] {strides = array<i32>} : memref<128x128xf32, #tpu.memory_space<vmem>>, vector<1x16xf32>,
        %get3A_640 = vector.shape_cast %get3A_639 : vector<1x16xf32> to vector<16xf32>
        %swap3A_641 = arith.index_cast %scan3A_74 : i32 to index
        %swap3A_642 = arith.constant 896 : index
        %swap3A_643 = tpu.vector_load %arg9[%swap3A_641, %swap3A_642] {strides = array<i32>} : memref<8x1024xf32, #tpu.memory_space<vmem>>, vector<1x16xf32>,
        %swap3A_644 = vector.shape_cast %swap3A_643 : vector<1x16xf32> to vector<16xf32>
        %swap3A_645 = vector.shape_cast %get3A_640 : vector<16xf32> to vector<1x16xf32>
        tpu.vector_store %arg9[%swap3A_641, %swap3A_642], %swap3A_645 {strides = array<i32>} : memref<8x1024xf32, #tpu.memory_space<vmem>>, vector<1x16xf32>,
        %get3A_646 = arith.index_cast %add3A_636 : i32 to index
        %get3A_647 = arith.constant 16 : index
        %get3A_648 = tpu.vector_load %arg8[%get3A_646, %get3A_647] {strides = array<i32>} : memref<128x128xf32, #tpu.memory_space<vmem>>, vector<1x16xf32>,
        %get3A_649 = vector.shape_cast %get3A_648 : vector<1x16xf32> to vector<16xf32>
        %swap3A_650 = arith.index_cast %scan3A_74 : i32 to index
        %swap3A_651 = arith.constant 912 : index
        %swap3A_652 = tpu.vector_load %arg9[%swap3A_650, %swap3A_651] {strides = array<i32>} : memref<8x1024xf32, #tpu.memory_space<vmem>>, vector<1x16xf32>,
        %swap3A_653 = vector.shape_cast %swap3A_652 : vector<1x16xf32> to vector<16xf32>
        %swap3A_654 = vector.shape_cast %get3A_649 : vector<16xf32> to vector<1x16xf32>
        tpu.vector_store %arg9[%swap3A_650, %swap3A_651], %swap3A_654 {strides = array<i32>} : memref<8x1024xf32, #tpu.memory_space<vmem>>, vector<1x16xf32>,
        %get3A_655 = arith.index_cast %add3A_636 : i32 to index
        %get3A_656 = arith.constant 32 : index
        %get3A_657 = tpu.vector_load %arg8[%get3A_655, %get3A_656] {strides = array<i32>} : memref<128x128xf32, #tpu.memory_space<vmem>>, vector<1x16xf32>,
        %get3A_658 = vector.shape_cast %get3A_657 : vector<1x16xf32> to vector<16xf32>
        %swap3A_659 = arith.index_cast %scan3A_74 : i32 to index
        %swap3A_660 = arith.constant 928 : index
        %swap3A_661 = tpu.vector_load %arg9[%swap3A_659, %swap3A_660] {strides = array<i32>} : memref<8x1024xf32, #tpu.memory_space<vmem>>, vector<1x16xf32>,
        %swap3A_662 = vector.shape_cast %swap3A_661 : vector<1x16xf32> to vector<16xf32>
        %swap3A_663 = vector.shape_cast %get3A_658 : vector<16xf32> to vector<1x16xf32>
        tpu.vector_store %arg9[%swap3A_659, %swap3A_660], %swap3A_663 {strides = array<i32>} : memref<8x1024xf32, #tpu.memory_space<vmem>>, vector<1x16xf32>,
        %get3A_664 = arith.index_cast %add3A_636 : i32 to index
        %get3A_665 = arith.constant 48 : index
        %get3A_666 = tpu.vector_load %arg8[%get3A_664, %get3A_665] {strides = array<i32>} : memref<128x128xf32, #tpu.memory_space<vmem>>, vector<1x16xf32>,
        %get3A_667 = vector.shape_cast %get3A_666 : vector<1x16xf32> to vector<16xf32>
        %swap3A_668 = arith.index_cast %scan3A_74 : i32 to index
        %swap3A_669 = arith.constant 944 : index
        %swap3A_670 = tpu.vector_load %arg9[%swap3A_668, %swap3A_669] {strides = array<i32>} : memref<8x1024xf32, #tpu.memory_space<vmem>>, vector<1x16xf32>,
        %swap3A_671 = vector.shape_cast %swap3A_670 : vector<1x16xf32> to vector<16xf32>
        %swap3A_672 = vector.shape_cast %get3A_667 : vector<16xf32> to vector<1x16xf32>
        tpu.vector_store %arg9[%swap3A_668, %swap3A_669], %swap3A_672 {strides = array<i32>} : memref<8x1024xf32, #tpu.memory_space<vmem>>, vector<1x16xf32>,
        %mul3A_673 = arith.constant 16 : i32
        %mul3A_674 = arith.muli %scan3A_74, %mul3A_673 : i32
        %add3A_675 = arith.constant 15 : i32
        %add3A_676 = arith.addi %mul3A_674, %add3A_675 : i32
        %get3A_677 = arith.index_cast %add3A_676 : i32 to index
        %get3A_678 = arith.constant 0 : index
        %get3A_679 = tpu.vector_load %arg8[%get3A_677, %get3A_678] {strides = array<i32>} : memref<128x128xf32, #tpu.memory_space<vmem>>, vector<1x16xf32>,
        %get3A_680 = vector.shape_cast %get3A_679 : vector<1x16xf32> to vector<16xf32>
        %swap3A_681 = arith.index_cast %scan3A_74 : i32 to index
        %swap3A_682 = arith.constant 960 : index
        %swap3A_683 = tpu.vector_load %arg9[%swap3A_681, %swap3A_682] {strides = array<i32>} : memref<8x1024xf32, #tpu.memory_space<vmem>>, vector<1x16xf32>,
        %swap3A_684 = vector.shape_cast %swap3A_683 : vector<1x16xf32> to vector<16xf32>
        %swap3A_685 = vector.shape_cast %get3A_680 : vector<16xf32> to vector<1x16xf32>
        tpu.vector_store %arg9[%swap3A_681, %swap3A_682], %swap3A_685 {strides = array<i32>} : memref<8x1024xf32, #tpu.memory_space<vmem>>, vector<1x16xf32>,
        %get3A_686 = arith.index_cast %add3A_676 : i32 to index
        %get3A_687 = arith.constant 16 : index
        %get3A_688 = tpu.vector_load %arg8[%get3A_686, %get3A_687] {strides = array<i32>} : memref<128x128xf32, #tpu.memory_space<vmem>>, vector<1x16xf32>,
        %get3A_689 = vector.shape_cast %get3A_688 : vector<1x16xf32> to vector<16xf32>
        %swap3A_690 = arith.index_cast %scan3A_74 : i32 to index
        %swap3A_691 = arith.constant 976 : index
        %swap3A_692 = tpu.vector_load %arg9[%swap3A_690, %swap3A_691] {strides = array<i32>} : memref<8x1024xf32, #tpu.memory_space<vmem>>, vector<1x16xf32>,
        %swap3A_693 = vector.shape_cast %swap3A_692 : vector<1x16xf32> to vector<16xf32>
        %swap3A_694 = vector.shape_cast %get3A_689 : vector<16xf32> to vector<1x16xf32>
        tpu.vector_store %arg9[%swap3A_690, %swap3A_691], %swap3A_694 {strides = array<i32>} : memref<8x1024xf32, #tpu.memory_space<vmem>>, vector<1x16xf32>,
        %get3A_695 = arith.index_cast %add3A_676 : i32 to index
        %get3A_696 = arith.constant 32 : index
        %get3A_697 = tpu.vector_load %arg8[%get3A_695, %get3A_696] {strides = array<i32>} : memref<128x128xf32, #tpu.memory_space<vmem>>, vector<1x16xf32>,
        %get3A_698 = vector.shape_cast %get3A_697 : vector<1x16xf32> to vector<16xf32>
        %swap3A_699 = arith.index_cast %scan3A_74 : i32 to index
        %swap3A_700 = arith.constant 992 : index
        %swap3A_701 = tpu.vector_load %arg9[%swap3A_699, %swap3A_700] {strides = array<i32>} : memref<8x1024xf32, #tpu.memory_space<vmem>>, vector<1x16xf32>,
        %swap3A_702 = vector.shape_cast %swap3A_701 : vector<1x16xf32> to vector<16xf32>
        %swap3A_703 = vector.shape_cast %get3A_698 : vector<16xf32> to vector<1x16xf32>
        tpu.vector_store %arg9[%swap3A_699, %swap3A_700], %swap3A_703 {strides = array<i32>} : memref<8x1024xf32, #tpu.memory_space<vmem>>, vector<1x16xf32>,
        %get3A_704 = arith.index_cast %add3A_676 : i32 to index
        %get3A_705 = arith.constant 48 : index
        %get3A_706 = tpu.vector_load %arg8[%get3A_704, %get3A_705] {strides = array<i32>} : memref<128x128xf32, #tpu.memory_space<vmem>>, vector<1x16xf32>,
        %get3A_707 = vector.shape_cast %get3A_706 : vector<1x16xf32> to vector<16xf32>
        %swap3A_708 = arith.index_cast %scan3A_74 : i32 to index
        %swap3A_709 = arith.constant 1008 : index
        %swap3A_710 = tpu.vector_load %arg9[%swap3A_708, %swap3A_709] {strides = array<i32>} : memref<8x1024xf32, #tpu.memory_space<vmem>>, vector<1x16xf32>,
        %swap3A_711 = vector.shape_cast %swap3A_710 : vector<1x16xf32> to vector<16xf32>
        %swap3A_712 = vector.shape_cast %get3A_707 : vector<16xf32> to vector<1x16xf32>
        tpu.vector_store %arg9[%swap3A_708, %swap3A_709], %swap3A_712 {strides = array<i32>} : memref<8x1024xf32, #tpu.memory_space<vmem>>, vector<1x16xf32>,
      }
      %scan3A_70 = arith.constant 8 : i32
      "tpu.region"() ({
        %run_scoped3A = tpu.sem_alloc : memref<!tpu.dma_semaphore, #tpu.memory_space<semaphore_mem>>
        %dma_start3A_74 = arith.constant 0 : i32
        %dma_start3A_75 = tpu.memref_slice %arg4[%add3A_64, %dma_start3A_74] : memref<9216x1024xf32, #tpu.memory_space<hbm>> -> memref<8x1024xf32, #tpu.memory_space<hbm>>
        %dma_start3A_76 = arith.constant 0 : i32
        %dma_start3A_77 = tpu.memref_slice %arg4[%add3A_64, %dma_start3A_76] : memref<9216x1024xf32, #tpu.memory_space<hbm>> -> memref<8x1024xf32, #tpu.memory_space<hbm>>
        tpu.enqueue_dma source(%arg9 : memref<8x1024xf32, #tpu.memory_space<vmem>>) target(%dma_start3A_77 : memref<8x1024xf32, #tpu.memory_space<hbm>>) target_semaphore(%run_scoped3A : memref<!tpu.dma_semaphore, #tpu.memory_space<semaphore_mem>>)
        %dma_wait3A_78 = arith.constant 0 : i32
        %dma_wait3A_79 = tpu.memref_slice %arg4[%add3A_64, %dma_wait3A_78] : memref<9216x1024xf32, #tpu.memory_space<hbm>> -> memref<8x1024xf32, #tpu.memory_space<hbm>>
        %dma_wait3A_80 = arith.constant 0 : i32
        %dma_wait3A_81 = tpu.memref_slice %arg4[%add3A_64, %dma_wait3A_80] : memref<9216x1024xf32, #tpu.memory_space<hbm>> -> memref<8x1024xf32, #tpu.memory_space<hbm>>
        tpu.wait_dma2 semaphore(%run_scoped3A : memref<!tpu.dma_semaphore, #tpu.memory_space<semaphore_mem>>) src(%arg9 : memref<8x1024xf32, #tpu.memory_space<vmem>>) dst(%dma_wait3A_81 : memref<8x1024xf32, #tpu.memory_space<hbm>>)
        tpu.yield
      }) : () -> ()
      %dma_wait3A_71 = arith.constant 0 : i32
      %dma_wait3A_72 = arith.constant 0 : i32
      %dma_wait3A_73 = tpu.memref_slice %arg3[%dma_wait3A_71, %dma_wait3A_72] : memref<16384x128xf32, #tpu.memory_space<hbm>> -> memref<16384x128xf32, #tpu.memory_space<hbm>>
      tpu.wait_indirect_dma semaphore(%arg10 : memref<!tpu.dma_semaphore, #tpu.memory_space<semaphore_mem>>) src(%dma_wait3A_73 : memref<16384x128xf32, #tpu.memory_space<hbm>>) dst(%arg7 : memref<128x128xf32, #tpu.memory_space<vmem>>)
    }
    %scan3A_16 = arith.constant 18 : i32
    return
  }
}

module attributes {stable_mosaic.version = 14 : i64} {
  func.func @_tc_argmin_kernel(%arg0: i32, %arg1: memref<256x1024xf32, #tpu.memory_space<vmem>>, %arg2: memref<256x16xf32, #tpu.memory_space<vmem>>, %arg3: memref<16x1024x64xf32, #tpu.memory_space<vmem>>, %arg4: memref<16x1024xf32, #tpu.memory_space<vmem>>, %arg5: memref<256x16xi32, #tpu.memory_space<vmem>>, %arg6: memref<256x16xi32, #tpu.memory_space<vmem>>, %arg7: memref<1x1xf32, #tpu.memory_space<vmem>>) attributes {dimension_semantics = [#tpu.dimension_semantics<arbitrary>], iteration_bounds = array<i64: 36>, scalar_prefetch = 0 : i64, scratch_operands = 0 : i64, tpu.core_type = #tpu.core_type<tc>, window_params = [{transform_indices = @transform_0, window_bounds = array<i64: 256, 1024>}, {transform_indices = @transform_1, window_bounds = array<i64: 256, 16>}, {pipeline_mode = #tpu.pipeline_mode<synchronous>, transform_indices = @transform_2, window_bounds = array<i64: 16, 1024, 64>}, {pipeline_mode = #tpu.pipeline_mode<synchronous>, transform_indices = @transform_3, window_bounds = array<i64: 16, 1024>}, {transform_indices = @transform_4, window_bounds = array<i64: 256, 16>}, {transform_indices = @transform_5, window_bounds = array<i64: 256, 16>}, {pipeline_mode = #tpu.pipeline_mode<synchronous>, transform_indices = @transform_6, window_bounds = array<i64: 1, 1>}]} {
    %get3A = arith.constant 0 : index
    %get3A_0 = arith.constant 0 : index
    %get3A_1 = vector.load %arg1[%get3A, %get3A_0] : memref<256x1024xf32, #tpu.memory_space<vmem>>, vector<256x64xf32>
    %get3A_2 = arith.constant 0 : index
    %get3A_3 = arith.constant 0 : index
    %get3A_4 = arith.constant 0 : index
    %get3A_5 = vector.load %arg3[%get3A_2, %get3A_3, %get3A_4] : memref<16x1024x64xf32, #tpu.memory_space<vmem>>, vector<1x1024x64xf32>
    %get3A_6 = vector.shape_cast %get3A_5 : vector<1x1024x64xf32> to vector<1024x64xf32>
    %dot_general3A = arith.constant dense<0.000000e+00> : vector<256x1024xf32>
    %dot_general3A_7 = tpu.matmul %get3A_1, %get3A_6, %dot_general3A {dimension_numbers = #tpu.dot_dimension_numbers<[1], [1], [0], [0], [0, 0, 1, 0], [], []>, transpose_lhs_hint = false} : vector<256x64xf32>, vector<1024x64xf32>, vector<256x1024xf32> -> vector<256x1024xf32>
    %get3A_8 = arith.constant 0 : index
    %get3A_9 = arith.constant 0 : index
    %get3A_10 = vector.load %arg2[%get3A_8, %get3A_9] : memref<256x16xf32, #tpu.memory_space<vmem>>, vector<256x1xf32>
    %get3A_11 = arith.constant 0 : index
    %get3A_12 = arith.constant 0 : index
    %get3A_13 = vector.load %arg4[%get3A_11, %get3A_12] : memref<16x1024xf32, #tpu.memory_space<vmem>>, vector<1x1024xf32>
    %add3A = vector.broadcast %get3A_10 : vector<256x1xf32> to vector<256x1024xf32>
    %add3A_14 = vector.broadcast %get3A_13 : vector<1x1024xf32> to vector<256x1024xf32>
    %add3A_15 = arith.addf %add3A, %add3A_14 : vector<256x1024xf32>
    %mul3A = arith.constant 2.000000e+00 : f32
    %mul3A_16 = vector.broadcast %mul3A : f32 to vector<256x1024xf32>
    %mul3A_17 = arith.mulf %mul3A_16, %dot_general3A_7 : vector<256x1024xf32>
    %sub3A = arith.subf %add3A_15, %mul3A_17 : vector<256x1024xf32>
    %reduce_min3A = arith.constant dense<0x7F800000> : vector<256xf32>
    %reduce_min3A_18 = vector.multi_reduction <minimumf>, %sub3A, %reduce_min3A [1] : vector<256x1024xf32> to vector<256xf32>
    %broadcast_in_dim3A = vector.shape_cast %reduce_min3A_18 : vector<256xf32> to vector<256x1xf32>
    %iota3A = tpu.iota {dimensions = array<i32: 1>} : vector<256x1024xi32>
    %eq3A = vector.broadcast %broadcast_in_dim3A : vector<256x1xf32> to vector<256x1024xf32>
    %eq3A_19 = arith.cmpf oeq, %sub3A, %eq3A : vector<256x1024xf32>
    %jit3A = arith.constant 1024 : i32
    %broadcast_in_dim3A_20 = vector.broadcast %jit3A : i32 to vector<256x1024xi32>
    %select_n3A = arith.select %eq3A_19, %iota3A, %broadcast_in_dim3A_20 : vector<256x1024xi1>, vector<256x1024xi32>
    %reduce_min3A_21 = arith.constant dense<2147483647> : vector<256xi32>
    %reduce_min3A_22 = vector.multi_reduction <minsi>, %select_n3A, %reduce_min3A_21 [1] : vector<256x1024xi32> to vector<256xi32>
    %broadcast_in_dim3A_23 = vector.shape_cast %reduce_min3A_22 : vector<256xi32> to vector<256x1xi32>
    %swap3A = arith.constant 0 : index
    %swap3A_24 = arith.constant 0 : index
    %swap3A_25 = vector.load %arg5[%swap3A, %swap3A_24] : memref<256x16xi32, #tpu.memory_space<vmem>>, vector<256x1xi32>
    tpu.vector_store %arg5[%swap3A, %swap3A_24], %broadcast_in_dim3A_23 {strides = array<i32>} : memref<256x16xi32, #tpu.memory_space<vmem>>, vector<256x1xi32>,
    %add3A_26 = arith.constant 0 : i32
    %add3A_27 = vector.broadcast %add3A_26 : i32 to vector<256x1xi32>
    %add3A_28 = arith.addi %broadcast_in_dim3A_23, %add3A_27 : vector<256x1xi32>
    %swap3A_29 = arith.constant 0 : index
    %swap3A_30 = arith.constant 0 : index
    %swap3A_31 = vector.load %arg6[%swap3A_29, %swap3A_30] : memref<256x16xi32, #tpu.memory_space<vmem>>, vector<256x1xi32>
    tpu.vector_store %arg6[%swap3A_29, %swap3A_30], %add3A_28 {strides = array<i32>} : memref<256x16xi32, #tpu.memory_space<vmem>>, vector<256x1xi32>,
    %reduce_sum3A = vector.shape_cast %broadcast_in_dim3A : vector<256x1xf32> to vector<1x256x1xf32>
    %reduce_sum3A_32 = arith.constant dense<0.000000e+00> : vector<1xf32>
    %reduce_sum3A_33 = vector.multi_reduction <add>, %reduce_sum3A, %reduce_sum3A_32 [1, 2] : vector<1x256x1xf32> to vector<1xf32>
    %reduce_sum3A_34 = vector.shape_cast %reduce_sum3A_33 : vector<1xf32> to vector<1x1x1xf32>
    %reduce_sum3A_35 = vector.extract %reduce_sum3A_34[0, 0, 0] : f32 from vector<1x1x1xf32>
    %add3A_36 = arith.constant 0.000000e+00 : f32
    %add3A_37 = arith.addf %add3A_36, %reduce_sum3A_35 : f32
    %get3A_38 = arith.constant 0 : index
    %get3A_39 = arith.constant 64 : index
    %get3A_40 = vector.load %arg1[%get3A_38, %get3A_39] : memref<256x1024xf32, #tpu.memory_space<vmem>>, vector<256x64xf32>
    %get3A_41 = arith.constant 1 : index
    %get3A_42 = arith.constant 0 : index
    %get3A_43 = arith.constant 0 : index
    %get3A_44 = vector.load %arg3[%get3A_41, %get3A_42, %get3A_43] : memref<16x1024x64xf32, #tpu.memory_space<vmem>>, vector<1x1024x64xf32>
    %get3A_45 = vector.shape_cast %get3A_44 : vector<1x1024x64xf32> to vector<1024x64xf32>
    %dot_general3A_46 = arith.constant dense<0.000000e+00> : vector<256x1024xf32>
    %dot_general3A_47 = tpu.matmul %get3A_40, %get3A_45, %dot_general3A_46 {dimension_numbers = #tpu.dot_dimension_numbers<[1], [1], [0], [0], [0, 0, 1, 0], [], []>, transpose_lhs_hint = false} : vector<256x64xf32>, vector<1024x64xf32>, vector<256x1024xf32> -> vector<256x1024xf32>
    %get3A_48 = arith.constant 0 : index
    %get3A_49 = arith.constant 1 : index
    %get3A_50 = vector.load %arg2[%get3A_48, %get3A_49] : memref<256x16xf32, #tpu.memory_space<vmem>>, vector<256x1xf32>
    %get3A_51 = arith.constant 1 : index
    %get3A_52 = arith.constant 0 : index
    %get3A_53 = vector.load %arg4[%get3A_51, %get3A_52] : memref<16x1024xf32, #tpu.memory_space<vmem>>, vector<1x1024xf32>
    %add3A_54 = vector.broadcast %get3A_50 : vector<256x1xf32> to vector<256x1024xf32>
    %add3A_55 = vector.broadcast %get3A_53 : vector<1x1024xf32> to vector<256x1024xf32>
    %add3A_56 = arith.addf %add3A_54, %add3A_55 : vector<256x1024xf32>
    %mul3A_57 = arith.constant 2.000000e+00 : f32
    %mul3A_58 = vector.broadcast %mul3A_57 : f32 to vector<256x1024xf32>
    %mul3A_59 = arith.mulf %mul3A_58, %dot_general3A_47 : vector<256x1024xf32>
    %sub3A_60 = arith.subf %add3A_56, %mul3A_59 : vector<256x1024xf32>
    %reduce_min3A_61 = arith.constant dense<0x7F800000> : vector<256xf32>
    %reduce_min3A_62 = vector.multi_reduction <minimumf>, %sub3A_60, %reduce_min3A_61 [1] : vector<256x1024xf32> to vector<256xf32>
    %broadcast_in_dim3A_63 = vector.shape_cast %reduce_min3A_62 : vector<256xf32> to vector<256x1xf32>
    %iota3A_64 = tpu.iota {dimensions = array<i32: 1>} : vector<256x1024xi32>
    %eq3A_65 = vector.broadcast %broadcast_in_dim3A_63 : vector<256x1xf32> to vector<256x1024xf32>
    %eq3A_66 = arith.cmpf oeq, %sub3A_60, %eq3A_65 : vector<256x1024xf32>
    %jit3A_67 = arith.constant 1024 : i32
    %broadcast_in_dim3A_68 = vector.broadcast %jit3A_67 : i32 to vector<256x1024xi32>
    %select_n3A_69 = arith.select %eq3A_66, %iota3A_64, %broadcast_in_dim3A_68 : vector<256x1024xi1>, vector<256x1024xi32>
    %reduce_min3A_70 = arith.constant dense<2147483647> : vector<256xi32>
    %reduce_min3A_71 = vector.multi_reduction <minsi>, %select_n3A_69, %reduce_min3A_70 [1] : vector<256x1024xi32> to vector<256xi32>
    %broadcast_in_dim3A_72 = vector.shape_cast %reduce_min3A_71 : vector<256xi32> to vector<256x1xi32>
    %swap3A_73 = arith.constant 0 : index
    %swap3A_74 = arith.constant 1 : index
    %swap3A_75 = vector.load %arg5[%swap3A_73, %swap3A_74] : memref<256x16xi32, #tpu.memory_space<vmem>>, vector<256x1xi32>
    tpu.vector_store %arg5[%swap3A_73, %swap3A_74], %broadcast_in_dim3A_72 {strides = array<i32>} : memref<256x16xi32, #tpu.memory_space<vmem>>, vector<256x1xi32>,
    %add3A_76 = arith.constant 1024 : i32
    %add3A_77 = vector.broadcast %add3A_76 : i32 to vector<256x1xi32>
    %add3A_78 = arith.addi %broadcast_in_dim3A_72, %add3A_77 : vector<256x1xi32>
    %swap3A_79 = arith.constant 0 : index
    %swap3A_80 = arith.constant 1 : index
    %swap3A_81 = vector.load %arg6[%swap3A_79, %swap3A_80] : memref<256x16xi32, #tpu.memory_space<vmem>>, vector<256x1xi32>
    tpu.vector_store %arg6[%swap3A_79, %swap3A_80], %add3A_78 {strides = array<i32>} : memref<256x16xi32, #tpu.memory_space<vmem>>, vector<256x1xi32>,
    %reduce_sum3A_82 = vector.shape_cast %broadcast_in_dim3A_63 : vector<256x1xf32> to vector<1x256x1xf32>
    %reduce_sum3A_83 = arith.constant dense<0.000000e+00> : vector<1xf32>
    %reduce_sum3A_84 = vector.multi_reduction <add>, %reduce_sum3A_82, %reduce_sum3A_83 [1, 2] : vector<1x256x1xf32> to vector<1xf32>
    %reduce_sum3A_85 = vector.shape_cast %reduce_sum3A_84 : vector<1xf32> to vector<1x1x1xf32>
    %reduce_sum3A_86 = vector.extract %reduce_sum3A_85[0, 0, 0] : f32 from vector<1x1x1xf32>
    %add3A_87 = arith.addf %add3A_37, %reduce_sum3A_86 : f32
    %get3A_88 = arith.constant 0 : index
    %get3A_89 = arith.constant 128 : index
    %get3A_90 = vector.load %arg1[%get3A_88, %get3A_89] : memref<256x1024xf32, #tpu.memory_space<vmem>>, vector<256x64xf32>
    %get3A_91 = arith.constant 2 : index
    %get3A_92 = arith.constant 0 : index
    %get3A_93 = arith.constant 0 : index
    %get3A_94 = vector.load %arg3[%get3A_91, %get3A_92, %get3A_93] : memref<16x1024x64xf32, #tpu.memory_space<vmem>>, vector<1x1024x64xf32>
    %get3A_95 = vector.shape_cast %get3A_94 : vector<1x1024x64xf32> to vector<1024x64xf32>
    %dot_general3A_96 = arith.constant dense<0.000000e+00> : vector<256x1024xf32>
    %dot_general3A_97 = tpu.matmul %get3A_90, %get3A_95, %dot_general3A_96 {dimension_numbers = #tpu.dot_dimension_numbers<[1], [1], [0], [0], [0, 0, 1, 0], [], []>, transpose_lhs_hint = false} : vector<256x64xf32>, vector<1024x64xf32>, vector<256x1024xf32> -> vector<256x1024xf32>
    %get3A_98 = arith.constant 0 : index
    %get3A_99 = arith.constant 2 : index
    %get3A_100 = vector.load %arg2[%get3A_98, %get3A_99] : memref<256x16xf32, #tpu.memory_space<vmem>>, vector<256x1xf32>
    %get3A_101 = arith.constant 2 : index
    %get3A_102 = arith.constant 0 : index
    %get3A_103 = vector.load %arg4[%get3A_101, %get3A_102] : memref<16x1024xf32, #tpu.memory_space<vmem>>, vector<1x1024xf32>
    %add3A_104 = vector.broadcast %get3A_100 : vector<256x1xf32> to vector<256x1024xf32>
    %add3A_105 = vector.broadcast %get3A_103 : vector<1x1024xf32> to vector<256x1024xf32>
    %add3A_106 = arith.addf %add3A_104, %add3A_105 : vector<256x1024xf32>
    %mul3A_107 = arith.constant 2.000000e+00 : f32
    %mul3A_108 = vector.broadcast %mul3A_107 : f32 to vector<256x1024xf32>
    %mul3A_109 = arith.mulf %mul3A_108, %dot_general3A_97 : vector<256x1024xf32>
    %sub3A_110 = arith.subf %add3A_106, %mul3A_109 : vector<256x1024xf32>
    %reduce_min3A_111 = arith.constant dense<0x7F800000> : vector<256xf32>
    %reduce_min3A_112 = vector.multi_reduction <minimumf>, %sub3A_110, %reduce_min3A_111 [1] : vector<256x1024xf32> to vector<256xf32>
    %broadcast_in_dim3A_113 = vector.shape_cast %reduce_min3A_112 : vector<256xf32> to vector<256x1xf32>
    %iota3A_114 = tpu.iota {dimensions = array<i32: 1>} : vector<256x1024xi32>
    %eq3A_115 = vector.broadcast %broadcast_in_dim3A_113 : vector<256x1xf32> to vector<256x1024xf32>
    %eq3A_116 = arith.cmpf oeq, %sub3A_110, %eq3A_115 : vector<256x1024xf32>
    %jit3A_117 = arith.constant 1024 : i32
    %broadcast_in_dim3A_118 = vector.broadcast %jit3A_117 : i32 to vector<256x1024xi32>
    %select_n3A_119 = arith.select %eq3A_116, %iota3A_114, %broadcast_in_dim3A_118 : vector<256x1024xi1>, vector<256x1024xi32>
    %reduce_min3A_120 = arith.constant dense<2147483647> : vector<256xi32>
    %reduce_min3A_121 = vector.multi_reduction <minsi>, %select_n3A_119, %reduce_min3A_120 [1] : vector<256x1024xi32> to vector<256xi32>
    %broadcast_in_dim3A_122 = vector.shape_cast %reduce_min3A_121 : vector<256xi32> to vector<256x1xi32>
    %swap3A_123 = arith.constant 0 : index
    %swap3A_124 = arith.constant 2 : index
    %swap3A_125 = vector.load %arg5[%swap3A_123, %swap3A_124] : memref<256x16xi32, #tpu.memory_space<vmem>>, vector<256x1xi32>
    tpu.vector_store %arg5[%swap3A_123, %swap3A_124], %broadcast_in_dim3A_122 {strides = array<i32>} : memref<256x16xi32, #tpu.memory_space<vmem>>, vector<256x1xi32>,
    %add3A_126 = arith.constant 2048 : i32
    %add3A_127 = vector.broadcast %add3A_126 : i32 to vector<256x1xi32>
    %add3A_128 = arith.addi %broadcast_in_dim3A_122, %add3A_127 : vector<256x1xi32>
    %swap3A_129 = arith.constant 0 : index
    %swap3A_130 = arith.constant 2 : index
    %swap3A_131 = vector.load %arg6[%swap3A_129, %swap3A_130] : memref<256x16xi32, #tpu.memory_space<vmem>>, vector<256x1xi32>
    tpu.vector_store %arg6[%swap3A_129, %swap3A_130], %add3A_128 {strides = array<i32>} : memref<256x16xi32, #tpu.memory_space<vmem>>, vector<256x1xi32>,
    %reduce_sum3A_132 = vector.shape_cast %broadcast_in_dim3A_113 : vector<256x1xf32> to vector<1x256x1xf32>
    %reduce_sum3A_133 = arith.constant dense<0.000000e+00> : vector<1xf32>
    %reduce_sum3A_134 = vector.multi_reduction <add>, %reduce_sum3A_132, %reduce_sum3A_133 [1, 2] : vector<1x256x1xf32> to vector<1xf32>
    %reduce_sum3A_135 = vector.shape_cast %reduce_sum3A_134 : vector<1xf32> to vector<1x1x1xf32>
    %reduce_sum3A_136 = vector.extract %reduce_sum3A_135[0, 0, 0] : f32 from vector<1x1x1xf32>
    %add3A_137 = arith.addf %add3A_87, %reduce_sum3A_136 : f32
    %get3A_138 = arith.constant 0 : index
    %get3A_139 = arith.constant 192 : index
    %get3A_140 = vector.load %arg1[%get3A_138, %get3A_139] : memref<256x1024xf32, #tpu.memory_space<vmem>>, vector<256x64xf32>
    %get3A_141 = arith.constant 3 : index
    %get3A_142 = arith.constant 0 : index
    %get3A_143 = arith.constant 0 : index
    %get3A_144 = vector.load %arg3[%get3A_141, %get3A_142, %get3A_143] : memref<16x1024x64xf32, #tpu.memory_space<vmem>>, vector<1x1024x64xf32>
    %get3A_145 = vector.shape_cast %get3A_144 : vector<1x1024x64xf32> to vector<1024x64xf32>
    %dot_general3A_146 = arith.constant dense<0.000000e+00> : vector<256x1024xf32>
    %dot_general3A_147 = tpu.matmul %get3A_140, %get3A_145, %dot_general3A_146 {dimension_numbers = #tpu.dot_dimension_numbers<[1], [1], [0], [0], [0, 0, 1, 0], [], []>, transpose_lhs_hint = false} : vector<256x64xf32>, vector<1024x64xf32>, vector<256x1024xf32> -> vector<256x1024xf32>
    %get3A_148 = arith.constant 0 : index
    %get3A_149 = arith.constant 3 : index
    %get3A_150 = vector.load %arg2[%get3A_148, %get3A_149] : memref<256x16xf32, #tpu.memory_space<vmem>>, vector<256x1xf32>
    %get3A_151 = arith.constant 3 : index
    %get3A_152 = arith.constant 0 : index
    %get3A_153 = vector.load %arg4[%get3A_151, %get3A_152] : memref<16x1024xf32, #tpu.memory_space<vmem>>, vector<1x1024xf32>
    %add3A_154 = vector.broadcast %get3A_150 : vector<256x1xf32> to vector<256x1024xf32>
    %add3A_155 = vector.broadcast %get3A_153 : vector<1x1024xf32> to vector<256x1024xf32>
    %add3A_156 = arith.addf %add3A_154, %add3A_155 : vector<256x1024xf32>
    %mul3A_157 = arith.constant 2.000000e+00 : f32
    %mul3A_158 = vector.broadcast %mul3A_157 : f32 to vector<256x1024xf32>
    %mul3A_159 = arith.mulf %mul3A_158, %dot_general3A_147 : vector<256x1024xf32>
    %sub3A_160 = arith.subf %add3A_156, %mul3A_159 : vector<256x1024xf32>
    %reduce_min3A_161 = arith.constant dense<0x7F800000> : vector<256xf32>
    %reduce_min3A_162 = vector.multi_reduction <minimumf>, %sub3A_160, %reduce_min3A_161 [1] : vector<256x1024xf32> to vector<256xf32>
    %broadcast_in_dim3A_163 = vector.shape_cast %reduce_min3A_162 : vector<256xf32> to vector<256x1xf32>
    %iota3A_164 = tpu.iota {dimensions = array<i32: 1>} : vector<256x1024xi32>
    %eq3A_165 = vector.broadcast %broadcast_in_dim3A_163 : vector<256x1xf32> to vector<256x1024xf32>
    %eq3A_166 = arith.cmpf oeq, %sub3A_160, %eq3A_165 : vector<256x1024xf32>
    %jit3A_167 = arith.constant 1024 : i32
    %broadcast_in_dim3A_168 = vector.broadcast %jit3A_167 : i32 to vector<256x1024xi32>
    %select_n3A_169 = arith.select %eq3A_166, %iota3A_164, %broadcast_in_dim3A_168 : vector<256x1024xi1>, vector<256x1024xi32>
    %reduce_min3A_170 = arith.constant dense<2147483647> : vector<256xi32>
    %reduce_min3A_171 = vector.multi_reduction <minsi>, %select_n3A_169, %reduce_min3A_170 [1] : vector<256x1024xi32> to vector<256xi32>
    %broadcast_in_dim3A_172 = vector.shape_cast %reduce_min3A_171 : vector<256xi32> to vector<256x1xi32>
    %swap3A_173 = arith.constant 0 : index
    %swap3A_174 = arith.constant 3 : index
    %swap3A_175 = vector.load %arg5[%swap3A_173, %swap3A_174] : memref<256x16xi32, #tpu.memory_space<vmem>>, vector<256x1xi32>
    tpu.vector_store %arg5[%swap3A_173, %swap3A_174], %broadcast_in_dim3A_172 {strides = array<i32>} : memref<256x16xi32, #tpu.memory_space<vmem>>, vector<256x1xi32>,
    %add3A_176 = arith.constant 3072 : i32
    %add3A_177 = vector.broadcast %add3A_176 : i32 to vector<256x1xi32>
    %add3A_178 = arith.addi %broadcast_in_dim3A_172, %add3A_177 : vector<256x1xi32>
    %swap3A_179 = arith.constant 0 : index
    %swap3A_180 = arith.constant 3 : index
    %swap3A_181 = vector.load %arg6[%swap3A_179, %swap3A_180] : memref<256x16xi32, #tpu.memory_space<vmem>>, vector<256x1xi32>
    tpu.vector_store %arg6[%swap3A_179, %swap3A_180], %add3A_178 {strides = array<i32>} : memref<256x16xi32, #tpu.memory_space<vmem>>, vector<256x1xi32>,
    %reduce_sum3A_182 = vector.shape_cast %broadcast_in_dim3A_163 : vector<256x1xf32> to vector<1x256x1xf32>
    %reduce_sum3A_183 = arith.constant dense<0.000000e+00> : vector<1xf32>
    %reduce_sum3A_184 = vector.multi_reduction <add>, %reduce_sum3A_182, %reduce_sum3A_183 [1, 2] : vector<1x256x1xf32> to vector<1xf32>
    %reduce_sum3A_185 = vector.shape_cast %reduce_sum3A_184 : vector<1xf32> to vector<1x1x1xf32>
    %reduce_sum3A_186 = vector.extract %reduce_sum3A_185[0, 0, 0] : f32 from vector<1x1x1xf32>
    %add3A_187 = arith.addf %add3A_137, %reduce_sum3A_186 : f32
    %get3A_188 = arith.constant 0 : index
    %get3A_189 = arith.constant 256 : index
    %get3A_190 = vector.load %arg1[%get3A_188, %get3A_189] : memref<256x1024xf32, #tpu.memory_space<vmem>>, vector<256x64xf32>
    %get3A_191 = arith.constant 4 : index
    %get3A_192 = arith.constant 0 : index
    %get3A_193 = arith.constant 0 : index
    %get3A_194 = vector.load %arg3[%get3A_191, %get3A_192, %get3A_193] : memref<16x1024x64xf32, #tpu.memory_space<vmem>>, vector<1x1024x64xf32>
    %get3A_195 = vector.shape_cast %get3A_194 : vector<1x1024x64xf32> to vector<1024x64xf32>
    %dot_general3A_196 = arith.constant dense<0.000000e+00> : vector<256x1024xf32>
    %dot_general3A_197 = tpu.matmul %get3A_190, %get3A_195, %dot_general3A_196 {dimension_numbers = #tpu.dot_dimension_numbers<[1], [1], [0], [0], [0, 0, 1, 0], [], []>, transpose_lhs_hint = false} : vector<256x64xf32>, vector<1024x64xf32>, vector<256x1024xf32> -> vector<256x1024xf32>
    %get3A_198 = arith.constant 0 : index
    %get3A_199 = arith.constant 4 : index
    %get3A_200 = vector.load %arg2[%get3A_198, %get3A_199] : memref<256x16xf32, #tpu.memory_space<vmem>>, vector<256x1xf32>
    %get3A_201 = arith.constant 4 : index
    %get3A_202 = arith.constant 0 : index
    %get3A_203 = vector.load %arg4[%get3A_201, %get3A_202] : memref<16x1024xf32, #tpu.memory_space<vmem>>, vector<1x1024xf32>
    %add3A_204 = vector.broadcast %get3A_200 : vector<256x1xf32> to vector<256x1024xf32>
    %add3A_205 = vector.broadcast %get3A_203 : vector<1x1024xf32> to vector<256x1024xf32>
    %add3A_206 = arith.addf %add3A_204, %add3A_205 : vector<256x1024xf32>
    %mul3A_207 = arith.constant 2.000000e+00 : f32
    %mul3A_208 = vector.broadcast %mul3A_207 : f32 to vector<256x1024xf32>
    %mul3A_209 = arith.mulf %mul3A_208, %dot_general3A_197 : vector<256x1024xf32>
    %sub3A_210 = arith.subf %add3A_206, %mul3A_209 : vector<256x1024xf32>
    %reduce_min3A_211 = arith.constant dense<0x7F800000> : vector<256xf32>
    %reduce_min3A_212 = vector.multi_reduction <minimumf>, %sub3A_210, %reduce_min3A_211 [1] : vector<256x1024xf32> to vector<256xf32>
    %broadcast_in_dim3A_213 = vector.shape_cast %reduce_min3A_212 : vector<256xf32> to vector<256x1xf32>
    %iota3A_214 = tpu.iota {dimensions = array<i32: 1>} : vector<256x1024xi32>
    %eq3A_215 = vector.broadcast %broadcast_in_dim3A_213 : vector<256x1xf32> to vector<256x1024xf32>
    %eq3A_216 = arith.cmpf oeq, %sub3A_210, %eq3A_215 : vector<256x1024xf32>
    %jit3A_217 = arith.constant 1024 : i32
    %broadcast_in_dim3A_218 = vector.broadcast %jit3A_217 : i32 to vector<256x1024xi32>
    %select_n3A_219 = arith.select %eq3A_216, %iota3A_214, %broadcast_in_dim3A_218 : vector<256x1024xi1>, vector<256x1024xi32>
    %reduce_min3A_220 = arith.constant dense<2147483647> : vector<256xi32>
    %reduce_min3A_221 = vector.multi_reduction <minsi>, %select_n3A_219, %reduce_min3A_220 [1] : vector<256x1024xi32> to vector<256xi32>
    %broadcast_in_dim3A_222 = vector.shape_cast %reduce_min3A_221 : vector<256xi32> to vector<256x1xi32>
    %swap3A_223 = arith.constant 0 : index
    %swap3A_224 = arith.constant 4 : index
    %swap3A_225 = vector.load %arg5[%swap3A_223, %swap3A_224] : memref<256x16xi32, #tpu.memory_space<vmem>>, vector<256x1xi32>
    tpu.vector_store %arg5[%swap3A_223, %swap3A_224], %broadcast_in_dim3A_222 {strides = array<i32>} : memref<256x16xi32, #tpu.memory_space<vmem>>, vector<256x1xi32>,
    %add3A_226 = arith.constant 4096 : i32
    %add3A_227 = vector.broadcast %add3A_226 : i32 to vector<256x1xi32>
    %add3A_228 = arith.addi %broadcast_in_dim3A_222, %add3A_227 : vector<256x1xi32>
    %swap3A_229 = arith.constant 0 : index
    %swap3A_230 = arith.constant 4 : index
    %swap3A_231 = vector.load %arg6[%swap3A_229, %swap3A_230] : memref<256x16xi32, #tpu.memory_space<vmem>>, vector<256x1xi32>
    tpu.vector_store %arg6[%swap3A_229, %swap3A_230], %add3A_228 {strides = array<i32>} : memref<256x16xi32, #tpu.memory_space<vmem>>, vector<256x1xi32>,
    %reduce_sum3A_232 = vector.shape_cast %broadcast_in_dim3A_213 : vector<256x1xf32> to vector<1x256x1xf32>
    %reduce_sum3A_233 = arith.constant dense<0.000000e+00> : vector<1xf32>
    %reduce_sum3A_234 = vector.multi_reduction <add>, %reduce_sum3A_232, %reduce_sum3A_233 [1, 2] : vector<1x256x1xf32> to vector<1xf32>
    %reduce_sum3A_235 = vector.shape_cast %reduce_sum3A_234 : vector<1xf32> to vector<1x1x1xf32>
    %reduce_sum3A_236 = vector.extract %reduce_sum3A_235[0, 0, 0] : f32 from vector<1x1x1xf32>
    %add3A_237 = arith.addf %add3A_187, %reduce_sum3A_236 : f32
    %get3A_238 = arith.constant 0 : index
    %get3A_239 = arith.constant 320 : index
    %get3A_240 = vector.load %arg1[%get3A_238, %get3A_239] : memref<256x1024xf32, #tpu.memory_space<vmem>>, vector<256x64xf32>
    %get3A_241 = arith.constant 5 : index
    %get3A_242 = arith.constant 0 : index
    %get3A_243 = arith.constant 0 : index
    %get3A_244 = vector.load %arg3[%get3A_241, %get3A_242, %get3A_243] : memref<16x1024x64xf32, #tpu.memory_space<vmem>>, vector<1x1024x64xf32>
    %get3A_245 = vector.shape_cast %get3A_244 : vector<1x1024x64xf32> to vector<1024x64xf32>
    %dot_general3A_246 = arith.constant dense<0.000000e+00> : vector<256x1024xf32>
    %dot_general3A_247 = tpu.matmul %get3A_240, %get3A_245, %dot_general3A_246 {dimension_numbers = #tpu.dot_dimension_numbers<[1], [1], [0], [0], [0, 0, 1, 0], [], []>, transpose_lhs_hint = false} : vector<256x64xf32>, vector<1024x64xf32>, vector<256x1024xf32> -> vector<256x1024xf32>
    %get3A_248 = arith.constant 0 : index
    %get3A_249 = arith.constant 5 : index
    %get3A_250 = vector.load %arg2[%get3A_248, %get3A_249] : memref<256x16xf32, #tpu.memory_space<vmem>>, vector<256x1xf32>
    %get3A_251 = arith.constant 5 : index
    %get3A_252 = arith.constant 0 : index
    %get3A_253 = vector.load %arg4[%get3A_251, %get3A_252] : memref<16x1024xf32, #tpu.memory_space<vmem>>, vector<1x1024xf32>
    %add3A_254 = vector.broadcast %get3A_250 : vector<256x1xf32> to vector<256x1024xf32>
    %add3A_255 = vector.broadcast %get3A_253 : vector<1x1024xf32> to vector<256x1024xf32>
    %add3A_256 = arith.addf %add3A_254, %add3A_255 : vector<256x1024xf32>
    %mul3A_257 = arith.constant 2.000000e+00 : f32
    %mul3A_258 = vector.broadcast %mul3A_257 : f32 to vector<256x1024xf32>
    %mul3A_259 = arith.mulf %mul3A_258, %dot_general3A_247 : vector<256x1024xf32>
    %sub3A_260 = arith.subf %add3A_256, %mul3A_259 : vector<256x1024xf32>
    %reduce_min3A_261 = arith.constant dense<0x7F800000> : vector<256xf32>
    %reduce_min3A_262 = vector.multi_reduction <minimumf>, %sub3A_260, %reduce_min3A_261 [1] : vector<256x1024xf32> to vector<256xf32>
    %broadcast_in_dim3A_263 = vector.shape_cast %reduce_min3A_262 : vector<256xf32> to vector<256x1xf32>
    %iota3A_264 = tpu.iota {dimensions = array<i32: 1>} : vector<256x1024xi32>
    %eq3A_265 = vector.broadcast %broadcast_in_dim3A_263 : vector<256x1xf32> to vector<256x1024xf32>
    %eq3A_266 = arith.cmpf oeq, %sub3A_260, %eq3A_265 : vector<256x1024xf32>
    %jit3A_267 = arith.constant 1024 : i32
    %broadcast_in_dim3A_268 = vector.broadcast %jit3A_267 : i32 to vector<256x1024xi32>
    %select_n3A_269 = arith.select %eq3A_266, %iota3A_264, %broadcast_in_dim3A_268 : vector<256x1024xi1>, vector<256x1024xi32>
    %reduce_min3A_270 = arith.constant dense<2147483647> : vector<256xi32>
    %reduce_min3A_271 = vector.multi_reduction <minsi>, %select_n3A_269, %reduce_min3A_270 [1] : vector<256x1024xi32> to vector<256xi32>
    %broadcast_in_dim3A_272 = vector.shape_cast %reduce_min3A_271 : vector<256xi32> to vector<256x1xi32>
    %swap3A_273 = arith.constant 0 : index
    %swap3A_274 = arith.constant 5 : index
    %swap3A_275 = vector.load %arg5[%swap3A_273, %swap3A_274] : memref<256x16xi32, #tpu.memory_space<vmem>>, vector<256x1xi32>
    tpu.vector_store %arg5[%swap3A_273, %swap3A_274], %broadcast_in_dim3A_272 {strides = array<i32>} : memref<256x16xi32, #tpu.memory_space<vmem>>, vector<256x1xi32>,
    %add3A_276 = arith.constant 5120 : i32
    %add3A_277 = vector.broadcast %add3A_276 : i32 to vector<256x1xi32>
    %add3A_278 = arith.addi %broadcast_in_dim3A_272, %add3A_277 : vector<256x1xi32>
    %swap3A_279 = arith.constant 0 : index
    %swap3A_280 = arith.constant 5 : index
    %swap3A_281 = vector.load %arg6[%swap3A_279, %swap3A_280] : memref<256x16xi32, #tpu.memory_space<vmem>>, vector<256x1xi32>
    tpu.vector_store %arg6[%swap3A_279, %swap3A_280], %add3A_278 {strides = array<i32>} : memref<256x16xi32, #tpu.memory_space<vmem>>, vector<256x1xi32>,
    %reduce_sum3A_282 = vector.shape_cast %broadcast_in_dim3A_263 : vector<256x1xf32> to vector<1x256x1xf32>
    %reduce_sum3A_283 = arith.constant dense<0.000000e+00> : vector<1xf32>
    %reduce_sum3A_284 = vector.multi_reduction <add>, %reduce_sum3A_282, %reduce_sum3A_283 [1, 2] : vector<1x256x1xf32> to vector<1xf32>
    %reduce_sum3A_285 = vector.shape_cast %reduce_sum3A_284 : vector<1xf32> to vector<1x1x1xf32>
    %reduce_sum3A_286 = vector.extract %reduce_sum3A_285[0, 0, 0] : f32 from vector<1x1x1xf32>
    %add3A_287 = arith.addf %add3A_237, %reduce_sum3A_286 : f32
    %get3A_288 = arith.constant 0 : index
    %get3A_289 = arith.constant 384 : index
    %get3A_290 = vector.load %arg1[%get3A_288, %get3A_289] : memref<256x1024xf32, #tpu.memory_space<vmem>>, vector<256x64xf32>
    %get3A_291 = arith.constant 6 : index
    %get3A_292 = arith.constant 0 : index
    %get3A_293 = arith.constant 0 : index
    %get3A_294 = vector.load %arg3[%get3A_291, %get3A_292, %get3A_293] : memref<16x1024x64xf32, #tpu.memory_space<vmem>>, vector<1x1024x64xf32>
    %get3A_295 = vector.shape_cast %get3A_294 : vector<1x1024x64xf32> to vector<1024x64xf32>
    %dot_general3A_296 = arith.constant dense<0.000000e+00> : vector<256x1024xf32>
    %dot_general3A_297 = tpu.matmul %get3A_290, %get3A_295, %dot_general3A_296 {dimension_numbers = #tpu.dot_dimension_numbers<[1], [1], [0], [0], [0, 0, 1, 0], [], []>, transpose_lhs_hint = false} : vector<256x64xf32>, vector<1024x64xf32>, vector<256x1024xf32> -> vector<256x1024xf32>
    %get3A_298 = arith.constant 0 : index
    %get3A_299 = arith.constant 6 : index
    %get3A_300 = vector.load %arg2[%get3A_298, %get3A_299] : memref<256x16xf32, #tpu.memory_space<vmem>>, vector<256x1xf32>
    %get3A_301 = arith.constant 6 : index
    %get3A_302 = arith.constant 0 : index
    %get3A_303 = vector.load %arg4[%get3A_301, %get3A_302] : memref<16x1024xf32, #tpu.memory_space<vmem>>, vector<1x1024xf32>
    %add3A_304 = vector.broadcast %get3A_300 : vector<256x1xf32> to vector<256x1024xf32>
    %add3A_305 = vector.broadcast %get3A_303 : vector<1x1024xf32> to vector<256x1024xf32>
    %add3A_306 = arith.addf %add3A_304, %add3A_305 : vector<256x1024xf32>
    %mul3A_307 = arith.constant 2.000000e+00 : f32
    %mul3A_308 = vector.broadcast %mul3A_307 : f32 to vector<256x1024xf32>
    %mul3A_309 = arith.mulf %mul3A_308, %dot_general3A_297 : vector<256x1024xf32>
    %sub3A_310 = arith.subf %add3A_306, %mul3A_309 : vector<256x1024xf32>
    %reduce_min3A_311 = arith.constant dense<0x7F800000> : vector<256xf32>
    %reduce_min3A_312 = vector.multi_reduction <minimumf>, %sub3A_310, %reduce_min3A_311 [1] : vector<256x1024xf32> to vector<256xf32>
    %broadcast_in_dim3A_313 = vector.shape_cast %reduce_min3A_312 : vector<256xf32> to vector<256x1xf32>
    %iota3A_314 = tpu.iota {dimensions = array<i32: 1>} : vector<256x1024xi32>
    %eq3A_315 = vector.broadcast %broadcast_in_dim3A_313 : vector<256x1xf32> to vector<256x1024xf32>
    %eq3A_316 = arith.cmpf oeq, %sub3A_310, %eq3A_315 : vector<256x1024xf32>
    %jit3A_317 = arith.constant 1024 : i32
    %broadcast_in_dim3A_318 = vector.broadcast %jit3A_317 : i32 to vector<256x1024xi32>
    %select_n3A_319 = arith.select %eq3A_316, %iota3A_314, %broadcast_in_dim3A_318 : vector<256x1024xi1>, vector<256x1024xi32>
    %reduce_min3A_320 = arith.constant dense<2147483647> : vector<256xi32>
    %reduce_min3A_321 = vector.multi_reduction <minsi>, %select_n3A_319, %reduce_min3A_320 [1] : vector<256x1024xi32> to vector<256xi32>
    %broadcast_in_dim3A_322 = vector.shape_cast %reduce_min3A_321 : vector<256xi32> to vector<256x1xi32>
    %swap3A_323 = arith.constant 0 : index
    %swap3A_324 = arith.constant 6 : index
    %swap3A_325 = vector.load %arg5[%swap3A_323, %swap3A_324] : memref<256x16xi32, #tpu.memory_space<vmem>>, vector<256x1xi32>
    tpu.vector_store %arg5[%swap3A_323, %swap3A_324], %broadcast_in_dim3A_322 {strides = array<i32>} : memref<256x16xi32, #tpu.memory_space<vmem>>, vector<256x1xi32>,
    %add3A_326 = arith.constant 6144 : i32
    %add3A_327 = vector.broadcast %add3A_326 : i32 to vector<256x1xi32>
    %add3A_328 = arith.addi %broadcast_in_dim3A_322, %add3A_327 : vector<256x1xi32>
    %swap3A_329 = arith.constant 0 : index
    %swap3A_330 = arith.constant 6 : index
    %swap3A_331 = vector.load %arg6[%swap3A_329, %swap3A_330] : memref<256x16xi32, #tpu.memory_space<vmem>>, vector<256x1xi32>
    tpu.vector_store %arg6[%swap3A_329, %swap3A_330], %add3A_328 {strides = array<i32>} : memref<256x16xi32, #tpu.memory_space<vmem>>, vector<256x1xi32>,
    %reduce_sum3A_332 = vector.shape_cast %broadcast_in_dim3A_313 : vector<256x1xf32> to vector<1x256x1xf32>
    %reduce_sum3A_333 = arith.constant dense<0.000000e+00> : vector<1xf32>
    %reduce_sum3A_334 = vector.multi_reduction <add>, %reduce_sum3A_332, %reduce_sum3A_333 [1, 2] : vector<1x256x1xf32> to vector<1xf32>
    %reduce_sum3A_335 = vector.shape_cast %reduce_sum3A_334 : vector<1xf32> to vector<1x1x1xf32>
    %reduce_sum3A_336 = vector.extract %reduce_sum3A_335[0, 0, 0] : f32 from vector<1x1x1xf32>
    %add3A_337 = arith.addf %add3A_287, %reduce_sum3A_336 : f32
    %get3A_338 = arith.constant 0 : index
    %get3A_339 = arith.constant 448 : index
    %get3A_340 = vector.load %arg1[%get3A_338, %get3A_339] : memref<256x1024xf32, #tpu.memory_space<vmem>>, vector<256x64xf32>
    %get3A_341 = arith.constant 7 : index
    %get3A_342 = arith.constant 0 : index
    %get3A_343 = arith.constant 0 : index
    %get3A_344 = vector.load %arg3[%get3A_341, %get3A_342, %get3A_343] : memref<16x1024x64xf32, #tpu.memory_space<vmem>>, vector<1x1024x64xf32>
    %get3A_345 = vector.shape_cast %get3A_344 : vector<1x1024x64xf32> to vector<1024x64xf32>
    %dot_general3A_346 = arith.constant dense<0.000000e+00> : vector<256x1024xf32>
    %dot_general3A_347 = tpu.matmul %get3A_340, %get3A_345, %dot_general3A_346 {dimension_numbers = #tpu.dot_dimension_numbers<[1], [1], [0], [0], [0, 0, 1, 0], [], []>, transpose_lhs_hint = false} : vector<256x64xf32>, vector<1024x64xf32>, vector<256x1024xf32> -> vector<256x1024xf32>
    %get3A_348 = arith.constant 0 : index
    %get3A_349 = arith.constant 7 : index
    %get3A_350 = vector.load %arg2[%get3A_348, %get3A_349] : memref<256x16xf32, #tpu.memory_space<vmem>>, vector<256x1xf32>
    %get3A_351 = arith.constant 7 : index
    %get3A_352 = arith.constant 0 : index
    %get3A_353 = vector.load %arg4[%get3A_351, %get3A_352] : memref<16x1024xf32, #tpu.memory_space<vmem>>, vector<1x1024xf32>
    %add3A_354 = vector.broadcast %get3A_350 : vector<256x1xf32> to vector<256x1024xf32>
    %add3A_355 = vector.broadcast %get3A_353 : vector<1x1024xf32> to vector<256x1024xf32>
    %add3A_356 = arith.addf %add3A_354, %add3A_355 : vector<256x1024xf32>
    %mul3A_357 = arith.constant 2.000000e+00 : f32
    %mul3A_358 = vector.broadcast %mul3A_357 : f32 to vector<256x1024xf32>
    %mul3A_359 = arith.mulf %mul3A_358, %dot_general3A_347 : vector<256x1024xf32>
    %sub3A_360 = arith.subf %add3A_356, %mul3A_359 : vector<256x1024xf32>
    %reduce_min3A_361 = arith.constant dense<0x7F800000> : vector<256xf32>
    %reduce_min3A_362 = vector.multi_reduction <minimumf>, %sub3A_360, %reduce_min3A_361 [1] : vector<256x1024xf32> to vector<256xf32>
    %broadcast_in_dim3A_363 = vector.shape_cast %reduce_min3A_362 : vector<256xf32> to vector<256x1xf32>
    %iota3A_364 = tpu.iota {dimensions = array<i32: 1>} : vector<256x1024xi32>
    %eq3A_365 = vector.broadcast %broadcast_in_dim3A_363 : vector<256x1xf32> to vector<256x1024xf32>
    %eq3A_366 = arith.cmpf oeq, %sub3A_360, %eq3A_365 : vector<256x1024xf32>
    %jit3A_367 = arith.constant 1024 : i32
    %broadcast_in_dim3A_368 = vector.broadcast %jit3A_367 : i32 to vector<256x1024xi32>
    %select_n3A_369 = arith.select %eq3A_366, %iota3A_364, %broadcast_in_dim3A_368 : vector<256x1024xi1>, vector<256x1024xi32>
    %reduce_min3A_370 = arith.constant dense<2147483647> : vector<256xi32>
    %reduce_min3A_371 = vector.multi_reduction <minsi>, %select_n3A_369, %reduce_min3A_370 [1] : vector<256x1024xi32> to vector<256xi32>
    %broadcast_in_dim3A_372 = vector.shape_cast %reduce_min3A_371 : vector<256xi32> to vector<256x1xi32>
    %swap3A_373 = arith.constant 0 : index
    %swap3A_374 = arith.constant 7 : index
    %swap3A_375 = vector.load %arg5[%swap3A_373, %swap3A_374] : memref<256x16xi32, #tpu.memory_space<vmem>>, vector<256x1xi32>
    tpu.vector_store %arg5[%swap3A_373, %swap3A_374], %broadcast_in_dim3A_372 {strides = array<i32>} : memref<256x16xi32, #tpu.memory_space<vmem>>, vector<256x1xi32>,
    %add3A_376 = arith.constant 7168 : i32
    %add3A_377 = vector.broadcast %add3A_376 : i32 to vector<256x1xi32>
    %add3A_378 = arith.addi %broadcast_in_dim3A_372, %add3A_377 : vector<256x1xi32>
    %swap3A_379 = arith.constant 0 : index
    %swap3A_380 = arith.constant 7 : index
    %swap3A_381 = vector.load %arg6[%swap3A_379, %swap3A_380] : memref<256x16xi32, #tpu.memory_space<vmem>>, vector<256x1xi32>
    tpu.vector_store %arg6[%swap3A_379, %swap3A_380], %add3A_378 {strides = array<i32>} : memref<256x16xi32, #tpu.memory_space<vmem>>, vector<256x1xi32>,
    %reduce_sum3A_382 = vector.shape_cast %broadcast_in_dim3A_363 : vector<256x1xf32> to vector<1x256x1xf32>
    %reduce_sum3A_383 = arith.constant dense<0.000000e+00> : vector<1xf32>
    %reduce_sum3A_384 = vector.multi_reduction <add>, %reduce_sum3A_382, %reduce_sum3A_383 [1, 2] : vector<1x256x1xf32> to vector<1xf32>
    %reduce_sum3A_385 = vector.shape_cast %reduce_sum3A_384 : vector<1xf32> to vector<1x1x1xf32>
    %reduce_sum3A_386 = vector.extract %reduce_sum3A_385[0, 0, 0] : f32 from vector<1x1x1xf32>
    %add3A_387 = arith.addf %add3A_337, %reduce_sum3A_386 : f32
    %get3A_388 = arith.constant 0 : index
    %get3A_389 = arith.constant 512 : index
    %get3A_390 = vector.load %arg1[%get3A_388, %get3A_389] : memref<256x1024xf32, #tpu.memory_space<vmem>>, vector<256x64xf32>
    %get3A_391 = arith.constant 8 : index
    %get3A_392 = arith.constant 0 : index
    %get3A_393 = arith.constant 0 : index
    %get3A_394 = vector.load %arg3[%get3A_391, %get3A_392, %get3A_393] : memref<16x1024x64xf32, #tpu.memory_space<vmem>>, vector<1x1024x64xf32>
    %get3A_395 = vector.shape_cast %get3A_394 : vector<1x1024x64xf32> to vector<1024x64xf32>
    %dot_general3A_396 = arith.constant dense<0.000000e+00> : vector<256x1024xf32>
    %dot_general3A_397 = tpu.matmul %get3A_390, %get3A_395, %dot_general3A_396 {dimension_numbers = #tpu.dot_dimension_numbers<[1], [1], [0], [0], [0, 0, 1, 0], [], []>, transpose_lhs_hint = false} : vector<256x64xf32>, vector<1024x64xf32>, vector<256x1024xf32> -> vector<256x1024xf32>
    %get3A_398 = arith.constant 0 : index
    %get3A_399 = arith.constant 8 : index
    %get3A_400 = vector.load %arg2[%get3A_398, %get3A_399] : memref<256x16xf32, #tpu.memory_space<vmem>>, vector<256x1xf32>
    %get3A_401 = arith.constant 8 : index
    %get3A_402 = arith.constant 0 : index
    %get3A_403 = vector.load %arg4[%get3A_401, %get3A_402] : memref<16x1024xf32, #tpu.memory_space<vmem>>, vector<1x1024xf32>
    %add3A_404 = vector.broadcast %get3A_400 : vector<256x1xf32> to vector<256x1024xf32>
    %add3A_405 = vector.broadcast %get3A_403 : vector<1x1024xf32> to vector<256x1024xf32>
    %add3A_406 = arith.addf %add3A_404, %add3A_405 : vector<256x1024xf32>
    %mul3A_407 = arith.constant 2.000000e+00 : f32
    %mul3A_408 = vector.broadcast %mul3A_407 : f32 to vector<256x1024xf32>
    %mul3A_409 = arith.mulf %mul3A_408, %dot_general3A_397 : vector<256x1024xf32>
    %sub3A_410 = arith.subf %add3A_406, %mul3A_409 : vector<256x1024xf32>
    %reduce_min3A_411 = arith.constant dense<0x7F800000> : vector<256xf32>
    %reduce_min3A_412 = vector.multi_reduction <minimumf>, %sub3A_410, %reduce_min3A_411 [1] : vector<256x1024xf32> to vector<256xf32>
    %broadcast_in_dim3A_413 = vector.shape_cast %reduce_min3A_412 : vector<256xf32> to vector<256x1xf32>
    %iota3A_414 = tpu.iota {dimensions = array<i32: 1>} : vector<256x1024xi32>
    %eq3A_415 = vector.broadcast %broadcast_in_dim3A_413 : vector<256x1xf32> to vector<256x1024xf32>
    %eq3A_416 = arith.cmpf oeq, %sub3A_410, %eq3A_415 : vector<256x1024xf32>
    %jit3A_417 = arith.constant 1024 : i32
    %broadcast_in_dim3A_418 = vector.broadcast %jit3A_417 : i32 to vector<256x1024xi32>
    %select_n3A_419 = arith.select %eq3A_416, %iota3A_414, %broadcast_in_dim3A_418 : vector<256x1024xi1>, vector<256x1024xi32>
    %reduce_min3A_420 = arith.constant dense<2147483647> : vector<256xi32>
    %reduce_min3A_421 = vector.multi_reduction <minsi>, %select_n3A_419, %reduce_min3A_420 [1] : vector<256x1024xi32> to vector<256xi32>
    %broadcast_in_dim3A_422 = vector.shape_cast %reduce_min3A_421 : vector<256xi32> to vector<256x1xi32>
    %swap3A_423 = arith.constant 0 : index
    %swap3A_424 = arith.constant 8 : index
    %swap3A_425 = vector.load %arg5[%swap3A_423, %swap3A_424] : memref<256x16xi32, #tpu.memory_space<vmem>>, vector<256x1xi32>
    tpu.vector_store %arg5[%swap3A_423, %swap3A_424], %broadcast_in_dim3A_422 {strides = array<i32>} : memref<256x16xi32, #tpu.memory_space<vmem>>, vector<256x1xi32>,
    %add3A_426 = arith.constant 8192 : i32
    %add3A_427 = vector.broadcast %add3A_426 : i32 to vector<256x1xi32>
    %add3A_428 = arith.addi %broadcast_in_dim3A_422, %add3A_427 : vector<256x1xi32>
    %swap3A_429 = arith.constant 0 : index
    %swap3A_430 = arith.constant 8 : index
    %swap3A_431 = vector.load %arg6[%swap3A_429, %swap3A_430] : memref<256x16xi32, #tpu.memory_space<vmem>>, vector<256x1xi32>
    tpu.vector_store %arg6[%swap3A_429, %swap3A_430], %add3A_428 {strides = array<i32>} : memref<256x16xi32, #tpu.memory_space<vmem>>, vector<256x1xi32>,
    %reduce_sum3A_432 = vector.shape_cast %broadcast_in_dim3A_413 : vector<256x1xf32> to vector<1x256x1xf32>
    %reduce_sum3A_433 = arith.constant dense<0.000000e+00> : vector<1xf32>
    %reduce_sum3A_434 = vector.multi_reduction <add>, %reduce_sum3A_432, %reduce_sum3A_433 [1, 2] : vector<1x256x1xf32> to vector<1xf32>
    %reduce_sum3A_435 = vector.shape_cast %reduce_sum3A_434 : vector<1xf32> to vector<1x1x1xf32>
    %reduce_sum3A_436 = vector.extract %reduce_sum3A_435[0, 0, 0] : f32 from vector<1x1x1xf32>
    %add3A_437 = arith.addf %add3A_387, %reduce_sum3A_436 : f32
    %get3A_438 = arith.constant 0 : index
    %get3A_439 = arith.constant 576 : index
    %get3A_440 = vector.load %arg1[%get3A_438, %get3A_439] : memref<256x1024xf32, #tpu.memory_space<vmem>>, vector<256x64xf32>
    %get3A_441 = arith.constant 9 : index
    %get3A_442 = arith.constant 0 : index
    %get3A_443 = arith.constant 0 : index
    %get3A_444 = vector.load %arg3[%get3A_441, %get3A_442, %get3A_443] : memref<16x1024x64xf32, #tpu.memory_space<vmem>>, vector<1x1024x64xf32>
    %get3A_445 = vector.shape_cast %get3A_444 : vector<1x1024x64xf32> to vector<1024x64xf32>
    %dot_general3A_446 = arith.constant dense<0.000000e+00> : vector<256x1024xf32>
    %dot_general3A_447 = tpu.matmul %get3A_440, %get3A_445, %dot_general3A_446 {dimension_numbers = #tpu.dot_dimension_numbers<[1], [1], [0], [0], [0, 0, 1, 0], [], []>, transpose_lhs_hint = false} : vector<256x64xf32>, vector<1024x64xf32>, vector<256x1024xf32> -> vector<256x1024xf32>
    %get3A_448 = arith.constant 0 : index
    %get3A_449 = arith.constant 9 : index
    %get3A_450 = vector.load %arg2[%get3A_448, %get3A_449] : memref<256x16xf32, #tpu.memory_space<vmem>>, vector<256x1xf32>
    %get3A_451 = arith.constant 9 : index
    %get3A_452 = arith.constant 0 : index
    %get3A_453 = vector.load %arg4[%get3A_451, %get3A_452] : memref<16x1024xf32, #tpu.memory_space<vmem>>, vector<1x1024xf32>
    %add3A_454 = vector.broadcast %get3A_450 : vector<256x1xf32> to vector<256x1024xf32>
    %add3A_455 = vector.broadcast %get3A_453 : vector<1x1024xf32> to vector<256x1024xf32>
    %add3A_456 = arith.addf %add3A_454, %add3A_455 : vector<256x1024xf32>
    %mul3A_457 = arith.constant 2.000000e+00 : f32
    %mul3A_458 = vector.broadcast %mul3A_457 : f32 to vector<256x1024xf32>
    %mul3A_459 = arith.mulf %mul3A_458, %dot_general3A_447 : vector<256x1024xf32>
    %sub3A_460 = arith.subf %add3A_456, %mul3A_459 : vector<256x1024xf32>
    %reduce_min3A_461 = arith.constant dense<0x7F800000> : vector<256xf32>
    %reduce_min3A_462 = vector.multi_reduction <minimumf>, %sub3A_460, %reduce_min3A_461 [1] : vector<256x1024xf32> to vector<256xf32>
    %broadcast_in_dim3A_463 = vector.shape_cast %reduce_min3A_462 : vector<256xf32> to vector<256x1xf32>
    %iota3A_464 = tpu.iota {dimensions = array<i32: 1>} : vector<256x1024xi32>
    %eq3A_465 = vector.broadcast %broadcast_in_dim3A_463 : vector<256x1xf32> to vector<256x1024xf32>
    %eq3A_466 = arith.cmpf oeq, %sub3A_460, %eq3A_465 : vector<256x1024xf32>
    %jit3A_467 = arith.constant 1024 : i32
    %broadcast_in_dim3A_468 = vector.broadcast %jit3A_467 : i32 to vector<256x1024xi32>
    %select_n3A_469 = arith.select %eq3A_466, %iota3A_464, %broadcast_in_dim3A_468 : vector<256x1024xi1>, vector<256x1024xi32>
    %reduce_min3A_470 = arith.constant dense<2147483647> : vector<256xi32>
    %reduce_min3A_471 = vector.multi_reduction <minsi>, %select_n3A_469, %reduce_min3A_470 [1] : vector<256x1024xi32> to vector<256xi32>
    %broadcast_in_dim3A_472 = vector.shape_cast %reduce_min3A_471 : vector<256xi32> to vector<256x1xi32>
    %swap3A_473 = arith.constant 0 : index
    %swap3A_474 = arith.constant 9 : index
    %swap3A_475 = vector.load %arg5[%swap3A_473, %swap3A_474] : memref<256x16xi32, #tpu.memory_space<vmem>>, vector<256x1xi32>
    tpu.vector_store %arg5[%swap3A_473, %swap3A_474], %broadcast_in_dim3A_472 {strides = array<i32>} : memref<256x16xi32, #tpu.memory_space<vmem>>, vector<256x1xi32>,
    %add3A_476 = arith.constant 9216 : i32
    %add3A_477 = vector.broadcast %add3A_476 : i32 to vector<256x1xi32>
    %add3A_478 = arith.addi %broadcast_in_dim3A_472, %add3A_477 : vector<256x1xi32>
    %swap3A_479 = arith.constant 0 : index
    %swap3A_480 = arith.constant 9 : index
    %swap3A_481 = vector.load %arg6[%swap3A_479, %swap3A_480] : memref<256x16xi32, #tpu.memory_space<vmem>>, vector<256x1xi32>
    tpu.vector_store %arg6[%swap3A_479, %swap3A_480], %add3A_478 {strides = array<i32>} : memref<256x16xi32, #tpu.memory_space<vmem>>, vector<256x1xi32>,
    %reduce_sum3A_482 = vector.shape_cast %broadcast_in_dim3A_463 : vector<256x1xf32> to vector<1x256x1xf32>
    %reduce_sum3A_483 = arith.constant dense<0.000000e+00> : vector<1xf32>
    %reduce_sum3A_484 = vector.multi_reduction <add>, %reduce_sum3A_482, %reduce_sum3A_483 [1, 2] : vector<1x256x1xf32> to vector<1xf32>
    %reduce_sum3A_485 = vector.shape_cast %reduce_sum3A_484 : vector<1xf32> to vector<1x1x1xf32>
    %reduce_sum3A_486 = vector.extract %reduce_sum3A_485[0, 0, 0] : f32 from vector<1x1x1xf32>
    %add3A_487 = arith.addf %add3A_437, %reduce_sum3A_486 : f32
    %get3A_488 = arith.constant 0 : index
    %get3A_489 = arith.constant 640 : index
    %get3A_490 = vector.load %arg1[%get3A_488, %get3A_489] : memref<256x1024xf32, #tpu.memory_space<vmem>>, vector<256x64xf32>
    %get3A_491 = arith.constant 10 : index
    %get3A_492 = arith.constant 0 : index
    %get3A_493 = arith.constant 0 : index
    %get3A_494 = vector.load %arg3[%get3A_491, %get3A_492, %get3A_493] : memref<16x1024x64xf32, #tpu.memory_space<vmem>>, vector<1x1024x64xf32>
    %get3A_495 = vector.shape_cast %get3A_494 : vector<1x1024x64xf32> to vector<1024x64xf32>
    %dot_general3A_496 = arith.constant dense<0.000000e+00> : vector<256x1024xf32>
    %dot_general3A_497 = tpu.matmul %get3A_490, %get3A_495, %dot_general3A_496 {dimension_numbers = #tpu.dot_dimension_numbers<[1], [1], [0], [0], [0, 0, 1, 0], [], []>, transpose_lhs_hint = false} : vector<256x64xf32>, vector<1024x64xf32>, vector<256x1024xf32> -> vector<256x1024xf32>
    %get3A_498 = arith.constant 0 : index
    %get3A_499 = arith.constant 10 : index
    %get3A_500 = vector.load %arg2[%get3A_498, %get3A_499] : memref<256x16xf32, #tpu.memory_space<vmem>>, vector<256x1xf32>
    %get3A_501 = arith.constant 10 : index
    %get3A_502 = arith.constant 0 : index
    %get3A_503 = vector.load %arg4[%get3A_501, %get3A_502] : memref<16x1024xf32, #tpu.memory_space<vmem>>, vector<1x1024xf32>
    %add3A_504 = vector.broadcast %get3A_500 : vector<256x1xf32> to vector<256x1024xf32>
    %add3A_505 = vector.broadcast %get3A_503 : vector<1x1024xf32> to vector<256x1024xf32>
    %add3A_506 = arith.addf %add3A_504, %add3A_505 : vector<256x1024xf32>
    %mul3A_507 = arith.constant 2.000000e+00 : f32
    %mul3A_508 = vector.broadcast %mul3A_507 : f32 to vector<256x1024xf32>
    %mul3A_509 = arith.mulf %mul3A_508, %dot_general3A_497 : vector<256x1024xf32>
    %sub3A_510 = arith.subf %add3A_506, %mul3A_509 : vector<256x1024xf32>
    %reduce_min3A_511 = arith.constant dense<0x7F800000> : vector<256xf32>
    %reduce_min3A_512 = vector.multi_reduction <minimumf>, %sub3A_510, %reduce_min3A_511 [1] : vector<256x1024xf32> to vector<256xf32>
    %broadcast_in_dim3A_513 = vector.shape_cast %reduce_min3A_512 : vector<256xf32> to vector<256x1xf32>
    %iota3A_514 = tpu.iota {dimensions = array<i32: 1>} : vector<256x1024xi32>
    %eq3A_515 = vector.broadcast %broadcast_in_dim3A_513 : vector<256x1xf32> to vector<256x1024xf32>
    %eq3A_516 = arith.cmpf oeq, %sub3A_510, %eq3A_515 : vector<256x1024xf32>
    %jit3A_517 = arith.constant 1024 : i32
    %broadcast_in_dim3A_518 = vector.broadcast %jit3A_517 : i32 to vector<256x1024xi32>
    %select_n3A_519 = arith.select %eq3A_516, %iota3A_514, %broadcast_in_dim3A_518 : vector<256x1024xi1>, vector<256x1024xi32>
    %reduce_min3A_520 = arith.constant dense<2147483647> : vector<256xi32>
    %reduce_min3A_521 = vector.multi_reduction <minsi>, %select_n3A_519, %reduce_min3A_520 [1] : vector<256x1024xi32> to vector<256xi32>
    %broadcast_in_dim3A_522 = vector.shape_cast %reduce_min3A_521 : vector<256xi32> to vector<256x1xi32>
    %swap3A_523 = arith.constant 0 : index
    %swap3A_524 = arith.constant 10 : index
    %swap3A_525 = vector.load %arg5[%swap3A_523, %swap3A_524] : memref<256x16xi32, #tpu.memory_space<vmem>>, vector<256x1xi32>
    tpu.vector_store %arg5[%swap3A_523, %swap3A_524], %broadcast_in_dim3A_522 {strides = array<i32>} : memref<256x16xi32, #tpu.memory_space<vmem>>, vector<256x1xi32>,
    %add3A_526 = arith.constant 10240 : i32
    %add3A_527 = vector.broadcast %add3A_526 : i32 to vector<256x1xi32>
    %add3A_528 = arith.addi %broadcast_in_dim3A_522, %add3A_527 : vector<256x1xi32>
    %swap3A_529 = arith.constant 0 : index
    %swap3A_530 = arith.constant 10 : index
    %swap3A_531 = vector.load %arg6[%swap3A_529, %swap3A_530] : memref<256x16xi32, #tpu.memory_space<vmem>>, vector<256x1xi32>
    tpu.vector_store %arg6[%swap3A_529, %swap3A_530], %add3A_528 {strides = array<i32>} : memref<256x16xi32, #tpu.memory_space<vmem>>, vector<256x1xi32>,
    %reduce_sum3A_532 = vector.shape_cast %broadcast_in_dim3A_513 : vector<256x1xf32> to vector<1x256x1xf32>
    %reduce_sum3A_533 = arith.constant dense<0.000000e+00> : vector<1xf32>
    %reduce_sum3A_534 = vector.multi_reduction <add>, %reduce_sum3A_532, %reduce_sum3A_533 [1, 2] : vector<1x256x1xf32> to vector<1xf32>
    %reduce_sum3A_535 = vector.shape_cast %reduce_sum3A_534 : vector<1xf32> to vector<1x1x1xf32>
    %reduce_sum3A_536 = vector.extract %reduce_sum3A_535[0, 0, 0] : f32 from vector<1x1x1xf32>
    %add3A_537 = arith.addf %add3A_487, %reduce_sum3A_536 : f32
    %get3A_538 = arith.constant 0 : index
    %get3A_539 = arith.constant 704 : index
    %get3A_540 = vector.load %arg1[%get3A_538, %get3A_539] : memref<256x1024xf32, #tpu.memory_space<vmem>>, vector<256x64xf32>
    %get3A_541 = arith.constant 11 : index
    %get3A_542 = arith.constant 0 : index
    %get3A_543 = arith.constant 0 : index
    %get3A_544 = vector.load %arg3[%get3A_541, %get3A_542, %get3A_543] : memref<16x1024x64xf32, #tpu.memory_space<vmem>>, vector<1x1024x64xf32>
    %get3A_545 = vector.shape_cast %get3A_544 : vector<1x1024x64xf32> to vector<1024x64xf32>
    %dot_general3A_546 = arith.constant dense<0.000000e+00> : vector<256x1024xf32>
    %dot_general3A_547 = tpu.matmul %get3A_540, %get3A_545, %dot_general3A_546 {dimension_numbers = #tpu.dot_dimension_numbers<[1], [1], [0], [0], [0, 0, 1, 0], [], []>, transpose_lhs_hint = false} : vector<256x64xf32>, vector<1024x64xf32>, vector<256x1024xf32> -> vector<256x1024xf32>
    %get3A_548 = arith.constant 0 : index
    %get3A_549 = arith.constant 11 : index
    %get3A_550 = vector.load %arg2[%get3A_548, %get3A_549] : memref<256x16xf32, #tpu.memory_space<vmem>>, vector<256x1xf32>
    %get3A_551 = arith.constant 11 : index
    %get3A_552 = arith.constant 0 : index
    %get3A_553 = vector.load %arg4[%get3A_551, %get3A_552] : memref<16x1024xf32, #tpu.memory_space<vmem>>, vector<1x1024xf32>
    %add3A_554 = vector.broadcast %get3A_550 : vector<256x1xf32> to vector<256x1024xf32>
    %add3A_555 = vector.broadcast %get3A_553 : vector<1x1024xf32> to vector<256x1024xf32>
    %add3A_556 = arith.addf %add3A_554, %add3A_555 : vector<256x1024xf32>
    %mul3A_557 = arith.constant 2.000000e+00 : f32
    %mul3A_558 = vector.broadcast %mul3A_557 : f32 to vector<256x1024xf32>
    %mul3A_559 = arith.mulf %mul3A_558, %dot_general3A_547 : vector<256x1024xf32>
    %sub3A_560 = arith.subf %add3A_556, %mul3A_559 : vector<256x1024xf32>
    %reduce_min3A_561 = arith.constant dense<0x7F800000> : vector<256xf32>
    %reduce_min3A_562 = vector.multi_reduction <minimumf>, %sub3A_560, %reduce_min3A_561 [1] : vector<256x1024xf32> to vector<256xf32>
    %broadcast_in_dim3A_563 = vector.shape_cast %reduce_min3A_562 : vector<256xf32> to vector<256x1xf32>
    %iota3A_564 = tpu.iota {dimensions = array<i32: 1>} : vector<256x1024xi32>
    %eq3A_565 = vector.broadcast %broadcast_in_dim3A_563 : vector<256x1xf32> to vector<256x1024xf32>
    %eq3A_566 = arith.cmpf oeq, %sub3A_560, %eq3A_565 : vector<256x1024xf32>
    %jit3A_567 = arith.constant 1024 : i32
    %broadcast_in_dim3A_568 = vector.broadcast %jit3A_567 : i32 to vector<256x1024xi32>
    %select_n3A_569 = arith.select %eq3A_566, %iota3A_564, %broadcast_in_dim3A_568 : vector<256x1024xi1>, vector<256x1024xi32>
    %reduce_min3A_570 = arith.constant dense<2147483647> : vector<256xi32>
    %reduce_min3A_571 = vector.multi_reduction <minsi>, %select_n3A_569, %reduce_min3A_570 [1] : vector<256x1024xi32> to vector<256xi32>
    %broadcast_in_dim3A_572 = vector.shape_cast %reduce_min3A_571 : vector<256xi32> to vector<256x1xi32>
    %swap3A_573 = arith.constant 0 : index
    %swap3A_574 = arith.constant 11 : index
    %swap3A_575 = vector.load %arg5[%swap3A_573, %swap3A_574] : memref<256x16xi32, #tpu.memory_space<vmem>>, vector<256x1xi32>
    tpu.vector_store %arg5[%swap3A_573, %swap3A_574], %broadcast_in_dim3A_572 {strides = array<i32>} : memref<256x16xi32, #tpu.memory_space<vmem>>, vector<256x1xi32>,
    %add3A_576 = arith.constant 11264 : i32
    %add3A_577 = vector.broadcast %add3A_576 : i32 to vector<256x1xi32>
    %add3A_578 = arith.addi %broadcast_in_dim3A_572, %add3A_577 : vector<256x1xi32>
    %swap3A_579 = arith.constant 0 : index
    %swap3A_580 = arith.constant 11 : index
    %swap3A_581 = vector.load %arg6[%swap3A_579, %swap3A_580] : memref<256x16xi32, #tpu.memory_space<vmem>>, vector<256x1xi32>
    tpu.vector_store %arg6[%swap3A_579, %swap3A_580], %add3A_578 {strides = array<i32>} : memref<256x16xi32, #tpu.memory_space<vmem>>, vector<256x1xi32>,
    %reduce_sum3A_582 = vector.shape_cast %broadcast_in_dim3A_563 : vector<256x1xf32> to vector<1x256x1xf32>
    %reduce_sum3A_583 = arith.constant dense<0.000000e+00> : vector<1xf32>
    %reduce_sum3A_584 = vector.multi_reduction <add>, %reduce_sum3A_582, %reduce_sum3A_583 [1, 2] : vector<1x256x1xf32> to vector<1xf32>
    %reduce_sum3A_585 = vector.shape_cast %reduce_sum3A_584 : vector<1xf32> to vector<1x1x1xf32>
    %reduce_sum3A_586 = vector.extract %reduce_sum3A_585[0, 0, 0] : f32 from vector<1x1x1xf32>
    %add3A_587 = arith.addf %add3A_537, %reduce_sum3A_586 : f32
    %get3A_588 = arith.constant 0 : index
    %get3A_589 = arith.constant 768 : index
    %get3A_590 = vector.load %arg1[%get3A_588, %get3A_589] : memref<256x1024xf32, #tpu.memory_space<vmem>>, vector<256x64xf32>
    %get3A_591 = arith.constant 12 : index
    %get3A_592 = arith.constant 0 : index
    %get3A_593 = arith.constant 0 : index
    %get3A_594 = vector.load %arg3[%get3A_591, %get3A_592, %get3A_593] : memref<16x1024x64xf32, #tpu.memory_space<vmem>>, vector<1x1024x64xf32>
    %get3A_595 = vector.shape_cast %get3A_594 : vector<1x1024x64xf32> to vector<1024x64xf32>
    %dot_general3A_596 = arith.constant dense<0.000000e+00> : vector<256x1024xf32>
    %dot_general3A_597 = tpu.matmul %get3A_590, %get3A_595, %dot_general3A_596 {dimension_numbers = #tpu.dot_dimension_numbers<[1], [1], [0], [0], [0, 0, 1, 0], [], []>, transpose_lhs_hint = false} : vector<256x64xf32>, vector<1024x64xf32>, vector<256x1024xf32> -> vector<256x1024xf32>
    %get3A_598 = arith.constant 0 : index
    %get3A_599 = arith.constant 12 : index
    %get3A_600 = vector.load %arg2[%get3A_598, %get3A_599] : memref<256x16xf32, #tpu.memory_space<vmem>>, vector<256x1xf32>
    %get3A_601 = arith.constant 12 : index
    %get3A_602 = arith.constant 0 : index
    %get3A_603 = vector.load %arg4[%get3A_601, %get3A_602] : memref<16x1024xf32, #tpu.memory_space<vmem>>, vector<1x1024xf32>
    %add3A_604 = vector.broadcast %get3A_600 : vector<256x1xf32> to vector<256x1024xf32>
    %add3A_605 = vector.broadcast %get3A_603 : vector<1x1024xf32> to vector<256x1024xf32>
    %add3A_606 = arith.addf %add3A_604, %add3A_605 : vector<256x1024xf32>
    %mul3A_607 = arith.constant 2.000000e+00 : f32
    %mul3A_608 = vector.broadcast %mul3A_607 : f32 to vector<256x1024xf32>
    %mul3A_609 = arith.mulf %mul3A_608, %dot_general3A_597 : vector<256x1024xf32>
    %sub3A_610 = arith.subf %add3A_606, %mul3A_609 : vector<256x1024xf32>
    %reduce_min3A_611 = arith.constant dense<0x7F800000> : vector<256xf32>
    %reduce_min3A_612 = vector.multi_reduction <minimumf>, %sub3A_610, %reduce_min3A_611 [1] : vector<256x1024xf32> to vector<256xf32>
    %broadcast_in_dim3A_613 = vector.shape_cast %reduce_min3A_612 : vector<256xf32> to vector<256x1xf32>
    %iota3A_614 = tpu.iota {dimensions = array<i32: 1>} : vector<256x1024xi32>
    %eq3A_615 = vector.broadcast %broadcast_in_dim3A_613 : vector<256x1xf32> to vector<256x1024xf32>
    %eq3A_616 = arith.cmpf oeq, %sub3A_610, %eq3A_615 : vector<256x1024xf32>
    %jit3A_617 = arith.constant 1024 : i32
    %broadcast_in_dim3A_618 = vector.broadcast %jit3A_617 : i32 to vector<256x1024xi32>
    %select_n3A_619 = arith.select %eq3A_616, %iota3A_614, %broadcast_in_dim3A_618 : vector<256x1024xi1>, vector<256x1024xi32>
    %reduce_min3A_620 = arith.constant dense<2147483647> : vector<256xi32>
    %reduce_min3A_621 = vector.multi_reduction <minsi>, %select_n3A_619, %reduce_min3A_620 [1] : vector<256x1024xi32> to vector<256xi32>
    %broadcast_in_dim3A_622 = vector.shape_cast %reduce_min3A_621 : vector<256xi32> to vector<256x1xi32>
    %swap3A_623 = arith.constant 0 : index
    %swap3A_624 = arith.constant 12 : index
    %swap3A_625 = vector.load %arg5[%swap3A_623, %swap3A_624] : memref<256x16xi32, #tpu.memory_space<vmem>>, vector<256x1xi32>
    tpu.vector_store %arg5[%swap3A_623, %swap3A_624], %broadcast_in_dim3A_622 {strides = array<i32>} : memref<256x16xi32, #tpu.memory_space<vmem>>, vector<256x1xi32>,
    %add3A_626 = arith.constant 12288 : i32
    %add3A_627 = vector.broadcast %add3A_626 : i32 to vector<256x1xi32>
    %add3A_628 = arith.addi %broadcast_in_dim3A_622, %add3A_627 : vector<256x1xi32>
    %swap3A_629 = arith.constant 0 : index
    %swap3A_630 = arith.constant 12 : index
    %swap3A_631 = vector.load %arg6[%swap3A_629, %swap3A_630] : memref<256x16xi32, #tpu.memory_space<vmem>>, vector<256x1xi32>
    tpu.vector_store %arg6[%swap3A_629, %swap3A_630], %add3A_628 {strides = array<i32>} : memref<256x16xi32, #tpu.memory_space<vmem>>, vector<256x1xi32>,
    %reduce_sum3A_632 = vector.shape_cast %broadcast_in_dim3A_613 : vector<256x1xf32> to vector<1x256x1xf32>
    %reduce_sum3A_633 = arith.constant dense<0.000000e+00> : vector<1xf32>
    %reduce_sum3A_634 = vector.multi_reduction <add>, %reduce_sum3A_632, %reduce_sum3A_633 [1, 2] : vector<1x256x1xf32> to vector<1xf32>
    %reduce_sum3A_635 = vector.shape_cast %reduce_sum3A_634 : vector<1xf32> to vector<1x1x1xf32>
    %reduce_sum3A_636 = vector.extract %reduce_sum3A_635[0, 0, 0] : f32 from vector<1x1x1xf32>
    %add3A_637 = arith.addf %add3A_587, %reduce_sum3A_636 : f32
    %get3A_638 = arith.constant 0 : index
    %get3A_639 = arith.constant 832 : index
    %get3A_640 = vector.load %arg1[%get3A_638, %get3A_639] : memref<256x1024xf32, #tpu.memory_space<vmem>>, vector<256x64xf32>
    %get3A_641 = arith.constant 13 : index
    %get3A_642 = arith.constant 0 : index
    %get3A_643 = arith.constant 0 : index
    %get3A_644 = vector.load %arg3[%get3A_641, %get3A_642, %get3A_643] : memref<16x1024x64xf32, #tpu.memory_space<vmem>>, vector<1x1024x64xf32>
    %get3A_645 = vector.shape_cast %get3A_644 : vector<1x1024x64xf32> to vector<1024x64xf32>
    %dot_general3A_646 = arith.constant dense<0.000000e+00> : vector<256x1024xf32>
    %dot_general3A_647 = tpu.matmul %get3A_640, %get3A_645, %dot_general3A_646 {dimension_numbers = #tpu.dot_dimension_numbers<[1], [1], [0], [0], [0, 0, 1, 0], [], []>, transpose_lhs_hint = false} : vector<256x64xf32>, vector<1024x64xf32>, vector<256x1024xf32> -> vector<256x1024xf32>
    %get3A_648 = arith.constant 0 : index
    %get3A_649 = arith.constant 13 : index
    %get3A_650 = vector.load %arg2[%get3A_648, %get3A_649] : memref<256x16xf32, #tpu.memory_space<vmem>>, vector<256x1xf32>
    %get3A_651 = arith.constant 13 : index
    %get3A_652 = arith.constant 0 : index
    %get3A_653 = vector.load %arg4[%get3A_651, %get3A_652] : memref<16x1024xf32, #tpu.memory_space<vmem>>, vector<1x1024xf32>
    %add3A_654 = vector.broadcast %get3A_650 : vector<256x1xf32> to vector<256x1024xf32>
    %add3A_655 = vector.broadcast %get3A_653 : vector<1x1024xf32> to vector<256x1024xf32>
    %add3A_656 = arith.addf %add3A_654, %add3A_655 : vector<256x1024xf32>
    %mul3A_657 = arith.constant 2.000000e+00 : f32
    %mul3A_658 = vector.broadcast %mul3A_657 : f32 to vector<256x1024xf32>
    %mul3A_659 = arith.mulf %mul3A_658, %dot_general3A_647 : vector<256x1024xf32>
    %sub3A_660 = arith.subf %add3A_656, %mul3A_659 : vector<256x1024xf32>
    %reduce_min3A_661 = arith.constant dense<0x7F800000> : vector<256xf32>
    %reduce_min3A_662 = vector.multi_reduction <minimumf>, %sub3A_660, %reduce_min3A_661 [1] : vector<256x1024xf32> to vector<256xf32>
    %broadcast_in_dim3A_663 = vector.shape_cast %reduce_min3A_662 : vector<256xf32> to vector<256x1xf32>
    %iota3A_664 = tpu.iota {dimensions = array<i32: 1>} : vector<256x1024xi32>
    %eq3A_665 = vector.broadcast %broadcast_in_dim3A_663 : vector<256x1xf32> to vector<256x1024xf32>
    %eq3A_666 = arith.cmpf oeq, %sub3A_660, %eq3A_665 : vector<256x1024xf32>
    %jit3A_667 = arith.constant 1024 : i32
    %broadcast_in_dim3A_668 = vector.broadcast %jit3A_667 : i32 to vector<256x1024xi32>
    %select_n3A_669 = arith.select %eq3A_666, %iota3A_664, %broadcast_in_dim3A_668 : vector<256x1024xi1>, vector<256x1024xi32>
    %reduce_min3A_670 = arith.constant dense<2147483647> : vector<256xi32>
    %reduce_min3A_671 = vector.multi_reduction <minsi>, %select_n3A_669, %reduce_min3A_670 [1] : vector<256x1024xi32> to vector<256xi32>
    %broadcast_in_dim3A_672 = vector.shape_cast %reduce_min3A_671 : vector<256xi32> to vector<256x1xi32>
    %swap3A_673 = arith.constant 0 : index
    %swap3A_674 = arith.constant 13 : index
    %swap3A_675 = vector.load %arg5[%swap3A_673, %swap3A_674] : memref<256x16xi32, #tpu.memory_space<vmem>>, vector<256x1xi32>
    tpu.vector_store %arg5[%swap3A_673, %swap3A_674], %broadcast_in_dim3A_672 {strides = array<i32>} : memref<256x16xi32, #tpu.memory_space<vmem>>, vector<256x1xi32>,
    %add3A_676 = arith.constant 13312 : i32
    %add3A_677 = vector.broadcast %add3A_676 : i32 to vector<256x1xi32>
    %add3A_678 = arith.addi %broadcast_in_dim3A_672, %add3A_677 : vector<256x1xi32>
    %swap3A_679 = arith.constant 0 : index
    %swap3A_680 = arith.constant 13 : index
    %swap3A_681 = vector.load %arg6[%swap3A_679, %swap3A_680] : memref<256x16xi32, #tpu.memory_space<vmem>>, vector<256x1xi32>
    tpu.vector_store %arg6[%swap3A_679, %swap3A_680], %add3A_678 {strides = array<i32>} : memref<256x16xi32, #tpu.memory_space<vmem>>, vector<256x1xi32>,
    %reduce_sum3A_682 = vector.shape_cast %broadcast_in_dim3A_663 : vector<256x1xf32> to vector<1x256x1xf32>
    %reduce_sum3A_683 = arith.constant dense<0.000000e+00> : vector<1xf32>
    %reduce_sum3A_684 = vector.multi_reduction <add>, %reduce_sum3A_682, %reduce_sum3A_683 [1, 2] : vector<1x256x1xf32> to vector<1xf32>
    %reduce_sum3A_685 = vector.shape_cast %reduce_sum3A_684 : vector<1xf32> to vector<1x1x1xf32>
    %reduce_sum3A_686 = vector.extract %reduce_sum3A_685[0, 0, 0] : f32 from vector<1x1x1xf32>
    %add3A_687 = arith.addf %add3A_637, %reduce_sum3A_686 : f32
    %get3A_688 = arith.constant 0 : index
    %get3A_689 = arith.constant 896 : index
    %get3A_690 = vector.load %arg1[%get3A_688, %get3A_689] : memref<256x1024xf32, #tpu.memory_space<vmem>>, vector<256x64xf32>
    %get3A_691 = arith.constant 14 : index
    %get3A_692 = arith.constant 0 : index
    %get3A_693 = arith.constant 0 : index
    %get3A_694 = vector.load %arg3[%get3A_691, %get3A_692, %get3A_693] : memref<16x1024x64xf32, #tpu.memory_space<vmem>>, vector<1x1024x64xf32>
    %get3A_695 = vector.shape_cast %get3A_694 : vector<1x1024x64xf32> to vector<1024x64xf32>
    %dot_general3A_696 = arith.constant dense<0.000000e+00> : vector<256x1024xf32>
    %dot_general3A_697 = tpu.matmul %get3A_690, %get3A_695, %dot_general3A_696 {dimension_numbers = #tpu.dot_dimension_numbers<[1], [1], [0], [0], [0, 0, 1, 0], [], []>, transpose_lhs_hint = false} : vector<256x64xf32>, vector<1024x64xf32>, vector<256x1024xf32> -> vector<256x1024xf32>
    %get3A_698 = arith.constant 0 : index
    %get3A_699 = arith.constant 14 : index
    %get3A_700 = vector.load %arg2[%get3A_698, %get3A_699] : memref<256x16xf32, #tpu.memory_space<vmem>>, vector<256x1xf32>
    %get3A_701 = arith.constant 14 : index
    %get3A_702 = arith.constant 0 : index
    %get3A_703 = vector.load %arg4[%get3A_701, %get3A_702] : memref<16x1024xf32, #tpu.memory_space<vmem>>, vector<1x1024xf32>
    %add3A_704 = vector.broadcast %get3A_700 : vector<256x1xf32> to vector<256x1024xf32>
    %add3A_705 = vector.broadcast %get3A_703 : vector<1x1024xf32> to vector<256x1024xf32>
    %add3A_706 = arith.addf %add3A_704, %add3A_705 : vector<256x1024xf32>
    %mul3A_707 = arith.constant 2.000000e+00 : f32
    %mul3A_708 = vector.broadcast %mul3A_707 : f32 to vector<256x1024xf32>
    %mul3A_709 = arith.mulf %mul3A_708, %dot_general3A_697 : vector<256x1024xf32>
    %sub3A_710 = arith.subf %add3A_706, %mul3A_709 : vector<256x1024xf32>
    %reduce_min3A_711 = arith.constant dense<0x7F800000> : vector<256xf32>
    %reduce_min3A_712 = vector.multi_reduction <minimumf>, %sub3A_710, %reduce_min3A_711 [1] : vector<256x1024xf32> to vector<256xf32>
    %broadcast_in_dim3A_713 = vector.shape_cast %reduce_min3A_712 : vector<256xf32> to vector<256x1xf32>
    %iota3A_714 = tpu.iota {dimensions = array<i32: 1>} : vector<256x1024xi32>
    %eq3A_715 = vector.broadcast %broadcast_in_dim3A_713 : vector<256x1xf32> to vector<256x1024xf32>
    %eq3A_716 = arith.cmpf oeq, %sub3A_710, %eq3A_715 : vector<256x1024xf32>
    %jit3A_717 = arith.constant 1024 : i32
    %broadcast_in_dim3A_718 = vector.broadcast %jit3A_717 : i32 to vector<256x1024xi32>
    %select_n3A_719 = arith.select %eq3A_716, %iota3A_714, %broadcast_in_dim3A_718 : vector<256x1024xi1>, vector<256x1024xi32>
    %reduce_min3A_720 = arith.constant dense<2147483647> : vector<256xi32>
    %reduce_min3A_721 = vector.multi_reduction <minsi>, %select_n3A_719, %reduce_min3A_720 [1] : vector<256x1024xi32> to vector<256xi32>
    %broadcast_in_dim3A_722 = vector.shape_cast %reduce_min3A_721 : vector<256xi32> to vector<256x1xi32>
    %swap3A_723 = arith.constant 0 : index
    %swap3A_724 = arith.constant 14 : index
    %swap3A_725 = vector.load %arg5[%swap3A_723, %swap3A_724] : memref<256x16xi32, #tpu.memory_space<vmem>>, vector<256x1xi32>
    tpu.vector_store %arg5[%swap3A_723, %swap3A_724], %broadcast_in_dim3A_722 {strides = array<i32>} : memref<256x16xi32, #tpu.memory_space<vmem>>, vector<256x1xi32>,
    %add3A_726 = arith.constant 14336 : i32
    %add3A_727 = vector.broadcast %add3A_726 : i32 to vector<256x1xi32>
    %add3A_728 = arith.addi %broadcast_in_dim3A_722, %add3A_727 : vector<256x1xi32>
    %swap3A_729 = arith.constant 0 : index
    %swap3A_730 = arith.constant 14 : index
    %swap3A_731 = vector.load %arg6[%swap3A_729, %swap3A_730] : memref<256x16xi32, #tpu.memory_space<vmem>>, vector<256x1xi32>
    tpu.vector_store %arg6[%swap3A_729, %swap3A_730], %add3A_728 {strides = array<i32>} : memref<256x16xi32, #tpu.memory_space<vmem>>, vector<256x1xi32>,
    %reduce_sum3A_732 = vector.shape_cast %broadcast_in_dim3A_713 : vector<256x1xf32> to vector<1x256x1xf32>
    %reduce_sum3A_733 = arith.constant dense<0.000000e+00> : vector<1xf32>
    %reduce_sum3A_734 = vector.multi_reduction <add>, %reduce_sum3A_732, %reduce_sum3A_733 [1, 2] : vector<1x256x1xf32> to vector<1xf32>
    %reduce_sum3A_735 = vector.shape_cast %reduce_sum3A_734 : vector<1xf32> to vector<1x1x1xf32>
    %reduce_sum3A_736 = vector.extract %reduce_sum3A_735[0, 0, 0] : f32 from vector<1x1x1xf32>
    %add3A_737 = arith.addf %add3A_687, %reduce_sum3A_736 : f32
    %get3A_738 = arith.constant 0 : index
    %get3A_739 = arith.constant 960 : index
    %get3A_740 = vector.load %arg1[%get3A_738, %get3A_739] : memref<256x1024xf32, #tpu.memory_space<vmem>>, vector<256x64xf32>
    %get3A_741 = arith.constant 15 : index
    %get3A_742 = arith.constant 0 : index
    %get3A_743 = arith.constant 0 : index
    %get3A_744 = vector.load %arg3[%get3A_741, %get3A_742, %get3A_743] : memref<16x1024x64xf32, #tpu.memory_space<vmem>>, vector<1x1024x64xf32>
    %get3A_745 = vector.shape_cast %get3A_744 : vector<1x1024x64xf32> to vector<1024x64xf32>
    %dot_general3A_746 = arith.constant dense<0.000000e+00> : vector<256x1024xf32>
    %dot_general3A_747 = tpu.matmul %get3A_740, %get3A_745, %dot_general3A_746 {dimension_numbers = #tpu.dot_dimension_numbers<[1], [1], [0], [0], [0, 0, 1, 0], [], []>, transpose_lhs_hint = false} : vector<256x64xf32>, vector<1024x64xf32>, vector<256x1024xf32> -> vector<256x1024xf32>
    %get3A_748 = arith.constant 0 : index
    %get3A_749 = arith.constant 15 : index
    %get3A_750 = vector.load %arg2[%get3A_748, %get3A_749] : memref<256x16xf32, #tpu.memory_space<vmem>>, vector<256x1xf32>
    %get3A_751 = arith.constant 15 : index
    %get3A_752 = arith.constant 0 : index
    %get3A_753 = vector.load %arg4[%get3A_751, %get3A_752] : memref<16x1024xf32, #tpu.memory_space<vmem>>, vector<1x1024xf32>
    %add3A_754 = vector.broadcast %get3A_750 : vector<256x1xf32> to vector<256x1024xf32>
    %add3A_755 = vector.broadcast %get3A_753 : vector<1x1024xf32> to vector<256x1024xf32>
    %add3A_756 = arith.addf %add3A_754, %add3A_755 : vector<256x1024xf32>
    %mul3A_757 = arith.constant 2.000000e+00 : f32
    %mul3A_758 = vector.broadcast %mul3A_757 : f32 to vector<256x1024xf32>
    %mul3A_759 = arith.mulf %mul3A_758, %dot_general3A_747 : vector<256x1024xf32>
    %sub3A_760 = arith.subf %add3A_756, %mul3A_759 : vector<256x1024xf32>
    %reduce_min3A_761 = arith.constant dense<0x7F800000> : vector<256xf32>
    %reduce_min3A_762 = vector.multi_reduction <minimumf>, %sub3A_760, %reduce_min3A_761 [1] : vector<256x1024xf32> to vector<256xf32>
    %broadcast_in_dim3A_763 = vector.shape_cast %reduce_min3A_762 : vector<256xf32> to vector<256x1xf32>
    %iota3A_764 = tpu.iota {dimensions = array<i32: 1>} : vector<256x1024xi32>
    %eq3A_765 = vector.broadcast %broadcast_in_dim3A_763 : vector<256x1xf32> to vector<256x1024xf32>
    %eq3A_766 = arith.cmpf oeq, %sub3A_760, %eq3A_765 : vector<256x1024xf32>
    %jit3A_767 = arith.constant 1024 : i32
    %broadcast_in_dim3A_768 = vector.broadcast %jit3A_767 : i32 to vector<256x1024xi32>
    %select_n3A_769 = arith.select %eq3A_766, %iota3A_764, %broadcast_in_dim3A_768 : vector<256x1024xi1>, vector<256x1024xi32>
    %reduce_min3A_770 = arith.constant dense<2147483647> : vector<256xi32>
    %reduce_min3A_771 = vector.multi_reduction <minsi>, %select_n3A_769, %reduce_min3A_770 [1] : vector<256x1024xi32> to vector<256xi32>
    %broadcast_in_dim3A_772 = vector.shape_cast %reduce_min3A_771 : vector<256xi32> to vector<256x1xi32>
    %swap3A_773 = arith.constant 0 : index
    %swap3A_774 = arith.constant 15 : index
    %swap3A_775 = vector.load %arg5[%swap3A_773, %swap3A_774] : memref<256x16xi32, #tpu.memory_space<vmem>>, vector<256x1xi32>
    tpu.vector_store %arg5[%swap3A_773, %swap3A_774], %broadcast_in_dim3A_772 {strides = array<i32>} : memref<256x16xi32, #tpu.memory_space<vmem>>, vector<256x1xi32>,
    %add3A_776 = arith.constant 15360 : i32
    %add3A_777 = vector.broadcast %add3A_776 : i32 to vector<256x1xi32>
    %add3A_778 = arith.addi %broadcast_in_dim3A_772, %add3A_777 : vector<256x1xi32>
    %swap3A_779 = arith.constant 0 : index
    %swap3A_780 = arith.constant 15 : index
    %swap3A_781 = vector.load %arg6[%swap3A_779, %swap3A_780] : memref<256x16xi32, #tpu.memory_space<vmem>>, vector<256x1xi32>
    tpu.vector_store %arg6[%swap3A_779, %swap3A_780], %add3A_778 {strides = array<i32>} : memref<256x16xi32, #tpu.memory_space<vmem>>, vector<256x1xi32>,
    %reduce_sum3A_782 = vector.shape_cast %broadcast_in_dim3A_763 : vector<256x1xf32> to vector<1x256x1xf32>
    %reduce_sum3A_783 = arith.constant dense<0.000000e+00> : vector<1xf32>
    %reduce_sum3A_784 = vector.multi_reduction <add>, %reduce_sum3A_782, %reduce_sum3A_783 [1, 2] : vector<1x256x1xf32> to vector<1xf32>
    %reduce_sum3A_785 = vector.shape_cast %reduce_sum3A_784 : vector<1xf32> to vector<1x1x1xf32>
    %reduce_sum3A_786 = vector.extract %reduce_sum3A_785[0, 0, 0] : f32 from vector<1x1x1xf32>
    %add3A_787 = arith.addf %add3A_737, %reduce_sum3A_786 : f32
    %eq3A_788 = arith.constant 0 : i32
    %eq3A_789 = arith.cmpi eq, %arg0, %eq3A_788 : i32
    %broadcast_in_dim3A_790 = arith.constant 0.000000e+00 : f32
    %broadcast_in_dim3A_791 = vector.broadcast %broadcast_in_dim3A_790 : f32 to vector<1x1xf32>
    %get3A_792 = arith.constant 0 : index
    %get3A_793 = arith.constant 0 : index
    %get3A_794 = vector.load %arg7[%get3A_792, %get3A_793] : memref<1x1xf32, #tpu.memory_space<vmem>>, vector<1x1xf32>
    %select_n3A_795 = arith.select %eq3A_789, %broadcast_in_dim3A_791, %get3A_794 : vector<1x1xf32>
    %add3A_796 = vector.broadcast %add3A_787 : f32 to vector<1x1xf32>
    %add3A_797 = arith.addf %select_n3A_795, %add3A_796 : vector<1x1xf32>
    %swap3A_798 = arith.constant 0 : index
    %swap3A_799 = arith.constant 0 : index
    %swap3A_800 = vector.load %arg7[%swap3A_798, %swap3A_799] : memref<1x1xf32, #tpu.memory_space<vmem>>, vector<1x1xf32>
    tpu.vector_store %arg7[%swap3A_798, %swap3A_799], %add3A_797 {strides = array<i32>} : memref<1x1xf32, #tpu.memory_space<vmem>>, vector<1x1xf32>,
    return
  }
  func.func @transform_0(%arg0: i32) -> (i32, i32) {
    %c0_i32 = arith.constant 0 : i32
    %c0_i32_0 = arith.constant 0 : i32
    return %arg0, %c0_i32 : i32, i32
  }
  func.func @transform_1(%arg0: i32) -> (i32, i32) {
    %c0_i32 = arith.constant 0 : i32
    %c0_i32_0 = arith.constant 0 : i32
    return %arg0, %c0_i32 : i32, i32
  }
  func.func @transform_2(%arg0: i32) -> (i32, i32, i32) {
    %c0_i32 = arith.constant 0 : i32
    %c0_i32_0 = arith.constant 0 : i32
    %c0_i32_1 = arith.constant 0 : i32
    %c0_i32_2 = arith.constant 0 : i32
    return %c0_i32, %c0_i32_0, %c0_i32_1 : i32, i32, i32
  }
  func.func @transform_3(%arg0: i32) -> (i32, i32) {
    %c0_i32 = arith.constant 0 : i32
    %c0_i32_0 = arith.constant 0 : i32
    %c0_i32_1 = arith.constant 0 : i32
    return %c0_i32, %c0_i32_0 : i32, i32
  }
  func.func @transform_4(%arg0: i32) -> (i32, i32) {
    %c0_i32 = arith.constant 0 : i32
    %c0_i32_0 = arith.constant 0 : i32
    return %arg0, %c0_i32 : i32, i32
  }
  func.func @transform_5(%arg0: i32) -> (i32, i32) {
    %c0_i32 = arith.constant 0 : i32
    %c0_i32_0 = arith.constant 0 : i32
    return %arg0, %c0_i32 : i32, i32
  }
  func.func @transform_6(%arg0: i32) -> (i32, i32) {
    %c0_i32 = arith.constant 0 : i32
    %c0_i32_0 = arith.constant 0 : i32
    %c0_i32_1 = arith.constant 0 : i32
    return %c0_i32, %c0_i32_0 : i32, i32
  }
}

</mosaic_0001>

<sc_bundles>
// kernel: kernel.4.cloned.1.call-start
scs
__scs_entry_jumppad:
0x0: {  	(pc) =	sbr.rel $0x88, $3  }
0x1: {  	(tag) =	ssettag $0x0;
	lr =	simm.s32 $0x1  }
0x2: {  	[smem:$0x3F9F] =	sst lr;
	_ =	strace $0xD0000000  }
0x3: {  	_ = 	snop  }
0x4: {  	_ = 	snop  }
0x5: {  	_ = 	snop  }
0x6: {  	_ = 	snop  }
0x7: {  	_ = 	snop  }
__scs_overlays_trampoline_lowered:
0x8: {  	[smem:$0x3FAE] =	sst s0  }
0x9: {  	[smem:$0x3FAF] =	sst s1  }
0xa: {  	[smem:$0x3FB0] =	sst s2  }
0xb: {  	[smem:$0x3FB1] =	sst s3  }
0xc: {  	[smem:$0x3FB2] =	sst s4  }
0xd: {  	[smem:$0x3FB3] =	sst s5  }
0xe: {  	[smem:$0x3FB4] =	sst s6  }
0xf: {  	[smem:$0x3FB5] =	sst s7  }
0x10: {  	[smem:$0x3FB6] =	sst s8  }
0x11: {  	[smem:$0x3FB7] =	sst s9;
	s0 =	simm.s32 @!p0 $0x0  }
0x12: {  	s1 =	sld [smem:$0x3F9D];
	s0 =	simm.s32 @p0 $0x1  }
0x13: {  	[smem:$0x3FB8] =	sst s0;
	s0 =	simm.s32 @!p1 $0x0  }
0x14: {  	s2 =	sld [smem:$0x3F9C];
	s0 =	simm.s32 @p1 $0x1  }
0x15: {  	[smem:$0x3FB9] =	sst s0;
	s0 =	simm.s32 @!p2 $0x0  }
0x16: {  	s3 =	sld [smem:$0x3FDB];
	s0 =	simm.s32 @p2 $0x1  }
0x17: {  	s4 =	simm.s32 $0x1BF5;
	[smem:$0x3FBB] =	sst s0  }
0x18: {  	s0 =	sld [smem:$0x3F9E];
	_ =	swait.ge [sflag:s4], $0x0  }
0x19: {  	s7 =	sld [smem:$0x3F9F]  }
0x1a: {  	s8 =	sadd.s32 $0xFFFFE003, lr  }
0x1b: {  	s9 =	sadd.s32 $0xFFFFFEF7, lr;
	s5 =	simm.s32 $0xFFFFFFFF;
	p2 =	slt.u32 s8, $0xFFFFF086  }
0x1c: {  	p1 =	slt.u32 s9, $0xF7A;
	s5 =	simm.s32 @!p2 $0x0  }
0x1d: {  	s5 =	simm.s32 @p1 $0x1;
	p0 =	seq.s32 s7, s2  }
0x1e: {  	s7 =	smul.u32 @!p0 $0xF7A, s2;
	p2 =	seq.s32 @!p0 s5, $0x0  }
0x1f: {  	s9 =	smul.u32 $0xF7A, s1;
	s8 =	simm.s32 @!p0 $0x1BF5;
	p2 =	por !p2, p0  }
0x20: {  	[sflag:s8] =	ssyncset.s32 @!p0 $0xFFFFF086;
	s6 =	sadd.s32 @!p0 s3, s7;
	s7 =	simm.s32 @!p0 $0x108  }
0x21: {  	s3 =	sadd.s32 s3, s9;
	s6 =	sadd.s32 @!p0 $0x88, s6;
	s7 =	simm.s32 @p2 $0x1082  }
0x22: {  	[simem:s7], [sflag:s8] =	dma.local @!p0 [hbm:s6], $0xF7A  }
0x23: {  	s9 =	sor.u32 $0xD0000000, s2;
	s6 =	simm.s32 $0x108;
	_ =	swait.ge @!p0 [sflag:s8], $0x0  }
0x24: {  	s3 =	sadd.s32 $0x88, s3;
	s6 =	simm.s32 @!p1 $0x1082;
	[sflag:s4] =	ssyncset.s32 $0xFFFFF086  }
0x25: {  	[simem:s6], [sflag:s4] =	dma.local [hbm:s3], $0xF7A  }
0x26: {  	[smem:$0x3F9F] =	sst s1;
	(tag) =	ssettag s2;
	_ =	strace s9  }
0x27: {  	s1 =	sld [smem:$0x3FAF]  }
0x28: {  	s2 =	sld [smem:$0x3FB0]  }
0x29: {  	s4 =	sld [smem:$0x3FB2]  }
0x2a: {  	p0 =	seq.s32 s5, $0x0;
	s5 =	sld [smem:$0x3FB3]  }
0x2b: {  	s6 =	sld [smem:$0x3FB4]  }
0x2c: {  	s7 =	sld [smem:$0x3FB5]  }
0x2d: {  	s3 =	simm.s32 $0x108;
	s8 =	sld [smem:$0x3FB6]  }
0x2e: {  	s3 =	simm.s32 @!p0 $0x1082;
	s9 =	sld [smem:$0x3FB7]  }
0x2f: {  	lr =	sadd.s32 s0, s3;
	s0 =	sld [smem:$0x3FAE]  }
0x30: {  	s3 =	sld [smem:$0x3FB1]  }
0x31: {  	[smem:$0x3FBA] =	sst s10  }
0x32: {  	s10 =	sld [smem:$0x3FB8];
	_ =	sdelay $0x3  }
0x33: {  	p0 =	seq.s32 s10, $0x1;
	s10 =	sld [smem:$0x3FBA];
	_ =	sdelay $0x3  }
0x34: {  	[smem:$0x3FBA] =	sst s10  }
0x35: {  	s10 =	sld [smem:$0x3FB9];
	_ =	sdelay $0x3  }
0x36: {  	p1 =	seq.s32 s10, $0x1;
	s10 =	sld [smem:$0x3FBA];
	_ =	sdelay $0x3  }
0x37: {  	[smem:$0x3FBA] =	sst s10  }
0x38: {  	s10 =	sld [smem:$0x3FBB]  }
0x39: {  	_ = 	snop;
	(pc) =	sbr.ind lr, $3  }
0x3a: {  	_ = 	snop  }
0x3b: {  	_ = 	snop  }
0x3c: {  	p2 =	seq.s32 s10, $0x1;
	s10 =	sld [smem:$0x3FBA]  }
0x3d: {  	_ =	shalt  }
0x3e: {  	_ =	shalt  }
0x3f: {  	_ =	shalt  }
0x40: {  	_ =	shalt  }
0x41: {  	_ =	shalt  }
0x42: {  	_ =	shalt  }
0x43: {  	_ =	shalt  }
0x44: {  	_ =	shalt  }
0x45: {  	_ =	shalt  }
0x46: {  	_ =	shalt  }
0x47: {  	_ =	shalt  }
0x48: {  	_ =	shalt  }
0x49: {  	_ =	shalt  }
0x4a: {  	_ =	shalt  }
0x4b: {  	_ =	shalt  }
0x4c: {  	_ =	shalt  }
0x4d: {  	_ =	shalt  }
0x4e: {  	_ =	shalt  }
0x4f: {  	_ =	shalt  }
0x50: {  	_ =	shalt  }
0x51: {  	_ =	shalt  }
0x52: {  	_ =	shalt  }
0x53: {  	_ =	shalt  }
0x54: {  	_ =	shalt  }
0x55: {  	_ =	shalt  }
0x56: {  	_ =	shalt  }
0x57: {  	_ =	shalt  }
0x58: {  	_ =	shalt  }
0x59: {  	_ =	shalt  }
0x5a: {  	_ =	shalt  }
0x5b: {  	_ =	shalt  }
0x5c: {  	_ =	shalt  }
0x5d: {  	_ =	shalt  }
0x5e: {  	_ =	shalt  }
0x5f: {  	_ =	shalt  }
0x60: {  	_ =	shalt  }
0x61: {  	_ =	shalt  }
0x62: {  	_ =	shalt  }
0x63: {  	_ =	shalt  }
0x64: {  	_ =	shalt  }
0x65: {  	_ =	shalt  }
0x66: {  	_ =	shalt  }
0x67: {  	_ =	shalt  }
0x68: {  	_ =	shalt  }
0x69: {  	_ =	shalt  }
0x6a: {  	_ =	shalt  }
0x6b: {  	_ =	shalt  }
0x6c: {  	_ =	shalt  }
0x6d: {  	_ =	shalt  }
0x6e: {  	_ =	shalt  }
0x6f: {  	_ =	shalt  }
0x70: {  	_ =	shalt  }
0x71: {  	_ =	shalt  }
0x72: {  	_ =	shalt  }
0x73: {  	_ =	shalt  }
0x74: {  	_ =	shalt  }
0x75: {  	_ =	shalt  }
0x76: {  	_ =	shalt  }
0x77: {  	_ =	shalt  }
0x78: {  	_ =	shalt  }
0x79: {  	_ =	shalt  }
0x7a: {  	_ =	shalt  }
0x7b: {  	_ =	shalt  }
0x7c: {  	_ =	shalt  }
0x7d: {  	_ =	shalt  }
0x7e: {  	_ =	shalt  }
0x7f: {  	_ =	shalt  }
0x80: {  	_ =	shalt  }
0x81: {  	_ =	shalt  }
0x82: {  	_ =	shalt  }
0x83: {  	_ =	shalt  }
0x84: {  	_ =	shalt  }
0x85: {  	_ =	shalt  }
0x86: {  	_ =	shalt  }
0x87: {  	_ =	shalt  }
.Lfunc_end0:
.L_simem_size_0:
called_computation.1_lowered:
.L_overlay_start_0:
0x88: {  	s2 =	sld [smem:$0x3FD9]  }
0x89: {  	s3 =	sld [smem:$0x3FFE];
	_ =	sdelay $0x1  }
0x8a: {  	s1 =	srdreg.scid  }
0x8b: {  	s0 =	sand.u32 $0x1, s1  }
0x8c: {  	s14 =	sshll.u32 s0, $0xA;
	s2 =	sadd.s32 s3, s2  }
0x8d: {  	s2 =	sadd.s32 s2, s14  }
0x8e: {  	[smem:$0x3FC6] =	sst s2  }
0x8f: {  	_ = 	snop  }
0x90: {  	s2 =	sld [smem:$0x3FD0];
	_ =	sdelay $0x2  }
0x91: {  	s15 =	simm.s32 $0xA;
	s4 =	simm.s32 $0x10  }
0x92: {  	[smem:s4], [sflag:s15] =	dma.local [hbm:s2], $0x1  }
0x93: {  	_ =	swait.eq [sflag:s15], $0x1  }
0x94: {  	[sflag:s15] =	ssyncset.done $0x0  }
0x95: {  	[sflag:s15] =	ssyncadd.s32 $0xFFFFFFFF  }
0x96: {  	s16 =	sld [smem:$0x10];
	(tm) =	ssettm $0x1  }
0x97: {  	s17 =	sld [smem:$0x3FFB];
	_ =	sdelay $0x3  }
0x98: {  	_ =	strace s17  }
0x99: {  	s3 =	sld [smem:$0x3FFC];
	_ =	sdelay $0x3  }
0x9a: {  	_ =	strace s3  }
0x9b: {  	s3 =	sld [smem:$0x3FFD];
	_ =	sdelay $0x3  }
0x9c: {  	_ =	strace s3  }
0x9d: {  	_ =	strace $0x8FFFFFFF  }
0x9e: {  	s18 =	sld [smem:$0x3FDB];
	_ =	sdelay $0x1  }
0x9f: {  	s19 =	simm.s32 $_scs_section_size  }
0xa0: {  	s5 =	simm.s32 $_size__tile_overlayer_lowered;
	s6 =	simm.s32 $_tile_overlayer_lowered  }
0xa1: {  	s22 =	simm.s32 $0x1BFF;
	s21 =	sshll.u32 s6, $0x1;
	s3 =	sadd.s32 s19, s18  }
0xa2: {  	s7 =	simm.s32 $0x0;
	s20 =	sshll.u32 s5, $0x1;
	s5 =	sadd.s32 s21, s3  }
0xa3: {  	[timem:s7], [sflag:s22] =	dma.local [hbm:s5], s20  }
0xa4: {  	_ =	swait.ge [sflag:s22], s20  }
0xa5: {  	s4 =	ssub.s32 $0x0, s20;
	[sflag:s22] =	ssyncset.done $0x0  }
0xa6: {  	[sflag:s22] =	ssyncadd.s32 s4;
	_ =	sdelay $0x1  }
0xa7: {  	s23 =	simm.s32 $0x1B8B  }
0xa8: {  	_ =	swait.ge [sflag:s23], $0x1  }
0xa9: {  	[sflag:s23] =	ssyncset.done $0x0  }
0xaa: {  	s25 =	simm.s32 $0x1B8E;
	s24 =	sld [smem:$0x3FFE];
	[sflag:s23] =	ssyncadd.s32 $0xFFFFFFFF  }
0xab: {  	s26 =	simm.s32 $execute0_lowered;
	[smem:$0x3FD2] =	sst s25  }
0xac: {  	s5 =	sshll.u32 s26, $0x1;
	_ =	strace $0x80000049;
	[dreg:$0x1] =	wrdreg $0xFFFFFFFF  }
0xad: {  	s28 =	simm.s32 $_size_execute0_lowered;
	s3 =	sadd.s32 s3, s5;
	[dreg:$0x0] =	wrdreg $0x0  }
0xae: {  	s5 =	sshll.u32 s28, $0x1;
	[dreg:$0x2] =	wrdreg s3  }
0xaf: {  	[dreg:$0x3] =	wrdreg s5  }
0xb0: {  	[dreg:$0x4] =	wrdreg $0xC0  }
0xb1: {  	_ =	task [dreg:s7], $0x5FFFF  }
0xb2: {  	[dreg:$0x1] =	wrdreg $0xFFFFFFFF  }
0xb3: {  	[dreg:$0x0] =	wrdreg $0x60  }
0xb4: {  	[dreg:$0x2] =	wrdreg s24  }
0xb5: {  	[dreg:$0x3] =	wrdreg s16  }
0xb6: {  	[dreg:$0x4] =	wrdreg $0x9  }
0xb7: {  	_ =	task.clear_ibuf [dreg:s7], $0x5FFFF;
	_ =	strace $0x90000049  }
0xb8: {  	s29 =	simm.s32 $0x9;
	_ =	strace $0x8000004B  }
0xb9: {  	_ =	swait.ge [sflag:s29], $0x1  }
0xba: {  	[sflag:s29] =	ssyncadd.s32 $0xFFFFFFFF  }
0xbb: {  	_ =	strace $0x9000004B  }
0xbc: {  	_ =	sfence  }
0xbd: {  	s30 =	sld [smem:$0x0];
	_ =	sdelay $0x2  }
0xbe: {  	s31 =	sshll.u32 s1, $0xD;
	s1 =	sshrl.u32 s1, $0x2  }
0xbf: {  	s3 =	sand.u32 $0x4000, s31;
	s1 =	sadd.s32 s1, s30  }
0xc0: {  	s0 =	sor.u32 s3, s0;
	s1 =	sshll.u32 s1, $0x11  }
0xc1: {  	s0 =	sor.u32 s1, s0  }
0xc2: {  	s0 =	sadd.s32 $0x8F2B, s0  }
0xc3: {  	[sflag:s0] =	ssyncadd.remote.s32 $0x1  }
0xc4: {  	_ =	sfence.sel $0xFFFF  }
0xc5: {  	[dreg:$0x0] =	wrdreg $0xFFFFFFFF;
	(pc) =	sbr.abs _section_cstart, $3  }
0xc6: {  	[dreg:$0x1] =	wrdreg $0xFFFFFFFF  }
0xc7: {  	_ =	task.clear_ibuf [dreg:s7], $0x2FFFF;
	_ =	strace $0x9FFFFFFF  }
0xc8: {  	(tm) =	ssettm $0x7FFFFFFF  }
0xc9: {  	_ =	shalt  }
tec
execute0_lowered:
.L_overlay_start_1:
0x0: {  	(tag) =	ssettag $0x1  }
0x1: {  	s2 =	rddreg [dreg:$0x0];
	s1 =	srdreg.scid  }
0x2: {  	s0 =	stileid.u32;
	s3 =	rddreg [dreg:$0x1];
	s4 =	simm.s32 $0x0  }
0x3: {  	s12 =	simm.s32 $0x80;
	s13 =	simm.s32 $0x100;
	s14 =	simm.s32 $0x1  }
0x4: {  	s15 =	simm.s32 $0x4100;
	s16 =	simm.s32 $0x8100;
	s17 =	simm.s32 $0x2  }
0x5: {  	s7 =	sand.u32 $0x1, s1;
	s5 =	sshll.u32 s0, $0x1;
	s1 =	rddreg [dreg:$0x2]  }
0x6: {  	s18 =	simm.s32 $0x0;
	[smem:$0x7FF] =	sst s4;
	s9 =	sor.u32 s7, s5  }
0x7: {  	s6 =	sadd.s32 $0x240000, s2;
	s8 =	ssub.s32 $0x2, s7;
	s5 =	smul.u32 $0x1200, s9  }
0x8: {  	_ =	strace $0x8000004A;
	s10 =	sshrl.u32 s8, $0x1;
	s7 =	smul.u32 $0x48000, s9  }
0x9: {  	s9 =	smul.u32 $0x24, s9;
	s10 =	ssub.s32 s8, s10;
	s11 =	sshrl.u32 s5, $0x3  }
0xa: {  	s10 =	smax.u32 s10, $0x1;
	s8 =	sadd.s32 s2, s11;
	s11 =	simm.s32 $0x3  }
.LBB2_1:
0xb: {  	[tilespmem:s4], [sflag:$0x3] =	stream.linear.gather [hbm4b:s8+s4], $0x80, $0x38;
	[tilespmem:$0xA100] =	vst v63  }
0xc: {  	_ =	swait.ge [sflag:s11], $0x80  }
0xd: {  	[sflag:s11] =	ssyncset.done $0x0  }
0xe: {  	[sflag:s11] =	ssyncadd.s32 $0xFFFFFF80  }
0xf: {  	[tilespmem:s13], [sflag:$0x1] =	stream.indirect.gather [hbm4b:s6+s12], $0x80, s4, s12, $0xb8;
	[tilespmem:$0xA100] =	vst v63  }
0x10: {  	_ =	swait.ge [sflag:s14], $0x4000  }
0x11: {  	[sflag:s14] =	ssyncset.done $0x0  }
0x12: {  	s19 =	simm.s32 $0x0;
	[sflag:s14] =	ssyncadd.s32 $0xFFFFC000  }
.LBB2_2:
0x13: {  	s20 =	sshllo.u32 s19, $0x1  }
0x14: {  	s21 =	sshll.u32 s20, $0x7  }
0x15: {  	s21 =	sadd.s32 s5, s21  }
0x16: {  	s21 =	sshrl.u32 s21, $0x3  }
0x17: {  	s21 =	sadd.s32 s2, s21  }
0x18: {  	[tilespmem:s12], [sflag:$0x3] =	stream.linear.gather [hbm4b:s21+s4], $0x80, $0x38;
	[tilespmem:$0xA100] =	vst v63  }
0x19: {  	_ =	swait.ge [sflag:s11], $0x80  }
0x1a: {  	[sflag:s11] =	ssyncset.done $0x0  }
0x1b: {  	s22 =	simm.s32 $0x500;
	[sflag:s11] =	ssyncadd.s32 $0xFFFFFF80  }
0x1c: {  	[tilespmem:s15], [sflag:$0x2] =	stream.indirect.gather [hbm4b:s6+s12], $0x80, s12, s12, $0xb8;
	[tilespmem:$0xA100] =	vst v63  }
0x1d: {  	s23 =	simm.s32 $0x3100;
	s24 =	simm.s32 $0x3300;
	s21 =	sshll.u32 s19, $0x1;
	v0 =	vld [tilespmem:s22+$0xFFFFFC00]  }
.LBB2_3:
0x1e: {  	p0 =	sne.s32 s24, $0x3F00;
	_ =	sdelay $0x2  }
0x1f: {  	s25 =	sshra.s32 s23, $0x2;
	s23 =	smov.u32 s24  }
0x20: {  	[tilespmem:s25+$0x74C0] =	vst v0  }
0x21: {  	v0 =	vld [tilespmem:s22+$0xFFFFFC10];
	_ =	sdelay $0x4  }
0x22: {  	[tilespmem:s25+$0x74D0] =	vst v0  }
0x23: {  	v0 =	vld [tilespmem:s22+$0xFFFFFC20];
	_ =	sdelay $0x4  }
0x24: {  	[tilespmem:s25+$0x74E0] =	vst v0  }
0x25: {  	v0 =	vld [tilespmem:s22+$0xFFFFFC30];
	_ =	sdelay $0x4  }
0x26: {  	[tilespmem:s25+$0x74F0] =	vst v0  }
0x27: {  	v0 =	vld [tilespmem:s22+$0xFFFFFC80];
	_ =	sdelay $0x4  }
0x28: {  	[tilespmem:s25+$0x7500] =	vst v0  }
0x29: {  	v0 =	vld [tilespmem:s22+$0xFFFFFC90];
	_ =	sdelay $0x4  }
0x2a: {  	[tilespmem:s25+$0x7510] =	vst v0  }
0x2b: {  	v0 =	vld [tilespmem:s22+$0xFFFFFCA0];
	_ =	sdelay $0x4  }
0x2c: {  	[tilespmem:s25+$0x7520] =	vst v0  }
0x2d: {  	v0 =	vld [tilespmem:s22+$0xFFFFFCB0];
	_ =	sdelay $0x4  }
0x2e: {  	[tilespmem:s25+$0x7530] =	vst v0  }
0x2f: {  	v0 =	vld [tilespmem:s22+$0xFFFFFD00];
	_ =	sdelay $0x4  }
0x30: {  	[tilespmem:s25+$0x78C0] =	vst v0  }
0x31: {  	v0 =	vld [tilespmem:s22+$0xFFFFFD10];
	_ =	sdelay $0x4  }
0x32: {  	[tilespmem:s25+$0x78D0] =	vst v0  }
0x33: {  	v0 =	vld [tilespmem:s22+$0xFFFFFD20];
	_ =	sdelay $0x4  }
0x34: {  	[tilespmem:s25+$0x78E0] =	vst v0  }
0x35: {  	v0 =	vld [tilespmem:s22+$0xFFFFFD30];
	_ =	sdelay $0x4  }
0x36: {  	[tilespmem:s25+$0x78F0] =	vst v0  }
0x37: {  	v0 =	vld [tilespmem:s22+$0xFFFFFD80];
	_ =	sdelay $0x4  }
0x38: {  	[tilespmem:s25+$0x7900] =	vst v0  }
0x39: {  	v0 =	vld [tilespmem:s22+$0xFFFFFD90];
	_ =	sdelay $0x4  }
0x3a: {  	[tilespmem:s25+$0x7910] =	vst v0  }
0x3b: {  	v0 =	vld [tilespmem:s22+$0xFFFFFDA0];
	_ =	sdelay $0x4  }
0x3c: {  	[tilespmem:s25+$0x7920] =	vst v0  }
0x3d: {  	v0 =	vld [tilespmem:s22+$0xFFFFFDB0];
	_ =	sdelay $0x4  }
0x3e: {  	[tilespmem:s25+$0x7930] =	vst v0  }
0x3f: {  	v0 =	vld [tilespmem:s22+$0xFFFFFE00];
	_ =	sdelay $0x4  }
0x40: {  	[tilespmem:s25+$0x7CC0] =	vst v0  }
0x41: {  	v0 =	vld [tilespmem:s22+$0xFFFFFE10];
	_ =	sdelay $0x4  }
0x42: {  	[tilespmem:s25+$0x7CD0] =	vst v0  }
0x43: {  	v0 =	vld [tilespmem:s22+$0xFFFFFE20];
	_ =	sdelay $0x4  }
0x44: {  	[tilespmem:s25+$0x7CE0] =	vst v0  }
0x45: {  	v0 =	vld [tilespmem:s22+$0xFFFFFE30];
	_ =	sdelay $0x4  }
0x46: {  	[tilespmem:s25+$0x7CF0] =	vst v0  }
0x47: {  	v0 =	vld [tilespmem:s22+$0xFFFFFE80];
	_ =	sdelay $0x4  }
0x48: {  	[tilespmem:s25+$0x7D00] =	vst v0  }
0x49: {  	v0 =	vld [tilespmem:s22+$0xFFFFFE90];
	_ =	sdelay $0x4  }
0x4a: {  	[tilespmem:s25+$0x7D10] =	vst v0  }
0x4b: {  	v0 =	vld [tilespmem:s22+$0xFFFFFEA0];
	_ =	sdelay $0x4  }
0x4c: {  	[tilespmem:s25+$0x7D20] =	vst v0  }
0x4d: {  	v0 =	vld [tilespmem:s22+$0xFFFFFEB0];
	_ =	sdelay $0x4  }
0x4e: {  	[tilespmem:s25+$0x7D30] =	vst v0  }
0x4f: {  	v0 =	vld [tilespmem:s22+$0xFFFFFF00];
	_ =	sdelay $0x4  }
0x50: {  	[tilespmem:s25+$0x80C0] =	vst v0  }
0x51: {  	v0 =	vld [tilespmem:s22+$0xFFFFFF10];
	_ =	sdelay $0x4  }
0x52: {  	[tilespmem:s25+$0x80D0] =	vst v0  }
0x53: {  	v0 =	vld [tilespmem:s22+$0xFFFFFF20];
	_ =	sdelay $0x4  }
0x54: {  	[tilespmem:s25+$0x80E0] =	vst v0  }
0x55: {  	v0 =	vld [tilespmem:s22+$0xFFFFFF30];
	_ =	sdelay $0x4  }
0x56: {  	[tilespmem:s25+$0x80F0] =	vst v0  }
0x57: {  	v0 =	vld [tilespmem:s22+$0xFFFFFF80];
	_ =	sdelay $0x4  }
0x58: {  	[tilespmem:s25+$0x8100] =	vst v0  }
0x59: {  	v0 =	vld [tilespmem:s22+$0xFFFFFF90];
	_ =	sdelay $0x4  }
0x5a: {  	[tilespmem:s25+$0x8110] =	vst v0  }
0x5b: {  	v0 =	vld [tilespmem:s22+$0xFFFFFFA0];
	_ =	sdelay $0x4  }
0x5c: {  	[tilespmem:s25+$0x8120] =	vst v0  }
0x5d: {  	v0 =	vld [tilespmem:s22+$0xFFFFFFB0];
	_ =	sdelay $0x4  }
0x5e: {  	[tilespmem:s25+$0x8130] =	vst v0  }
0x5f: {  	v0 =	vld [tilespmem:s22+$0x0];
	_ =	sdelay $0x4  }
0x60: {  	[tilespmem:s25+$0x84C0] =	vst v0  }
0x61: {  	v0 =	vld [tilespmem:s22+$0x10];
	_ =	sdelay $0x4  }
0x62: {  	[tilespmem:s25+$0x84D0] =	vst v0  }
0x63: {  	v0 =	vld [tilespmem:s22+$0x20];
	_ =	sdelay $0x4  }
0x64: {  	[tilespmem:s25+$0x84E0] =	vst v0  }
0x65: {  	v0 =	vld [tilespmem:s22+$0x30];
	_ =	sdelay $0x4  }
0x66: {  	[tilespmem:s25+$0x84F0] =	vst v0  }
0x67: {  	v0 =	vld [tilespmem:s22+$0x80];
	_ =	sdelay $0x4  }
0x68: {  	[tilespmem:s25+$0x8500] =	vst v0  }
0x69: {  	v0 =	vld [tilespmem:s22+$0x90];
	_ =	sdelay $0x4  }
0x6a: {  	[tilespmem:s25+$0x8510] =	vst v0  }
0x6b: {  	v0 =	vld [tilespmem:s22+$0xA0];
	_ =	sdelay $0x4  }
0x6c: {  	[tilespmem:s25+$0x8520] =	vst v0  }
0x6d: {  	v0 =	vld [tilespmem:s22+$0xB0];
	_ =	sdelay $0x4  }
0x6e: {  	[tilespmem:s25+$0x8530] =	vst v0  }
0x6f: {  	v0 =	vld [tilespmem:s22+$0x100];
	_ =	sdelay $0x4  }
0x70: {  	[tilespmem:s25+$0x88C0] =	vst v0  }
0x71: {  	v0 =	vld [tilespmem:s22+$0x110];
	_ =	sdelay $0x4  }
0x72: {  	[tilespmem:s25+$0x88D0] =	vst v0  }
0x73: {  	v0 =	vld [tilespmem:s22+$0x120];
	_ =	sdelay $0x4  }
0x74: {  	[tilespmem:s25+$0x88E0] =	vst v0  }
0x75: {  	v0 =	vld [tilespmem:s22+$0x130];
	_ =	sdelay $0x4  }
0x76: {  	[tilespmem:s25+$0x88F0] =	vst v0  }
0x77: {  	v0 =	vld [tilespmem:s22+$0x180];
	_ =	sdelay $0x4  }
0x78: {  	[tilespmem:s25+$0x8900] =	vst v0  }
0x79: {  	v0 =	vld [tilespmem:s22+$0x190];
	_ =	sdelay $0x4  }
0x7a: {  	[tilespmem:s25+$0x8910] =	vst v0  }
0x7b: {  	v0 =	vld [tilespmem:s22+$0x1A0];
	_ =	sdelay $0x4  }
0x7c: {  	[tilespmem:s25+$0x8920] =	vst v0  }
0x7d: {  	v0 =	vld [tilespmem:s22+$0x1B0];
	_ =	sdelay $0x4  }
0x7e: {  	[tilespmem:s25+$0x8930] =	vst v0  }
0x7f: {  	v0 =	vld [tilespmem:s22+$0x200];
	_ =	sdelay $0x4  }
0x80: {  	[tilespmem:s25+$0x8CC0] =	vst v0  }
0x81: {  	v0 =	vld [tilespmem:s22+$0x210];
	_ =	sdelay $0x4  }
0x82: {  	[tilespmem:s25+$0x8CD0] =	vst v0  }
0x83: {  	v0 =	vld [tilespmem:s22+$0x220];
	_ =	sdelay $0x4  }
0x84: {  	[tilespmem:s25+$0x8CE0] =	vst v0  }
0x85: {  	v0 =	vld [tilespmem:s22+$0x230];
	_ =	sdelay $0x4  }
0x86: {  	[tilespmem:s25+$0x8CF0] =	vst v0  }
0x87: {  	v0 =	vld [tilespmem:s22+$0x280];
	_ =	sdelay $0x4  }
0x88: {  	[tilespmem:s25+$0x8D00] =	vst v0  }
0x89: {  	v0 =	vld [tilespmem:s22+$0x290];
	_ =	sdelay $0x4  }
0x8a: {  	[tilespmem:s25+$0x8D10] =	vst v0  }
0x8b: {  	v0 =	vld [tilespmem:s22+$0x2A0];
	_ =	sdelay $0x4  }
0x8c: {  	[tilespmem:s25+$0x8D20] =	vst v0  }
0x8d: {  	v0 =	vld [tilespmem:s22+$0x2B0];
	_ =	sdelay $0x4  }
0x8e: {  	[tilespmem:s25+$0x8D30] =	vst v0  }
0x8f: {  	v0 =	vld [tilespmem:s22+$0x300];
	_ =	sdelay $0x4  }
0x90: {  	[tilespmem:s25+$0x90C0] =	vst v0  }
0x91: {  	v0 =	vld [tilespmem:s22+$0x310];
	_ =	sdelay $0x4  }
0x92: {  	[tilespmem:s25+$0x90D0] =	vst v0  }
0x93: {  	v0 =	vld [tilespmem:s22+$0x320];
	_ =	sdelay $0x4  }
0x94: {  	[tilespmem:s25+$0x90E0] =	vst v0  }
0x95: {  	v0 =	vld [tilespmem:s22+$0x330];
	_ =	sdelay $0x4  }
0x96: {  	[tilespmem:s25+$0x90F0] =	vst v0  }
0x97: {  	v0 =	vld [tilespmem:s22+$0x380];
	_ =	sdelay $0x4  }
0x98: {  	[tilespmem:s25+$0x9100] =	vst v0  }
0x99: {  	v0 =	vld [tilespmem:s22+$0x390];
	_ =	sdelay $0x4  }
0x9a: {  	[tilespmem:s25+$0x9110] =	vst v0  }
0x9b: {  	v0 =	vld [tilespmem:s22+$0x3A0];
	_ =	sdelay $0x4  }
0x9c: {  	[tilespmem:s25+$0x9120] =	vst v0  }
0x9d: {  	v0 =	vld [tilespmem:s22+$0x3B0];
	_ =	sdelay $0x1  }
.Ltmp0:
0x9e: {  	(pc) =	sbr.rel @p0 .LBB2_3-.Ltmp0, $3  }
0x9f: {  	_ =	sdelay $0x1  }
0xa0: {  	s22 =	sadd.s32 $0x800, s22;
	[tilespmem:s25+$0x9130] =	vst v0  }
0xa1: {  	s24 =	sadd.s32 $0x200, s24;
	v0 =	vld [tilespmem:s22+$0xFFFFFC00]  }
0xa2: {  	_ =	sdelay $0x2  }
0xa3: {  	s23 =	sshra.s32 s23, $0x2  }
0xa4: {  	[tilespmem:s23+$0x74C0] =	vst v0  }
0xa5: {  	v0 =	vld [tilespmem:s22+$0xFFFFFC10];
	_ =	sdelay $0x4  }
0xa6: {  	[tilespmem:s23+$0x74D0] =	vst v0  }
0xa7: {  	v0 =	vld [tilespmem:s22+$0xFFFFFC20];
	_ =	sdelay $0x4  }
0xa8: {  	[tilespmem:s23+$0x74E0] =	vst v0  }
0xa9: {  	v0 =	vld [tilespmem:s22+$0xFFFFFC30];
	_ =	sdelay $0x4  }
0xaa: {  	[tilespmem:s23+$0x74F0] =	vst v0  }
0xab: {  	v0 =	vld [tilespmem:s22+$0xFFFFFC80];
	_ =	sdelay $0x4  }
0xac: {  	[tilespmem:s23+$0x7500] =	vst v0  }
0xad: {  	v0 =	vld [tilespmem:s22+$0xFFFFFC90];
	_ =	sdelay $0x4  }
0xae: {  	[tilespmem:s23+$0x7510] =	vst v0  }
0xaf: {  	v0 =	vld [tilespmem:s22+$0xFFFFFCA0];
	_ =	sdelay $0x4  }
0xb0: {  	[tilespmem:s23+$0x7520] =	vst v0  }
0xb1: {  	v0 =	vld [tilespmem:s22+$0xFFFFFCB0];
	_ =	sdelay $0x4  }
0xb2: {  	[tilespmem:s23+$0x7530] =	vst v0  }
0xb3: {  	v0 =	vld [tilespmem:s22+$0xFFFFFD00];
	_ =	sdelay $0x4  }
0xb4: {  	[tilespmem:s23+$0x78C0] =	vst v0  }
0xb5: {  	v0 =	vld [tilespmem:s22+$0xFFFFFD10];
	_ =	sdelay $0x4  }
0xb6: {  	[tilespmem:s23+$0x78D0] =	vst v0  }
0xb7: {  	v0 =	vld [tilespmem:s22+$0xFFFFFD20];
	_ =	sdelay $0x4  }
0xb8: {  	[tilespmem:s23+$0x78E0] =	vst v0  }
0xb9: {  	v0 =	vld [tilespmem:s22+$0xFFFFFD30];
	_ =	sdelay $0x4  }
0xba: {  	[tilespmem:s23+$0x78F0] =	vst v0  }
0xbb: {  	v0 =	vld [tilespmem:s22+$0xFFFFFD80];
	_ =	sdelay $0x4  }
0xbc: {  	[tilespmem:s23+$0x7900] =	vst v0  }
0xbd: {  	v0 =	vld [tilespmem:s22+$0xFFFFFD90];
	_ =	sdelay $0x4  }
0xbe: {  	[tilespmem:s23+$0x7910] =	vst v0  }
0xbf: {  	v0 =	vld [tilespmem:s22+$0xFFFFFDA0];
	_ =	sdelay $0x4  }
0xc0: {  	[tilespmem:s23+$0x7920] =	vst v0  }
0xc1: {  	v0 =	vld [tilespmem:s22+$0xFFFFFDB0];
	_ =	sdelay $0x4  }
0xc2: {  	[tilespmem:s23+$0x7930] =	vst v0  }
0xc3: {  	v0 =	vld [tilespmem:s22+$0xFFFFFE00];
	_ =	sdelay $0x4  }
0xc4: {  	[tilespmem:s23+$0x7CC0] =	vst v0  }
0xc5: {  	v0 =	vld [tilespmem:s22+$0xFFFFFE10];
	_ =	sdelay $0x4  }
0xc6: {  	[tilespmem:s23+$0x7CD0] =	vst v0  }
0xc7: {  	v0 =	vld [tilespmem:s22+$0xFFFFFE20];
	_ =	sdelay $0x4  }
0xc8: {  	[tilespmem:s23+$0x7CE0] =	vst v0  }
0xc9: {  	v0 =	vld [tilespmem:s22+$0xFFFFFE30];
	_ =	sdelay $0x4  }
0xca: {  	[tilespmem:s23+$0x7CF0] =	vst v0  }
0xcb: {  	v0 =	vld [tilespmem:s22+$0xFFFFFE80];
	_ =	sdelay $0x4  }
0xcc: {  	[tilespmem:s23+$0x7D00] =	vst v0  }
0xcd: {  	v0 =	vld [tilespmem:s22+$0xFFFFFE90];
	_ =	sdelay $0x4  }
0xce: {  	[tilespmem:s23+$0x7D10] =	vst v0  }
0xcf: {  	v0 =	vld [tilespmem:s22+$0xFFFFFEA0];
	_ =	sdelay $0x4  }
0xd0: {  	[tilespmem:s23+$0x7D20] =	vst v0  }
0xd1: {  	v0 =	vld [tilespmem:s22+$0xFFFFFEB0];
	_ =	sdelay $0x4  }
0xd2: {  	[tilespmem:s23+$0x7D30] =	vst v0  }
0xd3: {  	v0 =	vld [tilespmem:s22+$0xFFFFFF00];
	_ =	sdelay $0x4  }
0xd4: {  	[tilespmem:s23+$0x80C0] =	vst v0  }
0xd5: {  	v0 =	vld [tilespmem:s22+$0xFFFFFF10];
	_ =	sdelay $0x4  }
0xd6: {  	[tilespmem:s23+$0x80D0] =	vst v0  }
0xd7: {  	v0 =	vld [tilespmem:s22+$0xFFFFFF20];
	_ =	sdelay $0x4  }
0xd8: {  	[tilespmem:s23+$0x80E0] =	vst v0  }
0xd9: {  	v0 =	vld [tilespmem:s22+$0xFFFFFF30];
	_ =	sdelay $0x4  }
0xda: {  	[tilespmem:s23+$0x80F0] =	vst v0  }
0xdb: {  	v0 =	vld [tilespmem:s22+$0xFFFFFF80];
	_ =	sdelay $0x4  }
0xdc: {  	[tilespmem:s23+$0x8100] =	vst v0  }
0xdd: {  	v0 =	vld [tilespmem:s22+$0xFFFFFF90];
	_ =	sdelay $0x4  }
0xde: {  	[tilespmem:s23+$0x8110] =	vst v0  }
0xdf: {  	v0 =	vld [tilespmem:s22+$0xFFFFFFA0];
	_ =	sdelay $0x4  }
0xe0: {  	[tilespmem:s23+$0x8120] =	vst v0  }
0xe1: {  	v0 =	vld [tilespmem:s22+$0xFFFFFFB0];
	_ =	sdelay $0x4  }
0xe2: {  	[tilespmem:s23+$0x8130] =	vst v0  }
0xe3: {  	v0 =	vld [tilespmem:s22+$0x0];
	_ =	sdelay $0x4  }
0xe4: {  	[tilespmem:s23+$0x84C0] =	vst v0  }
0xe5: {  	v0 =	vld [tilespmem:s22+$0x10];
	_ =	sdelay $0x4  }
0xe6: {  	[tilespmem:s23+$0x84D0] =	vst v0  }
0xe7: {  	v0 =	vld [tilespmem:s22+$0x20];
	_ =	sdelay $0x4  }
0xe8: {  	[tilespmem:s23+$0x84E0] =	vst v0  }
0xe9: {  	v0 =	vld [tilespmem:s22+$0x30];
	_ =	sdelay $0x4  }
0xea: {  	[tilespmem:s23+$0x84F0] =	vst v0  }
0xeb: {  	v0 =	vld [tilespmem:s22+$0x80];
	_ =	sdelay $0x4  }
0xec: {  	[tilespmem:s23+$0x8500] =	vst v0  }
0xed: {  	v0 =	vld [tilespmem:s22+$0x90];
	_ =	sdelay $0x4  }
0xee: {  	[tilespmem:s23+$0x8510] =	vst v0  }
0xef: {  	v0 =	vld [tilespmem:s22+$0xA0];
	_ =	sdelay $0x4  }
0xf0: {  	[tilespmem:s23+$0x8520] =	vst v0  }
0xf1: {  	v0 =	vld [tilespmem:s22+$0xB0];
	_ =	sdelay $0x4  }
0xf2: {  	[tilespmem:s23+$0x8530] =	vst v0  }
0xf3: {  	v0 =	vld [tilespmem:s22+$0x100];
	_ =	sdelay $0x4  }
0xf4: {  	[tilespmem:s23+$0x88C0] =	vst v0  }
0xf5: {  	v0 =	vld [tilespmem:s22+$0x110];
	_ =	sdelay $0x4  }
0xf6: {  	[tilespmem:s23+$0x88D0] =	vst v0  }
0xf7: {  	v0 =	vld [tilespmem:s22+$0x120];
	_ =	sdelay $0x4  }
0xf8: {  	[tilespmem:s23+$0x88E0] =	vst v0  }
0xf9: {  	v0 =	vld [tilespmem:s22+$0x130];
	_ =	sdelay $0x4  }
0xfa: {  	[tilespmem:s23+$0x88F0] =	vst v0  }
0xfb: {  	v0 =	vld [tilespmem:s22+$0x180];
	_ =	sdelay $0x4  }
0xfc: {  	[tilespmem:s23+$0x8900] =	vst v0  }
0xfd: {  	v0 =	vld [tilespmem:s22+$0x190];
	_ =	sdelay $0x4  }
0xfe: {  	[tilespmem:s23+$0x8910] =	vst v0  }
0xff: {  	v0 =	vld [tilespmem:s22+$0x1A0];
	_ =	sdelay $0x4  }
0x100: {  	[tilespmem:s23+$0x8920] =	vst v0  }
0x101: {  	v0 =	vld [tilespmem:s22+$0x1B0];
	_ =	sdelay $0x4  }
0x102: {  	[tilespmem:s23+$0x8930] =	vst v0  }
0x103: {  	v0 =	vld [tilespmem:s22+$0x200];
	_ =	sdelay $0x4  }
0x104: {  	[tilespmem:s23+$0x8CC0] =	vst v0  }
0x105: {  	v0 =	vld [tilespmem:s22+$0x210];
	_ =	sdelay $0x4  }
0x106: {  	[tilespmem:s23+$0x8CD0] =	vst v0  }
0x107: {  	v0 =	vld [tilespmem:s22+$0x220];
	_ =	sdelay $0x4  }
0x108: {  	[tilespmem:s23+$0x8CE0] =	vst v0  }
0x109: {  	v0 =	vld [tilespmem:s22+$0x230];
	_ =	sdelay $0x4  }
0x10a: {  	[tilespmem:s23+$0x8CF0] =	vst v0  }
0x10b: {  	v0 =	vld [tilespmem:s22+$0x280];
	_ =	sdelay $0x4  }
0x10c: {  	[tilespmem:s23+$0x8D00] =	vst v0  }
0x10d: {  	v0 =	vld [tilespmem:s22+$0x290];
	_ =	sdelay $0x4  }
0x10e: {  	[tilespmem:s23+$0x8D10] =	vst v0  }
0x10f: {  	v0 =	vld [tilespmem:s22+$0x2A0];
	_ =	sdelay $0x4  }
0x110: {  	[tilespmem:s23+$0x8D20] =	vst v0  }
0x111: {  	v0 =	vld [tilespmem:s22+$0x2B0];
	_ =	sdelay $0x4  }
0x112: {  	[tilespmem:s23+$0x8D30] =	vst v0  }
0x113: {  	v0 =	vld [tilespmem:s22+$0x300];
	_ =	sdelay $0x4  }
0x114: {  	[tilespmem:s23+$0x90C0] =	vst v0  }
0x115: {  	v0 =	vld [tilespmem:s22+$0x310];
	_ =	sdelay $0x4  }
0x116: {  	[tilespmem:s23+$0x90D0] =	vst v0  }
0x117: {  	v0 =	vld [tilespmem:s22+$0x320];
	_ =	sdelay $0x4  }
0x118: {  	[tilespmem:s23+$0x90E0] =	vst v0  }
0x119: {  	v0 =	vld [tilespmem:s22+$0x330];
	_ =	sdelay $0x4  }
0x11a: {  	[tilespmem:s23+$0x90F0] =	vst v0  }
0x11b: {  	v0 =	vld [tilespmem:s22+$0x380];
	_ =	sdelay $0x4  }
0x11c: {  	[tilespmem:s23+$0x9100] =	vst v0  }
0x11d: {  	v0 =	vld [tilespmem:s22+$0x390];
	_ =	sdelay $0x4  }
0x11e: {  	[tilespmem:s23+$0x9110] =	vst v0  }
0x11f: {  	v0 =	vld [tilespmem:s22+$0x3A0];
	_ =	sdelay $0x4  }
0x120: {  	[tilespmem:s23+$0x9120] =	vst v0  }
0x121: {  	v0 =	vld [tilespmem:s22+$0x3B0];
	_ =	sdelay $0x1  }
0x122: {  	s31 =	sshll.u32 s19, $0xE  }
0x123: {  	s22 =	sadd.s32 s7, s31  }
0x124: {  	s22 =	sshrl.u32 s22, $0x3  }
0x125: {  	s22 =	sadd.s32 s3, s22;
	[tilespmem:s23+$0x9130] =	vst v0  }
0x126: {  	[hbm4b:s22+s4] =	stream.linear.scatter [tilespmem:s16], [sflag:$0x3], $0x2000, $0x38;
	[tilespmem:$0xA100] =	vst v63  }
0x127: {  	s21 =	sadd.s32 $0x2, s21;
	_ =	swait.ge [sflag:s11], $0x2000  }
0x128: {  	p0 =	seq.s32 s21, $0x24;
	s21 =	sshll.u32 s21, $0x7;
	[sflag:s11] =	ssyncset.done $0x0  }
0x129: {  	s21 =	simm.s32 @p0 $0x0;
	[sflag:s11] =	ssyncadd.s32 $0xFFFFE000  }
0x12a: {  	s21 =	sadd.s32 s5, s21;
	_ =	swait.ge [sflag:s17], $0x4000  }
0x12b: {  	s21 =	sshrl.u32 s21, $0x3;
	[sflag:s17] =	ssyncset.done $0x0  }
0x12c: {  	s21 =	sadd.s32 s2, s21;
	[sflag:s17] =	ssyncadd.s32 $0xFFFFC000  }
0x12d: {  	[tilespmem:s4], [sflag:$0x3] =	stream.linear.gather [hbm4b:s21+s4], $0x80, $0x38;
	[tilespmem:$0xA100] =	vst v63  }
0x12e: {  	_ =	swait.ge [sflag:s11], $0x80  }
0x12f: {  	[sflag:s11] =	ssyncset.done $0x0  }
0x130: {  	s21 =	simm.s32 $0x4500;
	[sflag:s11] =	ssyncadd.s32 $0xFFFFFF80  }
0x131: {  	[tilespmem:s13], [sflag:$0x1] =	stream.indirect.gather [hbm4b:s6+s12], $0x80, s4, s12, $0xb8;
	[tilespmem:$0xA100] =	vst v63  }
0x132: {  	s23 =	simm.s32 $0x3300;
	s22 =	simm.s32 $0x3100;
	v0 =	vld [tilespmem:s21+$0xFFFFFC00]  }
.LBB2_5:
0x133: {  	p0 =	sne.s32 s23, $0x3F00;
	_ =	sdelay $0x2  }
0x134: {  	s24 =	sshra.s32 s22, $0x2;
	s22 =	smov.u32 s23  }
0x135: {  	[tilespmem:s24+$0x74C0] =	vst v0  }
0x136: {  	v0 =	vld [tilespmem:s21+$0xFFFFFC10];
	_ =	sdelay $0x4  }
0x137: {  	[tilespmem:s24+$0x74D0] =	vst v0  }
0x138: {  	v0 =	vld [tilespmem:s21+$0xFFFFFC20];
	_ =	sdelay $0x4  }
0x139: {  	[tilespmem:s24+$0x74E0] =	vst v0  }
0x13a: {  	v0 =	vld [tilespmem:s21+$0xFFFFFC30];
	_ =	sdelay $0x4  }
0x13b: {  	[tilespmem:s24+$0x74F0] =	vst v0  }
0x13c: {  	v0 =	vld [tilespmem:s21+$0xFFFFFC80];
	_ =	sdelay $0x4  }
0x13d: {  	[tilespmem:s24+$0x7500] =	vst v0  }
0x13e: {  	v0 =	vld [tilespmem:s21+$0xFFFFFC90];
	_ =	sdelay $0x4  }
0x13f: {  	[tilespmem:s24+$0x7510] =	vst v0  }
0x140: {  	v0 =	vld [tilespmem:s21+$0xFFFFFCA0];
	_ =	sdelay $0x4  }
0x141: {  	[tilespmem:s24+$0x7520] =	vst v0  }
0x142: {  	v0 =	vld [tilespmem:s21+$0xFFFFFCB0];
	_ =	sdelay $0x4  }
0x143: {  	[tilespmem:s24+$0x7530] =	vst v0  }
0x144: {  	v0 =	vld [tilespmem:s21+$0xFFFFFD00];
	_ =	sdelay $0x4  }
0x145: {  	[tilespmem:s24+$0x78C0] =	vst v0  }
0x146: {  	v0 =	vld [tilespmem:s21+$0xFFFFFD10];
	_ =	sdelay $0x4  }
0x147: {  	[tilespmem:s24+$0x78D0] =	vst v0  }
0x148: {  	v0 =	vld [tilespmem:s21+$0xFFFFFD20];
	_ =	sdelay $0x4  }
0x149: {  	[tilespmem:s24+$0x78E0] =	vst v0  }
0x14a: {  	v0 =	vld [tilespmem:s21+$0xFFFFFD30];
	_ =	sdelay $0x4  }
0x14b: {  	[tilespmem:s24+$0x78F0] =	vst v0  }
0x14c: {  	v0 =	vld [tilespmem:s21+$0xFFFFFD80];
	_ =	sdelay $0x4  }
0x14d: {  	[tilespmem:s24+$0x7900] =	vst v0  }
0x14e: {  	v0 =	vld [tilespmem:s21+$0xFFFFFD90];
	_ =	sdelay $0x4  }
0x14f: {  	[tilespmem:s24+$0x7910] =	vst v0  }
0x150: {  	v0 =	vld [tilespmem:s21+$0xFFFFFDA0];
	_ =	sdelay $0x4  }
0x151: {  	[tilespmem:s24+$0x7920] =	vst v0  }
0x152: {  	v0 =	vld [tilespmem:s21+$0xFFFFFDB0];
	_ =	sdelay $0x4  }
0x153: {  	[tilespmem:s24+$0x7930] =	vst v0  }
0x154: {  	v0 =	vld [tilespmem:s21+$0xFFFFFE00];
	_ =	sdelay $0x4  }
0x155: {  	[tilespmem:s24+$0x7CC0] =	vst v0  }
0x156: {  	v0 =	vld [tilespmem:s21+$0xFFFFFE10];
	_ =	sdelay $0x4  }
0x157: {  	[tilespmem:s24+$0x7CD0] =	vst v0  }
0x158: {  	v0 =	vld [tilespmem:s21+$0xFFFFFE20];
	_ =	sdelay $0x4  }
0x159: {  	[tilespmem:s24+$0x7CE0] =	vst v0  }
0x15a: {  	v0 =	vld [tilespmem:s21+$0xFFFFFE30];
	_ =	sdelay $0x4  }
0x15b: {  	[tilespmem:s24+$0x7CF0] =	vst v0  }
0x15c: {  	v0 =	vld [tilespmem:s21+$0xFFFFFE80];
	_ =	sdelay $0x4  }
0x15d: {  	[tilespmem:s24+$0x7D00] =	vst v0  }
0x15e: {  	v0 =	vld [tilespmem:s21+$0xFFFFFE90];
	_ =	sdelay $0x4  }
0x15f: {  	[tilespmem:s24+$0x7D10] =	vst v0  }
0x160: {  	v0 =	vld [tilespmem:s21+$0xFFFFFEA0];
	_ =	sdelay $0x4  }
0x161: {  	[tilespmem:s24+$0x7D20] =	vst v0  }
0x162: {  	v0 =	vld [tilespmem:s21+$0xFFFFFEB0];
	_ =	sdelay $0x4  }
0x163: {  	[tilespmem:s24+$0x7D30] =	vst v0  }
0x164: {  	v0 =	vld [tilespmem:s21+$0xFFFFFF00];
	_ =	sdelay $0x4  }
0x165: {  	[tilespmem:s24+$0x80C0] =	vst v0  }
0x166: {  	v0 =	vld [tilespmem:s21+$0xFFFFFF10];
	_ =	sdelay $0x4  }
0x167: {  	[tilespmem:s24+$0x80D0] =	vst v0  }
0x168: {  	v0 =	vld [tilespmem:s21+$0xFFFFFF20];
	_ =	sdelay $0x4  }
0x169: {  	[tilespmem:s24+$0x80E0] =	vst v0  }
0x16a: {  	v0 =	vld [tilespmem:s21+$0xFFFFFF30];
	_ =	sdelay $0x4  }
0x16b: {  	[tilespmem:s24+$0x80F0] =	vst v0  }
0x16c: {  	v0 =	vld [tilespmem:s21+$0xFFFFFF80];
	_ =	sdelay $0x4  }
0x16d: {  	[tilespmem:s24+$0x8100] =	vst v0  }
0x16e: {  	v0 =	vld [tilespmem:s21+$0xFFFFFF90];
	_ =	sdelay $0x4  }
0x16f: {  	[tilespmem:s24+$0x8110] =	vst v0  }
0x170: {  	v0 =	vld [tilespmem:s21+$0xFFFFFFA0];
	_ =	sdelay $0x4  }
0x171: {  	[tilespmem:s24+$0x8120] =	vst v0  }
0x172: {  	v0 =	vld [tilespmem:s21+$0xFFFFFFB0];
	_ =	sdelay $0x4  }
0x173: {  	[tilespmem:s24+$0x8130] =	vst v0  }
0x174: {  	v0 =	vld [tilespmem:s21+$0x0];
	_ =	sdelay $0x4  }
0x175: {  	[tilespmem:s24+$0x84C0] =	vst v0  }
0x176: {  	v0 =	vld [tilespmem:s21+$0x10];
	_ =	sdelay $0x4  }
0x177: {  	[tilespmem:s24+$0x84D0] =	vst v0  }
0x178: {  	v0 =	vld [tilespmem:s21+$0x20];
	_ =	sdelay $0x4  }
0x179: {  	[tilespmem:s24+$0x84E0] =	vst v0  }
0x17a: {  	v0 =	vld [tilespmem:s21+$0x30];
	_ =	sdelay $0x4  }
0x17b: {  	[tilespmem:s24+$0x84F0] =	vst v0  }
0x17c: {  	v0 =	vld [tilespmem:s21+$0x80];
	_ =	sdelay $0x4  }
0x17d: {  	[tilespmem:s24+$0x8500] =	vst v0  }
0x17e: {  	v0 =	vld [tilespmem:s21+$0x90];
	_ =	sdelay $0x4  }
0x17f: {  	[tilespmem:s24+$0x8510] =	vst v0  }
0x180: {  	v0 =	vld [tilespmem:s21+$0xA0];
	_ =	sdelay $0x4  }
0x181: {  	[tilespmem:s24+$0x8520] =	vst v0  }
0x182: {  	v0 =	vld [tilespmem:s21+$0xB0];
	_ =	sdelay $0x4  }
0x183: {  	[tilespmem:s24+$0x8530] =	vst v0  }
0x184: {  	v0 =	vld [tilespmem:s21+$0x100];
	_ =	sdelay $0x4  }
0x185: {  	[tilespmem:s24+$0x88C0] =	vst v0  }
0x186: {  	v0 =	vld [tilespmem:s21+$0x110];
	_ =	sdelay $0x4  }
0x187: {  	[tilespmem:s24+$0x88D0] =	vst v0  }
0x188: {  	v0 =	vld [tilespmem:s21+$0x120];
	_ =	sdelay $0x4  }
0x189: {  	[tilespmem:s24+$0x88E0] =	vst v0  }
0x18a: {  	v0 =	vld [tilespmem:s21+$0x130];
	_ =	sdelay $0x4  }
0x18b: {  	[tilespmem:s24+$0x88F0] =	vst v0  }
0x18c: {  	v0 =	vld [tilespmem:s21+$0x180];
	_ =	sdelay $0x4  }
0x18d: {  	[tilespmem:s24+$0x8900] =	vst v0  }
0x18e: {  	v0 =	vld [tilespmem:s21+$0x190];
	_ =	sdelay $0x4  }
0x18f: {  	[tilespmem:s24+$0x8910] =	vst v0  }
0x190: {  	v0 =	vld [tilespmem:s21+$0x1A0];
	_ =	sdelay $0x4  }
0x191: {  	[tilespmem:s24+$0x8920] =	vst v0  }
0x192: {  	v0 =	vld [tilespmem:s21+$0x1B0];
	_ =	sdelay $0x4  }
0x193: {  	[tilespmem:s24+$0x8930] =	vst v0  }
0x194: {  	v0 =	vld [tilespmem:s21+$0x200];
	_ =	sdelay $0x4  }
0x195: {  	[tilespmem:s24+$0x8CC0] =	vst v0  }
0x196: {  	v0 =	vld [tilespmem:s21+$0x210];
	_ =	sdelay $0x4  }
0x197: {  	[tilespmem:s24+$0x8CD0] =	vst v0  }
0x198: {  	v0 =	vld [tilespmem:s21+$0x220];
	_ =	sdelay $0x4  }
0x199: {  	[tilespmem:s24+$0x8CE0] =	vst v0  }
0x19a: {  	v0 =	vld [tilespmem:s21+$0x230];
	_ =	sdelay $0x4  }
0x19b: {  	[tilespmem:s24+$0x8CF0] =	vst v0  }
0x19c: {  	v0 =	vld [tilespmem:s21+$0x280];
	_ =	sdelay $0x4  }
0x19d: {  	[tilespmem:s24+$0x8D00] =	vst v0  }
0x19e: {  	v0 =	vld [tilespmem:s21+$0x290];
	_ =	sdelay $0x4  }
0x19f: {  	[tilespmem:s24+$0x8D10] =	vst v0  }
0x1a0: {  	v0 =	vld [tilespmem:s21+$0x2A0];
	_ =	sdelay $0x4  }
0x1a1: {  	[tilespmem:s24+$0x8D20] =	vst v0  }
0x1a2: {  	v0 =	vld [tilespmem:s21+$0x2B0];
	_ =	sdelay $0x4  }
0x1a3: {  	[tilespmem:s24+$0x8D30] =	vst v0  }
0x1a4: {  	v0 =	vld [tilespmem:s21+$0x300];
	_ =	sdelay $0x4  }
0x1a5: {  	[tilespmem:s24+$0x90C0] =	vst v0  }
0x1a6: {  	v0 =	vld [tilespmem:s21+$0x310];
	_ =	sdelay $0x4  }
0x1a7: {  	[tilespmem:s24+$0x90D0] =	vst v0  }
0x1a8: {  	v0 =	vld [tilespmem:s21+$0x320];
	_ =	sdelay $0x4  }
0x1a9: {  	[tilespmem:s24+$0x90E0] =	vst v0  }
0x1aa: {  	v0 =	vld [tilespmem:s21+$0x330];
	_ =	sdelay $0x4  }
0x1ab: {  	[tilespmem:s24+$0x90F0] =	vst v0  }
0x1ac: {  	v0 =	vld [tilespmem:s21+$0x380];
	_ =	sdelay $0x4  }
0x1ad: {  	[tilespmem:s24+$0x9100] =	vst v0  }
0x1ae: {  	v0 =	vld [tilespmem:s21+$0x390];
	_ =	sdelay $0x4  }
0x1af: {  	[tilespmem:s24+$0x9110] =	vst v0  }
0x1b0: {  	v0 =	vld [tilespmem:s21+$0x3A0];
	_ =	sdelay $0x4  }
0x1b1: {  	[tilespmem:s24+$0x9120] =	vst v0  }
0x1b2: {  	v0 =	vld [tilespmem:s21+$0x3B0];
	_ =	sdelay $0x1  }
.Ltmp1:
0x1b3: {  	(pc) =	sbr.rel @p0 .LBB2_5-.Ltmp1, $3  }
0x1b4: {  	_ =	sdelay $0x1  }
0x1b5: {  	s21 =	sadd.s32 $0x800, s21;
	[tilespmem:s24+$0x9130] =	vst v0  }
0x1b6: {  	s23 =	sadd.s32 $0x200, s23;
	v0 =	vld [tilespmem:s21+$0xFFFFFC00]  }
0x1b7: {  	_ =	sdelay $0x2  }
0x1b8: {  	s22 =	sshra.s32 s22, $0x2  }
0x1b9: {  	[tilespmem:s22+$0x74C0] =	vst v0  }
0x1ba: {  	v0 =	vld [tilespmem:s21+$0xFFFFFC10];
	_ =	sdelay $0x4  }
0x1bb: {  	[tilespmem:s22+$0x74D0] =	vst v0  }
0x1bc: {  	v0 =	vld [tilespmem:s21+$0xFFFFFC20];
	_ =	sdelay $0x4  }
0x1bd: {  	[tilespmem:s22+$0x74E0] =	vst v0  }
0x1be: {  	v0 =	vld [tilespmem:s21+$0xFFFFFC30];
	_ =	sdelay $0x4  }
0x1bf: {  	[tilespmem:s22+$0x74F0] =	vst v0  }
0x1c0: {  	v0 =	vld [tilespmem:s21+$0xFFFFFC80];
	_ =	sdelay $0x4  }
0x1c1: {  	[tilespmem:s22+$0x7500] =	vst v0  }
0x1c2: {  	v0 =	vld [tilespmem:s21+$0xFFFFFC90];
	_ =	sdelay $0x4  }
0x1c3: {  	[tilespmem:s22+$0x7510] =	vst v0  }
0x1c4: {  	v0 =	vld [tilespmem:s21+$0xFFFFFCA0];
	_ =	sdelay $0x4  }
0x1c5: {  	[tilespmem:s22+$0x7520] =	vst v0  }
0x1c6: {  	v0 =	vld [tilespmem:s21+$0xFFFFFCB0];
	_ =	sdelay $0x4  }
0x1c7: {  	[tilespmem:s22+$0x7530] =	vst v0  }
0x1c8: {  	v0 =	vld [tilespmem:s21+$0xFFFFFD00];
	_ =	sdelay $0x4  }
0x1c9: {  	[tilespmem:s22+$0x78C0] =	vst v0  }
0x1ca: {  	v0 =	vld [tilespmem:s21+$0xFFFFFD10];
	_ =	sdelay $0x4  }
0x1cb: {  	[tilespmem:s22+$0x78D0] =	vst v0  }
0x1cc: {  	v0 =	vld [tilespmem:s21+$0xFFFFFD20];
	_ =	sdelay $0x4  }
0x1cd: {  	[tilespmem:s22+$0x78E0] =	vst v0  }
0x1ce: {  	v0 =	vld [tilespmem:s21+$0xFFFFFD30];
	_ =	sdelay $0x4  }
0x1cf: {  	[tilespmem:s22+$0x78F0] =	vst v0  }
0x1d0: {  	v0 =	vld [tilespmem:s21+$0xFFFFFD80];
	_ =	sdelay $0x4  }
0x1d1: {  	[tilespmem:s22+$0x7900] =	vst v0  }
0x1d2: {  	v0 =	vld [tilespmem:s21+$0xFFFFFD90];
	_ =	sdelay $0x4  }
0x1d3: {  	[tilespmem:s22+$0x7910] =	vst v0  }
0x1d4: {  	v0 =	vld [tilespmem:s21+$0xFFFFFDA0];
	_ =	sdelay $0x4  }
0x1d5: {  	[tilespmem:s22+$0x7920] =	vst v0  }
0x1d6: {  	v0 =	vld [tilespmem:s21+$0xFFFFFDB0];
	_ =	sdelay $0x4  }
0x1d7: {  	[tilespmem:s22+$0x7930] =	vst v0  }
0x1d8: {  	v0 =	vld [tilespmem:s21+$0xFFFFFE00];
	_ =	sdelay $0x4  }
0x1d9: {  	[tilespmem:s22+$0x7CC0] =	vst v0  }
0x1da: {  	v0 =	vld [tilespmem:s21+$0xFFFFFE10];
	_ =	sdelay $0x4  }
0x1db: {  	[tilespmem:s22+$0x7CD0] =	vst v0  }
0x1dc: {  	v0 =	vld [tilespmem:s21+$0xFFFFFE20];
	_ =	sdelay $0x4  }
0x1dd: {  	[tilespmem:s22+$0x7CE0] =	vst v0  }
0x1de: {  	v0 =	vld [tilespmem:s21+$0xFFFFFE30];
	_ =	sdelay $0x4  }
0x1df: {  	[tilespmem:s22+$0x7CF0] =	vst v0  }
0x1e0: {  	v0 =	vld [tilespmem:s21+$0xFFFFFE80];
	_ =	sdelay $0x4  }
0x1e1: {  	[tilespmem:s22+$0x7D00] =	vst v0  }
0x1e2: {  	v0 =	vld [tilespmem:s21+$0xFFFFFE90];
	_ =	sdelay $0x4  }
0x1e3: {  	[tilespmem:s22+$0x7D10] =	vst v0  }
0x1e4: {  	v0 =	vld [tilespmem:s21+$0xFFFFFEA0];
	_ =	sdelay $0x4  }
0x1e5: {  	[tilespmem:s22+$0x7D20] =	vst v0  }
0x1e6: {  	v0 =	vld [tilespmem:s21+$0xFFFFFEB0];
	_ =	sdelay $0x4  }
0x1e7: {  	[tilespmem:s22+$0x7D30] =	vst v0  }
0x1e8: {  	v0 =	vld [tilespmem:s21+$0xFFFFFF00];
	_ =	sdelay $0x4  }
0x1e9: {  	[tilespmem:s22+$0x80C0] =	vst v0  }
0x1ea: {  	v0 =	vld [tilespmem:s21+$0xFFFFFF10];
	_ =	sdelay $0x4  }
0x1eb: {  	[tilespmem:s22+$0x80D0] =	vst v0  }
0x1ec: {  	v0 =	vld [tilespmem:s21+$0xFFFFFF20];
	_ =	sdelay $0x4  }
0x1ed: {  	[tilespmem:s22+$0x80E0] =	vst v0  }
0x1ee: {  	v0 =	vld [tilespmem:s21+$0xFFFFFF30];
	_ =	sdelay $0x4  }
0x1ef: {  	[tilespmem:s22+$0x80F0] =	vst v0  }
0x1f0: {  	v0 =	vld [tilespmem:s21+$0xFFFFFF80];
	_ =	sdelay $0x4  }
0x1f1: {  	[tilespmem:s22+$0x8100] =	vst v0  }
0x1f2: {  	v0 =	vld [tilespmem:s21+$0xFFFFFF90];
	_ =	sdelay $0x4  }
0x1f3: {  	[tilespmem:s22+$0x8110] =	vst v0  }
0x1f4: {  	v0 =	vld [tilespmem:s21+$0xFFFFFFA0];
	_ =	sdelay $0x4  }
0x1f5: {  	[tilespmem:s22+$0x8120] =	vst v0  }
0x1f6: {  	v0 =	vld [tilespmem:s21+$0xFFFFFFB0];
	_ =	sdelay $0x4  }
0x1f7: {  	[tilespmem:s22+$0x8130] =	vst v0  }
0x1f8: {  	v0 =	vld [tilespmem:s21+$0x0];
	_ =	sdelay $0x4  }
0x1f9: {  	[tilespmem:s22+$0x84C0] =	vst v0  }
0x1fa: {  	v0 =	vld [tilespmem:s21+$0x10];
	_ =	sdelay $0x4  }
0x1fb: {  	[tilespmem:s22+$0x84D0] =	vst v0  }
0x1fc: {  	v0 =	vld [tilespmem:s21+$0x20];
	_ =	sdelay $0x4  }
0x1fd: {  	[tilespmem:s22+$0x84E0] =	vst v0  }
0x1fe: {  	v0 =	vld [tilespmem:s21+$0x30];
	_ =	sdelay $0x4  }
0x1ff: {  	[tilespmem:s22+$0x84F0] =	vst v0  }
0x200: {  	v0 =	vld [tilespmem:s21+$0x80];
	_ =	sdelay $0x4  }
0x201: {  	[tilespmem:s22+$0x8500] =	vst v0  }
0x202: {  	v0 =	vld [tilespmem:s21+$0x90];
	_ =	sdelay $0x4  }
0x203: {  	[tilespmem:s22+$0x8510] =	vst v0  }
0x204: {  	v0 =	vld [tilespmem:s21+$0xA0];
	_ =	sdelay $0x4  }
0x205: {  	[tilespmem:s22+$0x8520] =	vst v0  }
0x206: {  	v0 =	vld [tilespmem:s21+$0xB0];
	_ =	sdelay $0x4  }
0x207: {  	[tilespmem:s22+$0x8530] =	vst v0  }
0x208: {  	v0 =	vld [tilespmem:s21+$0x100];
	_ =	sdelay $0x4  }
0x209: {  	[tilespmem:s22+$0x88C0] =	vst v0  }
0x20a: {  	v0 =	vld [tilespmem:s21+$0x110];
	_ =	sdelay $0x4  }
0x20b: {  	[tilespmem:s22+$0x88D0] =	vst v0  }
0x20c: {  	v0 =	vld [tilespmem:s21+$0x120];
	_ =	sdelay $0x4  }
0x20d: {  	[tilespmem:s22+$0x88E0] =	vst v0  }
0x20e: {  	v0 =	vld [tilespmem:s21+$0x130];
	_ =	sdelay $0x4  }
0x20f: {  	[tilespmem:s22+$0x88F0] =	vst v0  }
0x210: {  	v0 =	vld [tilespmem:s21+$0x180];
	_ =	sdelay $0x4  }
0x211: {  	[tilespmem:s22+$0x8900] =	vst v0  }
0x212: {  	v0 =	vld [tilespmem:s21+$0x190];
	_ =	sdelay $0x4  }
0x213: {  	[tilespmem:s22+$0x8910] =	vst v0  }
0x214: {  	v0 =	vld [tilespmem:s21+$0x1A0];
	_ =	sdelay $0x4  }
0x215: {  	[tilespmem:s22+$0x8920] =	vst v0  }
0x216: {  	v0 =	vld [tilespmem:s21+$0x1B0];
	_ =	sdelay $0x4  }
0x217: {  	[tilespmem:s22+$0x8930] =	vst v0  }
0x218: {  	v0 =	vld [tilespmem:s21+$0x200];
	_ =	sdelay $0x4  }
0x219: {  	[tilespmem:s22+$0x8CC0] =	vst v0  }
0x21a: {  	v0 =	vld [tilespmem:s21+$0x210];
	_ =	sdelay $0x4  }
0x21b: {  	[tilespmem:s22+$0x8CD0] =	vst v0  }
0x21c: {  	v0 =	vld [tilespmem:s21+$0x220];
	_ =	sdelay $0x4  }
0x21d: {  	[tilespmem:s22+$0x8CE0] =	vst v0  }
0x21e: {  	v0 =	vld [tilespmem:s21+$0x230];
	_ =	sdelay $0x4  }
0x21f: {  	[tilespmem:s22+$0x8CF0] =	vst v0  }
0x220: {  	v0 =	vld [tilespmem:s21+$0x280];
	_ =	sdelay $0x4  }
0x221: {  	[tilespmem:s22+$0x8D00] =	vst v0  }
0x222: {  	v0 =	vld [tilespmem:s21+$0x290];
	_ =	sdelay $0x4  }
0x223: {  	[tilespmem:s22+$0x8D10] =	vst v0  }
0x224: {  	v0 =	vld [tilespmem:s21+$0x2A0];
	_ =	sdelay $0x4  }
0x225: {  	[tilespmem:s22+$0x8D20] =	vst v0  }
0x226: {  	v0 =	vld [tilespmem:s21+$0x2B0];
	_ =	sdelay $0x4  }
0x227: {  	[tilespmem:s22+$0x8D30] =	vst v0  }
0x228: {  	v0 =	vld [tilespmem:s21+$0x300];
	_ =	sdelay $0x4  }
0x229: {  	[tilespmem:s22+$0x90C0] =	vst v0  }
0x22a: {  	v0 =	vld [tilespmem:s21+$0x310];
	_ =	sdelay $0x4  }
0x22b: {  	[tilespmem:s22+$0x90D0] =	vst v0  }
0x22c: {  	v0 =	vld [tilespmem:s21+$0x320];
	_ =	sdelay $0x4  }
0x22d: {  	[tilespmem:s22+$0x90E0] =	vst v0  }
0x22e: {  	v0 =	vld [tilespmem:s21+$0x330];
	_ =	sdelay $0x4  }
0x22f: {  	[tilespmem:s22+$0x90F0] =	vst v0  }
0x230: {  	v0 =	vld [tilespmem:s21+$0x380];
	_ =	sdelay $0x4  }
0x231: {  	[tilespmem:s22+$0x9100] =	vst v0  }
0x232: {  	v0 =	vld [tilespmem:s21+$0x390];
	_ =	sdelay $0x4  }
0x233: {  	[tilespmem:s22+$0x9110] =	vst v0  }
0x234: {  	v0 =	vld [tilespmem:s21+$0x3A0];
	_ =	sdelay $0x4  }
0x235: {  	[tilespmem:s22+$0x9120] =	vst v0  }
0x236: {  	v0 =	vld [tilespmem:s21+$0x3B0];
	_ =	sdelay $0x1  }
0x237: {  	s20 =	sadd.s32 s9, s20  }
0x238: {  	s20 =	sshll.u32 s20, $0xA  }
0x239: {  	s20 =	sand.u32 $0x1FFFFC00, s20  }
0x23a: {  	s19 =	sadd.s32 $0x1, s19;
	s20 =	sadd.s32 s3, s20;
	[tilespmem:s22+$0x9130] =	vst v0  }
0x23b: {  	[hbm4b:s20+s4] =	stream.linear.scatter [tilespmem:s16], [sflag:$0x3], $0x2000, $0x38;
	[tilespmem:$0xA100] =	vst v63  }
0x23c: {  	p0 =	sne.s32 s19, $0x12;
	_ =	swait.ge [sflag:s11], $0x2000  }
.Ltmp2:
0x23d: {  	[sflag:s11] =	ssyncset.done $0x0;
	(pc) =	sbr.rel @p0 .LBB2_2-.Ltmp2, $4  }
0x23e: {  	[sflag:s11] =	ssyncadd.s32 $0xFFFFE000  }
0x23f: {  	_ =	swait.ge [sflag:s14], $0x4000  }
0x240: {  	[sflag:s14] =	ssyncset.done $0x0  }
0x241: {  	[sflag:s14] =	ssyncadd.s32 $0xFFFFC000  }
0x242: {  	s18 =	sadd.s32 $0x1, s18  }
0x243: {  	p0 =	sne.s32 s18, s10  }
.Ltmp3:
0x244: {  	_ = 	snop;
	(pc) =	sbr.rel @p0 .LBB2_1-.Ltmp3, $1  }
0x245: {  	_ =	sdelay $0x3  }
0x246: {  	_ =	sfence.sel $0x180000  }
0x247: {  	[bflag:$0x0] =	sbarrier.arrive $0xFFFF  }
0x248: {  	p0 =	sne.s32 s0, $0x0;
	_ =	strace $0x9000004A  }
0x249: {  	s0 =	sadd.s32 @!p0 $0x100000, s1;
	[bflag:$0x2] =	sbarrier.arrive $0xFFFF  }
0x24a: {  	[sflag:s0] =	ssyncadd.tile.s32 @!p0 $0x1;
	_ =	shalt  }
.Lfunc_end2:
_tile_overlayer_lowered:
.L_overlay_start_2:
0x24b: {  	(tag) =	ssettag $0x2  }
0x24c: {  	s0 =	rddreg [dreg:$0x0];
	s2 =	stileid.u32  }
0x24d: {  	s1 =	rddreg [dreg:$0x1];
	p0 =	sne.s32 s2, $0x0  }
0x24e: {  	s3 =	rddreg [dreg:$0x2];
	[bflag:$0x3] =	sbarrier.arrive $0xFFFF;
	s2 =	simm.s32 @!p0 $0x1C03  }
0x24f: {  	[timem:s3], [sflag:s2] =	dma.local @!p0 [hbm:s0], s1  }
0x250: {  	s0 =	simm.s32 @!p0 $0x3  }
0x251: {  	_ =	swait.ge @!p0 [sflag:s0], s1  }
0x252: {  	s1 =	ssub.s32 @!p0 $0x0, s1;
	[sflag:s0] =	ssyncset.done @!p0 $0x0  }
0x253: {  	[sflag:s0] =	ssyncadd.s32 @!p0 s1  }
0x254: {  	[bflag:$0x3] =	sbarrier.arrive $0xFFFF  }
0x255: {  	_ =	shalt  }

// kernel: sparse-core-data-format-call.cloned.1.call-start
scs
called_computation_lowered:
.L_overlay_start_0:
0x0: {  	s1 =	sld [smem:$0x3FD9]  }
0x1: {  	s2 =	sld [smem:$0x3FFE];
	_ =	sdelay $0x1  }
0x2: {  	s3 =	srdreg.scid  }
0x3: {  	s0 =	sand.u32 $0x1, s3  }
0x4: {  	s17 =	sshll.u32 s0, $0xA;
	s1 =	sadd.s32 s2, s1  }
0x5: {  	s1 =	sadd.s32 s1, s17  }
0x6: {  	[smem:$0x3FC6] =	sst s1  }
0x7: {  	_ = 	snop  }
0x8: {  	(tm) =	ssettm $0x1  }
0x9: {  	s18 =	sld [smem:$0x3FFB];
	_ =	sdelay $0x3  }
0xa: {  	_ =	strace s18  }
0xb: {  	s1 =	sld [smem:$0x3FFC];
	_ =	sdelay $0x3  }
0xc: {  	_ =	strace s1  }
0xd: {  	s1 =	sld [smem:$0x3FFD];
	_ =	sdelay $0x3  }
0xe: {  	_ =	strace s1  }
0xf: {  	_ =	strace $0x8FFFFFFF  }
0x10: {  	s19 =	sld [smem:$0x3FDB];
	_ =	sdelay $0x1  }
0x11: {  	s20 =	simm.s32 $_scs_section_size  }
0x12: {  	s4 =	simm.s32 $_size__tile_overlayer_lowered;
	s5 =	simm.s32 $_tile_overlayer_lowered  }
0x13: {  	s23 =	simm.s32 $0x1BFF;
	s22 =	sshll.u32 s5, $0x1;
	s1 =	sadd.s32 s20, s19  }
0x14: {  	s6 =	simm.s32 $0x0;
	s21 =	sshll.u32 s4, $0x1;
	s4 =	sadd.s32 s22, s1  }
0x15: {  	[timem:s6], [sflag:s23] =	dma.local [hbm:s4], s21  }
0x16: {  	_ =	swait.ge [sflag:s23], s21  }
0x17: {  	s2 =	ssub.s32 $0x0, s21;
	[sflag:s23] =	ssyncset.done $0x0  }
0x18: {  	[sflag:s23] =	ssyncadd.s32 s2;
	_ =	sdelay $0x1  }
0x19: {  	s24 =	simm.s32 $0x1B8B  }
0x1a: {  	_ =	swait.ge [sflag:s24], $0x1  }
0x1b: {  	[sflag:s24] =	ssyncset.done $0x0  }
0x1c: {  	s26 =	simm.s32 $0x1B8E;
	s25 =	sld [smem:$0x3FFE];
	[sflag:s24] =	ssyncadd.s32 $0xFFFFFFFF  }
0x1d: {  	s27 =	simm.s32 $execute0_lowered;
	[smem:$0x3FD2] =	sst s26  }
0x1e: {  	s4 =	sshll.u32 s27, $0x1;
	_ =	strace $0x80000046;
	[dreg:$0x1] =	wrdreg $0xFFFFFFFF  }
0x1f: {  	s28 =	simm.s32 $_size_execute0_lowered;
	s1 =	sadd.s32 s1, s4;
	[dreg:$0x0] =	wrdreg $0x0  }
0x20: {  	s4 =	sshll.u32 s28, $0x1;
	[dreg:$0x2] =	wrdreg s1  }
0x21: {  	[dreg:$0x3] =	wrdreg s4  }
0x22: {  	[dreg:$0x4] =	wrdreg $0xC0  }
0x23: {  	_ =	task [dreg:s6], $0x5FFFF  }
0x24: {  	[dreg:$0x1] =	wrdreg $0xFFFFFFFF  }
0x25: {  	[dreg:$0x0] =	wrdreg $0x60  }
0x26: {  	[dreg:$0x2] =	wrdreg s25  }
0x27: {  	[dreg:$0x3] =	wrdreg $0x9  }
0x28: {  	_ =	task.clear_ibuf [dreg:s6], $0x4FFFF;
	_ =	strace $0x90000046  }
0x29: {  	s29 =	simm.s32 $0x9;
	_ =	strace $0x80000048  }
0x2a: {  	_ =	swait.ge [sflag:s29], $0x1  }
0x2b: {  	[sflag:s29] =	ssyncadd.s32 $0xFFFFFFFF  }
0x2c: {  	_ =	strace $0x90000048  }
0x2d: {  	_ =	sfence  }
0x2e: {  	s30 =	sld [smem:$0x0];
	_ =	sdelay $0x2  }
0x2f: {  	s31 =	sshll.u32 s3, $0xD;
	s3 =	sshrl.u32 s3, $0x2  }
0x30: {  	s2 =	sand.u32 $0x4000, s31;
	s1 =	sadd.s32 s3, s30  }
0x31: {  	s0 =	sor.u32 s2, s0;
	s1 =	sshll.u32 s1, $0x11  }
0x32: {  	s0 =	sor.u32 s1, s0  }
0x33: {  	s0 =	sadd.s32 $0x8F2B, s0  }
0x34: {  	[sflag:s0] =	ssyncadd.remote.s32 $0x1  }
0x35: {  	_ =	sfence.sel $0xFFFF  }
0x36: {  	[dreg:$0x0] =	wrdreg $0xFFFFFFFF;
	(pc) =	sbr.abs _section_cstart, $3  }
0x37: {  	[dreg:$0x1] =	wrdreg $0xFFFFFFFF  }
0x38: {  	_ =	task.clear_ibuf [dreg:s6], $0x2FFFF;
	_ =	strace $0x9FFFFFFF  }
0x39: {  	(tm) =	ssettm $0x7FFFFFFF  }
tec
execute0_lowered:
.L_overlay_start_1:
0x0: {  	(tag) =	ssettag $0x1  }
0x1: {  	s0 =	stileid.u32  }
0x2: {  	s1 =	srdreg.scid;
	s2 =	rddreg [dreg:$0x0];
	s31 =	simm.s32 $0x2  }
0x3: {  	s14 =	simm.s32 $0x0;
	s13 =	simm.s32 $0x0;
	s12 =	simm.s32 $0x0  }
0x4: {  	s3 =	sshll.u32 s0, $0x7;
	s4 =	sshll.u32 s0, $0x4;
	s1 =	sshll.u32 s1, $0x8  }
0x5: {  	s3 =	sand.u32 $0x380, s3;
	s4 =	sor.u32 s4, s1;
	s1 =	rddreg [dreg:$0x1]  }
0x6: {  	_ =	strace $0x80000047;
	s4 =	sand.u32 $0x180, s4;
	s5 =	ssub.s32 $0x400, s3  }
0x7: {  	s6 =	sand.u32 $0x380, s5;
	s7 =	ssub.s32 $0x2400, s4;
	s9 =	sshrl.u32 s5, $0xA  }
0x8: {  	p0 =	sne.s32 s6, $0x0;
	s6 =	simm.s32 $0x1;
	s8 =	sand.u32 $0x180, s7  }
0x9: {  	s6 =	simm.s32 @!p0 $0x0;
	p0 =	sne.s32 s8, $0x0;
	s8 =	simm.s32 $0x1  }
.Ltmp0:
0xa: {  	s7 =	sshrl.u32 s7, $0x9;
	s8 =	simm.s32 @!p0 $0x0;
	(pc) =	sbr.rel .LBB1_1-.Ltmp0, $4  }
0xb: {  	s5 =	simm.s32 $0x1;
	s6 =	sadd.s32 s6, s9;
	s7 =	sadd.s32 s8, s7  }
0xc: {  	s11 =	smov.u32 s3;
	[sflag:s5] =	ssyncpa.u1 $0x0;
	s6 =	smul.u32 s6, s7  }
0xd: {  	s10 =	smov.u32 s4;
	[sflag:s31] =	ssyncpa.u1 $0x0;
	p0 =	por $0x0, $0x0  }
0xe: {  	s9 =	simm.s32 $0x2000;
	s7 =	sadd.s32 $0x120000, s2;
	s8 =	sadd.s32 $0x1, s6  }
.LBB1_4:
0xf: {  	v5 =	vld [tilespmem:s18+$0xFFFFFFD0];
	[tilespmem:s17+$0x2040 ss:$0x81] =	vst.msk $0xffff, v4;
	s20 =	sshll.u32 s14, $0xA;
	s21 =	sshll.u32 s13, $0x3  }
0x10: {  	v58 =	vld [tilespmem:s18+$0xFFFFFFE0];
	[tilespmem:s17+$0x2850 ss:$0x81] =	vst.msk $0xffff, v3;
	s20 =	sand.u32 $0xFFFFE000, s20;
	s21 =	sand.u32 $0xFFFFFC00, s21  }
0x11: {  	s19 =	sshra.s32 s19, $0x2;
	v59 =	vld [tilespmem:s18+$0xFFFFFFF0];
	[tilespmem:s17+$0x3060 ss:$0x81] =	vst.msk $0xffff, v2;
	s20 =	sadd.s32 s21, s20  }
0x12: {  	v60 =	vld [tilespmem:s18+$0x0];
	[tilespmem:s17+$0x0 ss:$0x81] =	vst.msk $0xffff, v0;
	s16 =	sadd.s32 s19, s16;
	s26 =	sshrl.u32 s20, $0xA  }
0x13: {  	v61 =	vld [tilespmem:s18+$0x10];
	[tilespmem:s16+$0x3870 ss:$0x81] =	vst.msk $0xffff, v1;
	s27 =	smulhi.u32 $0x38E38F, s26  }
0x14: {  	v62 =	vld [tilespmem:s18+$0x20];
	[tilespmem:s16+$0x810 ss:$0x81] =	vst.msk $0xffff, v5  }
0x15: {  	v63 =	vld [tilespmem:s18+$0xFFFFFFC0];
	s28 =	sshll.u32 s14, $0x7;
	[tilespmem:s16+$0x1020 ss:$0x81] =	vst.msk $0xffff, v58;
	s29 =	sshrl.u32 s27, $0x3  }
0x16: {  	s30 =	sand.u32 $0x78, s13;
	s14 =	sand.u32 $0x380, s28;
	[tilespmem:s16+$0x1830 ss:$0x81] =	vst.msk $0xffff, v59;
	s18 =	smul.u32 $0x2400, s29  }
0x17: {  	s14 =	sor.u32 s30, s14;
	[tilespmem:s16+$0x2040 ss:$0x81] =	vst.msk $0xffff, v60  }
0x18: {  	s31 =	sand.u32 $0x7, s13;
	s14 =	sshrl.u32 s14, $0x3;
	[tilespmem:s16+$0x2850 ss:$0x81] =	vst.msk $0xffff, v61;
	s17 =	ssub.s32 s26, s18  }
0x19: {  	s13 =	sshll.u32 s31, $0x12;
	s14 =	sadd.s32 s7, s14;
	[tilespmem:s16+$0x3060 ss:$0x81] =	vst.msk $0xffff, v62;
	s17 =	sshll.u32 s17, $0x7  }
0x1a: {  	s13 =	sor.u32 $0x400, s13;
	[tilespmem:s16+$0x0 ss:$0x81] =	vst.msk $0xffff, v63;
	s14 =	sadd.s32 s17, s14  }
0x1b: {  	[hbm4b:s14+s13] =	stream.strided.scatter [tilespmem:s15], [sflag:$0x2], $0x4000, s9, s13, $0x20;
	[tilespmem:$0x10100] =	vst v63  }
.LBB1_5:
0x1c: {  	s15 =	sadd.s32 $0x200, s10  }
0x1d: {  	s13 =	sadd.s32 $0x400, s11;
	s17 =	smov.u32 s11;
	p2 =	sgt.s32 s15, $0x23FF  }
0x1e: {  	s17 =	smov.u32 @p2 s13  }
0x1f: {  	s15 =	smov.u32 @p2 s4;
	p2 =	sgt.s32 s17, $0x3FF  }
0x20: {  	s17 =	smov.u32 @p2 s3;
	p2 =	sne.s32 s12, s8  }
.Ltmp1:
0x21: {  	p1 =	slt.u32 s12, $0x2;
	(pc) =	sbr.rel @!p2 .LBB1_6-.Ltmp1, $4  }
0x22: {  	s16 =	simm.s32 @!p1 $0x2  }
0x23: {  	s14 =	smov.u32 s10;
	p0 =	por !p0, !p0;
	_ =	swait.ge @!p1 [sflag:s16], $0x4000  }
0x24: {  	s13 =	smov.u32 s11;
	[sflag:s16] =	ssyncset.done @!p1 $0x0;
	s10 =	smov.u32 s15  }
0x25: {  	s12 =	sadd.s32 $0x1, s12;
	[sflag:s16] =	ssyncadd.s32 @!p1 $0xFFFFC000;
	s11 =	smov.u32 s17  }
.LBB1_1:
0x26: {  	p1 =	sge.u32 s12, s6  }
0x27: {  	s15 =	sshrl.u32 @!p1 s11, $0x3  }
0x28: {  	s16 =	sshll.u32 @!p1 s10, $0x3;
	s17 =	sshll.u32 @!p1 s11, $0x7;
	s15 =	smul.u32 @!p1 $0x12000, s15  }
0x29: {  	s18 =	sand.u32 @!p1 $0x7F, s10;
	s16 =	sand.u32 @!p1 $0xFFFFFC00, s16;
	s17 =	sand.u32 @!p1 $0x380, s17  }
0x2a: {  	s15 =	sadd.s32 @!p1 s15, s16;
	s16 =	sor.u32 @!p1 s18, s17  }
0x2b: {  	s16 =	sor.u32 @!p1 s15, s16  }
0x2c: {  	s17 =	smulhi.u32 @!p1 $0x38E38E39, s16;
	_ =	sdelay $0x1  }
0x2d: {  	s15 =	smulhi.u32 @!p1 $0x38E38E39, s15;
	s17 =	sshrl.u32 @!p1 s17, $0xB  }
0x2e: {  	s17 =	smul.u32 @!p1 $0x2400, s17  }
0x2f: {  	s31 =	sadd.s32 $0xFFFFFFFF, s12;
	s18 =	sxor.u32 @!p1 $0xFFFFFFFF, s12;
	s15 =	sshrl.u32 @!p1 s15, $0xB  }
0x30: {  	s18 =	sshll.u32 @!p1 s18, $0xE;
	s15 =	sand.u32 @!p1 $0x3FF, s15;
	s16 =	ssub.s32 @!p1 s16, s17  }
0x31: {  	s15 =	smul.u32 @!p1 $0x480, s15;
	s17 =	sshrl.u32 @!p1 s16, $0x3;
	s16 =	sand.u32 @!p1 $0x7, s16  }
0x32: {  	s18 =	sand.u32 @!p1 $0x4000, s18;
	s17 =	sadd.s32 @!p1 s2, s17;
	s16 =	sshll.u32 @!p1 s16, $0x12  }
0x33: {  	s15 =	sadd.s32 @!p1 s15, s17;
	s16 =	sor.u32 @!p1 $0x400, s16;
	s17 =	simm.s32 @!p1 $0x12000  }
0x34: {  	[tilespmem:s18], [sflag:$0x1] =	stream.strided.gather @!p1 [hbm4b:s15+s16], $0x4000, s17, s16, $0x38;
	[tilespmem:$0x10100] =	vst v63  }
0x35: {  	p1 =	sge.u32 s31, s6  }
.Ltmp2:
0x36: {  	_ = 	snop;
	(pc) =	sbr.rel @p1 .LBB1_5-.Ltmp2, $1  }
0x37: {  	_ =	sdelay $0x3  }
0x38: {  	s15 =	simm.s32 $0x1  }
0x39: {  	_ =	swait.ge [sflag:s5], $0x4000;
	s15 =	simm.s32 @!p0 $0x0  }
0x3a: {  	[sflag:s5] =	ssyncset.done $0x0;
	s16 =	sshll.u32 s15, $0xE  }
0x3b: {  	[sflag:s5] =	ssyncadd.s32 $0xFFFFC000;
	s18 =	sor.u32 $0x40, s16  }
0x3c: {  	s15 =	smul.u32 $0x10200, s15;
	v0 =	vld [tilespmem:s18+$0x30]  }
0x3d: {  	v1 =	vld [tilespmem:s18+$0xFFFFFFD0]  }
0x3e: {  	s15 =	sshrl.u32 s15, $0x2;
	v5 =	vld [tilespmem:s18+$0xFFFFFFE0]  }
0x3f: {  	v6 =	vld [tilespmem:s18+$0xFFFFFFF0];
	s16 =	sor.u32 $0x8000, s15  }
0x40: {  	s31 =	sand.u32 $0x1, s12;
	v4 =	vld [tilespmem:s18+$0x0];
	s17 =	sadd.s32 $0x0, s16  }
0x41: {  	v3 =	vld [tilespmem:s18+$0x10];
	s15 =	smul.u32 $0x10200, s31;
	[tilespmem:s17+$0x3870 ss:$0x81] =	vst.msk $0xffff, v0  }
0x42: {  	v2 =	vld [tilespmem:s18+$0x20];
	[tilespmem:s17+$0x810 ss:$0x81] =	vst.msk $0xffff, v1  }
0x43: {  	s15 =	sshrl.u32 s15, $0x2;
	v0 =	vld [tilespmem:s18+$0xFFFFFFC0];
	[tilespmem:s17+$0x1020 ss:$0x81] =	vst.msk $0xffff, v5;
	s18 =	sadd.s32 $0x80, s18  }
0x44: {  	s19 =	simm.s32 $0x4;
	s20 =	simm.s32 $0x8;
	s15 =	sor.u32 $0x8000, s15;
	[tilespmem:s17+$0x1830 ss:$0x81] =	vst.msk $0xffff, v6;
	v1 =	vld [tilespmem:s18+$0x30]  }
.LBB1_3:
0x45: {  	p1 =	sne.s32 s20, $0x1FC;
	v5 =	vld [tilespmem:s18+$0xFFFFFFD0];
	[tilespmem:s17+$0x2040 ss:$0x81] =	vst.msk $0xffff, v4  }
0x46: {  	v6 =	vld [tilespmem:s18+$0xFFFFFFE0];
	[tilespmem:s17+$0x2850 ss:$0x81] =	vst.msk $0xffff, v3  }
0x47: {  	s21 =	sshra.s32 s19, $0x2;
	s19 =	smov.u32 s20;
	v7 =	vld [tilespmem:s18+$0xFFFFFFF0];
	[tilespmem:s17+$0x3060 ss:$0x81] =	vst.msk $0xffff, v2  }
.Ltmp3:
0x48: {  	v4 =	vld [tilespmem:s18+$0x0];
	[tilespmem:s17+$0x0 ss:$0x81] =	vst.msk $0xffff, v0;
	s17 =	sadd.s32 s21, s16;
	(pc) =	sbr.rel @p1 .LBB1_3-.Ltmp3, $4  }
0x49: {  	v3 =	vld [tilespmem:s18+$0x10];
	[tilespmem:s17+$0x3870 ss:$0x81] =	vst.msk $0xffff, v1  }
0x4a: {  	[tilespmem:s17+$0x810 ss:$0x81] =	vst.msk $0xffff, v5;
	v2 =	vld [tilespmem:s18+$0x20]  }
0x4b: {  	v0 =	vld [tilespmem:s18+$0xFFFFFFC0];
	[tilespmem:s17+$0x1020 ss:$0x81] =	vst.msk $0xffff, v6;
	s18 =	sadd.s32 $0x80, s18  }
0x4c: {  	s20 =	sadd.s32 $0x4, s20;
	v1 =	vld [tilespmem:s18+$0x30];
	[tilespmem:s17+$0x1830 ss:$0x81] =	vst.msk $0xffff, v7  }
.Ltmp4:
0x4d: {  	_ = 	snop;
	(pc) =	sbr.rel .LBB1_4-.Ltmp4, $1  }
0x4e: {  	_ =	sdelay $0x3  }
.LBB1_6:
0x4f: {  	_ =	sfence.sel $0x180000  }
0x50: {  	s2 =	simm.s32 $0x1;
	[bflag:$0x0] =	sbarrier.arrive $0xFFFF  }
0x51: {  	s31 =	simm.s32 $0x2;
	[sflag:s2] =	ssyncpa.u1 $0x1  }
0x52: {  	[sflag:s31] =	ssyncpa.u1 $0x1  }
0x53: {  	p0 =	sne.s32 s0, $0x0;
	_ =	strace $0x90000047  }
0x54: {  	s0 =	sadd.s32 @!p0 $0x100000, s1;
	[bflag:$0x2] =	sbarrier.arrive $0xFFFF  }
0x55: {  	[sflag:s0] =	ssyncadd.tile.s32 @!p0 $0x1;
	_ =	shalt  }
.Lfunc_end1:
_tile_overlayer_lowered:
.L_overlay_start_2:
0x56: {  	(tag) =	ssettag $0x2  }
0x57: {  	s0 =	rddreg [dreg:$0x0];
	s2 =	stileid.u32  }
0x58: {  	s1 =	rddreg [dreg:$0x1];
	p0 =	sne.s32 s2, $0x0  }
0x59: {  	s3 =	rddreg [dreg:$0x2];
	[bflag:$0x3] =	sbarrier.arrive $0xFFFF;
	s2 =	simm.s32 @!p0 $0x1C01  }
0x5a: {  	[timem:s3], [sflag:s2] =	dma.local @!p0 [hbm:s0], s1  }
0x5b: {  	s0 =	simm.s32 @!p0 $0x1  }
0x5c: {  	_ =	swait.ge @!p0 [sflag:s0], s1  }
0x5d: {  	s1 =	ssub.s32 @!p0 $0x0, s1;
	[sflag:s0] =	ssyncset.done @!p0 $0x0  }
0x5e: {  	[sflag:s0] =	ssyncadd.s32 @!p0 s1  }
0x5f: {  	[bflag:$0x3] =	sbarrier.arrive $0xFFFF  }
0x60: {  	_ =	shalt  }

</sc_bundles>
